<compile_context>
chip_gen: v7x
topology: tpu7x:2x2x1
jax: 0.10.2.dev20260603
libtpu: 0.0.44.dev20260713+nightly
codegen_flags: <defaults>
</compile_context>

<pallas_src>
import functools

import jax
import jax.numpy as jnp
from jax import lax
from jax.experimental import pallas as pl
from jax.experimental.pallas import tpu as pltpu
from jax.experimental.pallas import tpu_sc as plsc

N = 10000
E = 160000
D = 256
DH = 128
NT = 32
ETY = 8
B = 64
RT = N * ETY

NC = 2
NS = 16
EP = 163840
EPW = EP // 32
EPT = EP // NS
K = 128
CH = EPT // K
NA = N + 16
ZR = 40
WB = 1000
PC = 1024


def _vec_mesh():
    return plsc.VectorSubcoreMesh(core_axis_name="c", subcore_axis_name="s")


@functools.partial(
    pl.kernel,
    out_type=jax.ShapeDtypeStruct((EP,), jnp.int32),
    mesh=_vec_mesh(),
    scratch_types=[
        pltpu.VMEM((PC,), jnp.int32),
        pltpu.VMEM((PC,), jnp.int32),
        pltpu.VMEM((PC,), jnp.int32),
    ],
)
def _prep(src_hbm, et_hbm, o_hbm, src_v, et_v, o_v):
    c = lax.axis_index("c")
    s = lax.axis_index("s")
    base = (s * NC + c) * EPW
    for i in range(EPW // PC):
        b = base + i * PC
        pltpu.sync_copy(src_hbm.at[pl.ds(b, PC)], src_v)
        pltpu.sync_copy(et_hbm.at[pl.ds(b, PC)], et_v)

        def body(j, _):
            sv = src_v[pl.ds(j * 16, 16)]
            ev = et_v[pl.ds(j * 16, 16)]
            o_v[pl.ds(j * 16, 16)] = sv * ETY + ev
            return 0

        lax.fori_loop(0, PC // 16, body, 0)
        pltpu.sync_copy(o_v, o_hbm.at[pl.ds(b, PC)])


@functools.partial(
    pl.kernel,
    out_type=jax.ShapeDtypeStruct((NC, N, DH), jnp.float32),
    mesh=_vec_mesh(),
    scratch_types=[
        pltpu.VMEM_SHARED((NA, DH), jnp.float32),
        pltpu.VMEM((CH, K), jnp.int32),
        pltpu.VMEM((CH, K), jnp.int32),
        pltpu.VMEM((K, DH), jnp.float32),
        pltpu.VMEM((ZR, DH), jnp.float32),
        pltpu.SemaphoreType.DMA,
    ],
)
def _edge_pass(table_hbm, idx_hbm, dst_hbm, out_hbm,
               acc, idx_v, dst_v, rows, zbuf, sem):
    c = lax.axis_index("c")
    s = lax.axis_index("s")

    def zrow(i, _):
        def zcol(j, _):
            zbuf[i, pl.ds(j * 16, 16)] = jnp.zeros((16,), jnp.float32)
            return 0
        lax.fori_loop(0, DH // 16, zcol, 0)
        return 0
    lax.fori_loop(0, ZR, zrow, 0)

    @pl.when(s < 10)
    def _():
        for z in range(WB // ZR):
            pltpu.sync_copy(zbuf, acc.at[pl.ds(s * WB + z * ZR, ZR)])

    @pl.when(s == 10)
    def _():
        pltpu.sync_copy(zbuf.at[pl.ds(0, NA - N)], acc.at[pl.ds(N, NA - N)])

    pltpu.sync_copy(idx_hbm.at[pl.ds(s * CH, CH)], idx_v)
    pltpu.sync_copy(dst_hbm.at[pl.ds(s * CH, CH)], dst_v)
    off = c * RT

    def orow(i, _):
        def ocol(j, _):
            idx_v[i, pl.ds(j * 16, 16)] = idx_v[i, pl.ds(j * 16, 16)] + off
            return 0
        lax.fori_loop(0, K // 16, ocol, 0)
        return 0
    lax.fori_loop(0, CH, orow, 0)
    plsc.subcore_barrier()

    def chunk(j, _):
        pltpu.async_copy(table_hbm.at[idx_v.at[j]], rows, sem).wait()
        pltpu.sync_copy(rows, acc.at[dst_v.at[j]], add=True)
        return 0
    lax.fori_loop(0, CH, chunk, 0)

    plsc.subcore_barrier()

    @pl.when(s < 10)
    def _():
        pltpu.sync_copy(acc.at[pl.ds(s * WB, WB)],
                        out_hbm.at[c, pl.ds(s * WB, WB)])


_dot = functools.partial(jnp.dot, preferred_element_type=jnp.float32,
                         precision=lax.Precision.HIGHEST)
NB = 1000
TB = NB * ETY


def _onehot_rows(nt_ref):
    nt = nt_ref[0, 0, :]
    return (nt[:, None] == lax.broadcasted_iota(jnp.int32, (NB, NT), 1)
            ).astype(jnp.float32)


def _build1_body(nt_ref, ntab_ref, wm1_ref, etab_ref, t1_ref):
    a1 = _dot(ntab_ref[...], wm1_ref[...])
    hw1 = _dot(_onehot_rows(nt_ref), a1)
    t1 = jax.nn.relu(hw1[:, None, :] + etab_ref[...][None, :, :])
    t1 = t1.reshape(TB, D)
    t1_ref[0] = t1[:, :DH]
    t1_ref[1] = t1[:, DH:]


def _build1(nt3, node_table, W_msg1, edge_table):
    return pl.pallas_call(
        _build1_body,
        grid=(N // NB,),
        in_specs=[
            pl.BlockSpec((1, 1, NB), lambda i: (i, 0, 0)),
            pl.BlockSpec((NT, D), lambda i: (0, 0)),
            pl.BlockSpec((D, D), lambda i: (0, 0)),
            pl.BlockSpec((ETY, D), lambda i: (0, 0)),
        ],
        out_specs=pl.BlockSpec((NC, TB, DH), lambda i: (0, i, 0)),
        out_shape=jax.ShapeDtypeStruct((NC, RT, DH), jnp.float32),
    )(nt3, node_table, W_msg1, edge_table)


def _dense1_body(nt_ref, agg_ref, ntab_ref, ws1_ref, wa1_ref, wm2_ref, etab_ref,
                 h1_ref, t2_ref):
    s1 = _dot(ntab_ref[...], ws1_ref[...])
    h0w = _dot(_onehot_rows(nt_ref), s1)
    agg = agg_ref[...]
    wa1 = wa1_ref[...]
    aggwa = (_dot(agg[0], wa1[:DH, :])
             + _dot(agg[1], wa1[DH:, :]))
    h1 = jax.nn.relu(h0w + aggwa)
    h1_ref[...] = h1
    hw2 = _dot(h1, wm2_ref[...])
    t2 = jax.nn.relu(hw2[:, None, :] + etab_ref[...][None, :, :])
    t2 = t2.reshape(TB, D)
    t2_ref[0] = t2[:, :DH]
    t2_ref[1] = t2[:, DH:]


def _dense1(nt3, agg1, node_table, W_self1, W_agg1, W_msg2, edge_table):
    return pl.pallas_call(
        _dense1_body,
        grid=(N // NB,),
        in_specs=[
            pl.BlockSpec((1, 1, NB), lambda i: (i, 0, 0)),
            pl.BlockSpec((NC, NB, DH), lambda i: (0, i, 0)),
            pl.BlockSpec((NT, D), lambda i: (0, 0)),
            pl.BlockSpec((D, D), lambda i: (0, 0)),
            pl.BlockSpec((D, D), lambda i: (0, 0)),
            pl.BlockSpec((D, D), lambda i: (0, 0)),
            pl.BlockSpec((ETY, D), lambda i: (0, 0)),
        ],
        out_specs=[
            pl.BlockSpec((NB, D), lambda i: (i, 0)),
            pl.BlockSpec((NC, TB, DH), lambda i: (0, i, 0)),
        ],
        out_shape=[
            jax.ShapeDtypeStruct((N, D), jnp.float32),
            jax.ShapeDtypeStruct((NC, RT, DH), jnp.float32),
        ],
    )(nt3, agg1, node_table, W_self1, W_agg1, W_msg2, edge_table)


def _dense2_body(h1_ref, agg_ref, ws2_ref, wa2_ref, wout_ref, b_ref,
                 tgt_ref, lab_ref, out_ref, zacc_ref):
    i = pl.program_id(0)
    h1 = h1_ref[...]
    agg = agg_ref[...]
    wa2 = wa2_ref[...]
    h2 = jax.nn.relu(
        _dot(h1, ws2_ref[...])
        + _dot(agg[0], wa2[:DH, :])
        + _dot(agg[1], wa2[DH:, :]))
    s = _dot(h2, wout_ref[...])
    ga = lax.broadcasted_iota(jnp.int32, (B, 8), 0)
    gb = lax.broadcasted_iota(jnp.int32, (B, 8), 1)
    rsel = (ga // 8 == gb).astype(jnp.float32)
    csel = (ga % 8 == gb).astype(jnp.float32)
    tflat = jnp.sum(_dot(rsel, tgt_ref[...].astype(jnp.float32)) * csel,
                    axis=1, keepdims=True)
    oh = (tflat.astype(jnp.int32) - i * NB
          == lax.broadcasted_iota(jnp.int32, (B, NB), 1))
    zpart = _dot(oh.astype(jnp.float32), s)

    @pl.when(i == 0)
    def _():
        zacc_ref[...] = jnp.zeros((B, 1), jnp.float32)

    zacc_ref[...] += zpart

    @pl.when(i == N // NB - 1)
    def _():
        lab = jnp.sum(_dot(rsel, lab_ref[...]) * csel,
                      axis=1, keepdims=True)
        z = zacc_ref[...] + b_ref[...]
        p = jax.nn.sigmoid(z)
        loss = (-lab * jnp.log(p + 1e-18)
                - (1.0 - lab) * jnp.log(1.0 - p + 1e-18))
        out_ref[...] = jnp.mean(loss).reshape(1, 1)


def _dense2(h1, agg2, W_self2, W_agg2, W_out, b2, tgt, lab):
    return pl.pallas_call(
        _dense2_body,
        grid=(N // NB,),
        in_specs=[
            pl.BlockSpec((NB, D), lambda i: (i, 0)),
            pl.BlockSpec((NC, NB, DH), lambda i: (0, i, 0)),
            pl.BlockSpec((D, D), lambda i: (0, 0)),
            pl.BlockSpec((D, D), lambda i: (0, 0)),
            pl.BlockSpec((D, 1), lambda i: (0, 0)),
            pl.BlockSpec((1, 1), lambda i: (0, 0)),
            pl.BlockSpec((8, 8), lambda i: (0, 0)),
            pl.BlockSpec((8, 8), lambda i: (0, 0)),
        ],
        out_specs=pl.BlockSpec((1, 1), lambda i: (0, 0)),
        out_shape=jax.ShapeDtypeStruct((1, 1), jnp.float32),
        scratch_shapes=[pltpu.VMEM((B, 1), jnp.float32)],
    )(h1, agg2, W_self2, W_agg2, W_out, b2, tgt, lab)


def kernel(node_types, edge_index, edge_types, target_idx, label,
           node_table, edge_table,
           W_msg1, W_self1, W_agg1, W_msg2, W_self2, W_agg2,
           W_out, b_out):
    nt = node_types.astype(jnp.int32)
    src = edge_index[0].astype(jnp.int32)
    dst = edge_index[1].astype(jnp.int32)
    et = edge_types.astype(jnp.int32)

    pad = EP - E
    src_p = jnp.concatenate([src, jnp.zeros((pad,), jnp.int32)])
    et_p = jnp.concatenate([et, jnp.zeros((pad,), jnp.int32)])
    dst_p = jnp.concatenate([dst, jnp.full((pad,), N, jnp.int32)])

    nt3 = nt.reshape(N // NB, 1, NB)
    idx = _prep(src_p, et_p)
    t1 = _build1(nt3, node_table, W_msg1, edge_table)

    idx2 = idx.reshape(NS * CH, K)
    dst2 = dst_p.reshape(NS * CH, K)
    agg1 = _edge_pass(t1.reshape(NC * RT, DH), idx2, dst2)

    h1, t2 = _dense1(nt3, agg1, node_table, W_self1, W_agg1, W_msg2, edge_table)

    agg2 = _edge_pass(t2.reshape(NC * RT, DH), idx2, dst2)

    loss = _dense2(h1, agg2, W_self2, W_agg2, W_out,
                   b_out.reshape(1, 1).astype(jnp.float32),
                   target_idx.astype(jnp.int32).reshape(8, 8),
                   label.astype(jnp.float32).reshape(8, 8))
    return loss[0, 0]

# --- scband reference (transcript-rebuilt; emitter-appended) ---
"""Pipeline reference for scband-gnn-binary-50869592653862 (READ-ONLY COPY).

The authoritative reference and input builder live on the scoring server;
editing this copy changes nothing except your own understanding.
"""

import jax, jax.numpy as jnp
import numpy as np

N_NODES = 10000
N_EDGES = 160000
D = 256
N_NODE_TYPES = 32
N_EDGE_TYPES = 8
N_GRAPHS = 64


def setup_inputs(seed: int = 0) -> dict:
    key = jax.random.key(seed)
    ks = jax.random.split(key, 16)
    node_types = jax.random.randint(ks[0], (N_NODES,), 0, N_NODE_TYPES, dtype=jnp.int64 if jax.config.jax_enable_x64 else jnp.int32)
    edge_index = jax.random.randint(ks[1], (2, N_EDGES), 0, N_NODES)
    edge_types = jax.random.randint(ks[2], (N_EDGES,), 0, N_EDGE_TYPES)
    target_idx = jax.random.randint(ks[3], (N_GRAPHS,), 0, N_NODES)
    label = (jax.random.uniform(ks[4], (N_GRAPHS,)) < 0.5).astype(jnp.float32)
    s = 1.0 / np.sqrt(D)
    node_table = jax.random.normal(ks[5], (N_NODE_TYPES, D), dtype=jnp.float32) * 0.1
    edge_table = jax.random.normal(ks[6], (N_EDGE_TYPES, D), dtype=jnp.float32) * 0.1
    W_msg1 = jax.random.normal(ks[7], (D, D), dtype=jnp.float32) * s
    W_self1 = jax.random.normal(ks[8], (D, D), dtype=jnp.float32) * s
    W_agg1 = jax.random.normal(ks[9], (D, D), dtype=jnp.float32) * s
    W_msg2 = jax.random.normal(ks[10], (D, D), dtype=jnp.float32) * s
    W_self2 = jax.random.normal(ks[11], (D, D), dtype=jnp.float32) * s
    W_agg2 = jax.random.normal(ks[12], (D, D), dtype=jnp.float32) * s
    W_out = jax.random.normal(ks[13], (D, 1), dtype=jnp.float32) * s
    b_out = jnp.zeros((1,), dtype=jnp.float32)
    return {
        'node_types': node_types, 'edge_index': edge_index, 'edge_types': edge_types,
        'target_idx': target_idx, 'label': label,
        'node_table': node_table, 'edge_table': edge_table,
        'W_msg1': W_msg1, 'W_self1': W_self1, 'W_agg1': W_agg1,
        'W_msg2': W_msg2, 'W_self2': W_self2, 'W_agg2': W_agg2,
        'W_out': W_out, 'b_out': b_out,
    }


def reference(node_types, edge_index, edge_types, target_idx, label,
              node_table, edge_table,
              W_msg1, W_self1, W_agg1, W_msg2, W_self2, W_agg2,
              W_out, b_out):
    # GNN: typed-node embedding init, 2 rounds of typed-edge message passing
    h = jnp.take(node_table, node_types, axis=0)  # [N, D]
    src = edge_index[0]
    dst = edge_index[1]
    e_feat = jnp.take(edge_table, edge_types, axis=0)  # [E, D]
    for (Wm, Ws, Wa) in ((W_msg1, W_self1, W_agg1), (W_msg2, W_self2, W_agg2)):
        msg = jax.nn.relu(jnp.take(h, src, axis=0) @ Wm + e_feat)  # [E, D]
        agg = jax.ops.segment_sum(msg, dst, num_segments=h.shape[0])  # [N, D]
        h = jax.nn.relu(h @ Ws + agg @ Wa)
    # select target node per graph (flattened disjoint union)
    target_embed = jnp.take(h, target_idx, axis=0)  # [B, D]
    logits = target_embed @ W_out + b_out  # [B, 1]
    prob = jax.nn.sigmoid(logits)
    lab = label.reshape(prob.shape)
    loss = -lab * jnp.log(prob + 1e-18) - (1.0 - lab) * jnp.log(1.0 - prob + 1e-18)
    return jnp.mean(loss)

if __name__ == "__main__":
    import jax
    _d = setup_inputs()
    print(jax.jit(kernel)(*tuple(_d.values())))

</pallas_src>

<mosaic_0001>
#map = affine_map<(d0, d1) -> (0)>
module attributes {stable_mosaic.version = 14 : i64} {
  func.func @_prep(%arg0: i32, %arg1: i32, %arg2: memref<163840xi32, #tpu.memory_space<hbm>>, %arg3: memref<163840xi32, #tpu.memory_space<hbm>>, %arg4: memref<163840xi32, #tpu.memory_space<hbm>>, %arg5: memref<1024xi32, #tpu.memory_space<vmem>>, %arg6: memref<1024xi32, #tpu.memory_space<vmem>>, %arg7: memref<1024xi32, #tpu.memory_space<vmem>>) attributes {dimension_semantics = [#tpu.dimension_semantics<core_parallel>, #tpu.dimension_semantics<subcore_parallel>], iteration_bounds = array<i64: 2, 16>, scalar_prefetch = 0 : i64, scratch_operands = 3 : i64, tpu.core_type = #tpu.core_type<sc_vector_subcore>, window_params = [{transform_indices = #map}, {transform_indices = #map}, {transform_indices = #map}]} {
    %mul3A = arith.constant 2 : i32
    %mul3A_0 = arith.muli %arg1, %mul3A : i32
    %add3A = arith.addi %mul3A_0, %arg0 : i32
    %mul3A_1 = arith.constant 5120 : i32
    %mul3A_2 = arith.muli %add3A, %mul3A_1 : i32
    %add3A_3 = arith.constant 0 : i32
    %add3A_4 = arith.addi %mul3A_2, %add3A_3 : i32
    "tpu.region"() ({
      %run_scoped3A = tpu.sem_alloc : memref<!tpu.dma_semaphore, #tpu.memory_space<semaphore_mem>>
      %dma_start3A = tpu.memref_slice %arg2[%add3A_4] : memref<163840xi32, #tpu.memory_space<hbm>> -> memref<1024xi32, #tpu.memory_space<hbm>>
      %dma_start3A_47 = tpu.memref_slice %arg2[%add3A_4] : memref<163840xi32, #tpu.memory_space<hbm>> -> memref<1024xi32, #tpu.memory_space<hbm>>
      tpu.enqueue_dma source(%dma_start3A_47 : memref<1024xi32, #tpu.memory_space<hbm>>) target(%arg5 : memref<1024xi32, #tpu.memory_space<vmem>>) target_semaphore(%run_scoped3A : memref<!tpu.dma_semaphore, #tpu.memory_space<semaphore_mem>>)
      %dma_wait3A = tpu.memref_slice %arg2[%add3A_4] : memref<163840xi32, #tpu.memory_space<hbm>> -> memref<1024xi32, #tpu.memory_space<hbm>>
      %dma_wait3A_48 = tpu.memref_slice %arg2[%add3A_4] : memref<163840xi32, #tpu.memory_space<hbm>> -> memref<1024xi32, #tpu.memory_space<hbm>>
      tpu.wait_dma2 semaphore(%run_scoped3A : memref<!tpu.dma_semaphore, #tpu.memory_space<semaphore_mem>>) src(%dma_wait3A_48 : memref<1024xi32, #tpu.memory_space<hbm>>) dst(%arg5 : memref<1024xi32, #tpu.memory_space<vmem>>)
      tpu.yield
    }) : () -> ()
    "tpu.region"() ({
      %run_scoped3A = tpu.sem_alloc : memref<!tpu.dma_semaphore, #tpu.memory_space<semaphore_mem>>
      %dma_start3A = tpu.memref_slice %arg3[%add3A_4] : memref<163840xi32, #tpu.memory_space<hbm>> -> memref<1024xi32, #tpu.memory_space<hbm>>
      %dma_start3A_47 = tpu.memref_slice %arg3[%add3A_4] : memref<163840xi32, #tpu.memory_space<hbm>> -> memref<1024xi32, #tpu.memory_space<hbm>>
      tpu.enqueue_dma source(%dma_start3A_47 : memref<1024xi32, #tpu.memory_space<hbm>>) target(%arg6 : memref<1024xi32, #tpu.memory_space<vmem>>) target_semaphore(%run_scoped3A : memref<!tpu.dma_semaphore, #tpu.memory_space<semaphore_mem>>)
      %dma_wait3A = tpu.memref_slice %arg3[%add3A_4] : memref<163840xi32, #tpu.memory_space<hbm>> -> memref<1024xi32, #tpu.memory_space<hbm>>
      %dma_wait3A_48 = tpu.memref_slice %arg3[%add3A_4] : memref<163840xi32, #tpu.memory_space<hbm>> -> memref<1024xi32, #tpu.memory_space<hbm>>
      tpu.wait_dma2 semaphore(%run_scoped3A : memref<!tpu.dma_semaphore, #tpu.memory_space<semaphore_mem>>) src(%dma_wait3A_48 : memref<1024xi32, #tpu.memory_space<hbm>>) dst(%arg6 : memref<1024xi32, #tpu.memory_space<vmem>>)
      tpu.yield
    }) : () -> ()
    %scan3A = arith.constant 0 : i32
    %scan3A_5 = arith.constant 0 : i32
    %scan3A_6 = arith.constant 64 : i32
    %scan3A_7 = arith.addi %scan3A_5, %scan3A_6 : i32
    %scan3A_8 = arith.constant 1 : i32
    %scan3A_9 = scf.for %scan3A_47 = %scan3A_5 to %scan3A_7 step %scan3A_8 iter_args(%scan3A_48 = %scan3A) -> (i32)  : i32 {
      %mul3A_49 = arith.constant 16 : i32
      %mul3A_50 = arith.muli %scan3A_47, %mul3A_49 : i32
      %get3A = arith.index_cast %mul3A_50 : i32 to index
      %get3A_51 = tpu.vector_load %arg5[%get3A] {strides = array<i32>} : memref<1024xi32, #tpu.memory_space<vmem>>, vector<16xi32>,
      %get3A_52 = vector.shape_cast %get3A_51 : vector<16xi32> to vector<16xi32>
      %mul3A_53 = arith.constant 16 : i32
      %mul3A_54 = arith.muli %scan3A_47, %mul3A_53 : i32
      %get3A_55 = arith.index_cast %mul3A_54 : i32 to index
      %get3A_56 = tpu.vector_load %arg6[%get3A_55] {strides = array<i32>} : memref<1024xi32, #tpu.memory_space<vmem>>, vector<16xi32>,
      %get3A_57 = vector.shape_cast %get3A_56 : vector<16xi32> to vector<16xi32>
      %mul3A_58 = arith.constant 8 : i32
      %mul3A_59 = vector.broadcast %mul3A_58 : i32 to vector<16xi32>
      %mul3A_60 = arith.muli %get3A_52, %mul3A_59 : vector<16xi32>
      %add3A_61 = arith.addi %mul3A_60, %get3A_57 : vector<16xi32>
      %mul3A_62 = arith.constant 16 : i32
      %mul3A_63 = arith.muli %scan3A_47, %mul3A_62 : i32
      %swap3A = arith.index_cast %mul3A_63 : i32 to index
      %swap3A_64 = tpu.vector_load %arg7[%swap3A] {strides = array<i32>} : memref<1024xi32, #tpu.memory_space<vmem>>, vector<16xi32>,
      %swap3A_65 = vector.shape_cast %swap3A_64 : vector<16xi32> to vector<16xi32>
      %swap3A_66 = vector.shape_cast %add3A_61 : vector<16xi32> to vector<16xi32>
      tpu.vector_store %arg7[%swap3A], %swap3A_66 {strides = array<i32>} : memref<1024xi32, #tpu.memory_space<vmem>>, vector<16xi32>,
      %scan3A_67 = arith.constant 0 : i32
      scf.yield %scan3A_67 : i32
    }
    %scan3A_10 = arith.constant 64 : i32
    "tpu.region"() ({
      %run_scoped3A = tpu.sem_alloc : memref<!tpu.dma_semaphore, #tpu.memory_space<semaphore_mem>>
      %dma_start3A = tpu.memref_slice %arg4[%add3A_4] : memref<163840xi32, #tpu.memory_space<hbm>> -> memref<1024xi32, #tpu.memory_space<hbm>>
      %dma_start3A_47 = tpu.memref_slice %arg4[%add3A_4] : memref<163840xi32, #tpu.memory_space<hbm>> -> memref<1024xi32, #tpu.memory_space<hbm>>
      tpu.enqueue_dma source(%arg7 : memref<1024xi32, #tpu.memory_space<vmem>>) target(%dma_start3A_47 : memref<1024xi32, #tpu.memory_space<hbm>>) target_semaphore(%run_scoped3A : memref<!tpu.dma_semaphore, #tpu.memory_space<semaphore_mem>>)
      %dma_wait3A = tpu.memref_slice %arg4[%add3A_4] : memref<163840xi32, #tpu.memory_space<hbm>> -> memref<1024xi32, #tpu.memory_space<hbm>>
      %dma_wait3A_48 = tpu.memref_slice %arg4[%add3A_4] : memref<163840xi32, #tpu.memory_space<hbm>> -> memref<1024xi32, #tpu.memory_space<hbm>>
      tpu.wait_dma2 semaphore(%run_scoped3A : memref<!tpu.dma_semaphore, #tpu.memory_space<semaphore_mem>>) src(%arg7 : memref<1024xi32, #tpu.memory_space<vmem>>) dst(%dma_wait3A_48 : memref<1024xi32, #tpu.memory_space<hbm>>)
      tpu.yield
    }) : () -> ()
    %add3A_11 = arith.constant 1024 : i32
    %add3A_12 = arith.addi %mul3A_2, %add3A_11 : i32
    "tpu.region"() ({
      %run_scoped3A = tpu.sem_alloc : memref<!tpu.dma_semaphore, #tpu.memory_space<semaphore_mem>>
      %dma_start3A = tpu.memref_slice %arg2[%add3A_12] : memref<163840xi32, #tpu.memory_space<hbm>> -> memref<1024xi32, #tpu.memory_space<hbm>>
      %dma_start3A_47 = tpu.memref_slice %arg2[%add3A_12] : memref<163840xi32, #tpu.memory_space<hbm>> -> memref<1024xi32, #tpu.memory_space<hbm>>
      tpu.enqueue_dma source(%dma_start3A_47 : memref<1024xi32, #tpu.memory_space<hbm>>) target(%arg5 : memref<1024xi32, #tpu.memory_space<vmem>>) target_semaphore(%run_scoped3A : memref<!tpu.dma_semaphore, #tpu.memory_space<semaphore_mem>>)
      %dma_wait3A = tpu.memref_slice %arg2[%add3A_12] : memref<163840xi32, #tpu.memory_space<hbm>> -> memref<1024xi32, #tpu.memory_space<hbm>>
      %dma_wait3A_48 = tpu.memref_slice %arg2[%add3A_12] : memref<163840xi32, #tpu.memory_space<hbm>> -> memref<1024xi32, #tpu.memory_space<hbm>>
      tpu.wait_dma2 semaphore(%run_scoped3A : memref<!tpu.dma_semaphore, #tpu.memory_space<semaphore_mem>>) src(%dma_wait3A_48 : memref<1024xi32, #tpu.memory_space<hbm>>) dst(%arg5 : memref<1024xi32, #tpu.memory_space<vmem>>)
      tpu.yield
    }) : () -> ()
    "tpu.region"() ({
      %run_scoped3A = tpu.sem_alloc : memref<!tpu.dma_semaphore, #tpu.memory_space<semaphore_mem>>
      %dma_start3A = tpu.memref_slice %arg3[%add3A_12] : memref<163840xi32, #tpu.memory_space<hbm>> -> memref<1024xi32, #tpu.memory_space<hbm>>
      %dma_start3A_47 = tpu.memref_slice %arg3[%add3A_12] : memref<163840xi32, #tpu.memory_space<hbm>> -> memref<1024xi32, #tpu.memory_space<hbm>>
      tpu.enqueue_dma source(%dma_start3A_47 : memref<1024xi32, #tpu.memory_space<hbm>>) target(%arg6 : memref<1024xi32, #tpu.memory_space<vmem>>) target_semaphore(%run_scoped3A : memref<!tpu.dma_semaphore, #tpu.memory_space<semaphore_mem>>)
      %dma_wait3A = tpu.memref_slice %arg3[%add3A_12] : memref<163840xi32, #tpu.memory_space<hbm>> -> memref<1024xi32, #tpu.memory_space<hbm>>
      %dma_wait3A_48 = tpu.memref_slice %arg3[%add3A_12] : memref<163840xi32, #tpu.memory_space<hbm>> -> memref<1024xi32, #tpu.memory_space<hbm>>
      tpu.wait_dma2 semaphore(%run_scoped3A : memref<!tpu.dma_semaphore, #tpu.memory_space<semaphore_mem>>) src(%dma_wait3A_48 : memref<1024xi32, #tpu.memory_space<hbm>>) dst(%arg6 : memref<1024xi32, #tpu.memory_space<vmem>>)
      tpu.yield
    }) : () -> ()
    %scan3A_13 = arith.constant 0 : i32
    %scan3A_14 = arith.constant 0 : i32
    %scan3A_15 = arith.constant 64 : i32
    %scan3A_16 = arith.addi %scan3A_14, %scan3A_15 : i32
    %scan3A_17 = arith.constant 1 : i32
    %scan3A_18 = scf.for %scan3A_47 = %scan3A_14 to %scan3A_16 step %scan3A_17 iter_args(%scan3A_48 = %scan3A_13) -> (i32)  : i32 {
      %mul3A_49 = arith.constant 16 : i32
      %mul3A_50 = arith.muli %scan3A_47, %mul3A_49 : i32
      %get3A = arith.index_cast %mul3A_50 : i32 to index
      %get3A_51 = tpu.vector_load %arg5[%get3A] {strides = array<i32>} : memref<1024xi32, #tpu.memory_space<vmem>>, vector<16xi32>,
      %get3A_52 = vector.shape_cast %get3A_51 : vector<16xi32> to vector<16xi32>
      %mul3A_53 = arith.constant 16 : i32
      %mul3A_54 = arith.muli %scan3A_47, %mul3A_53 : i32
      %get3A_55 = arith.index_cast %mul3A_54 : i32 to index
      %get3A_56 = tpu.vector_load %arg6[%get3A_55] {strides = array<i32>} : memref<1024xi32, #tpu.memory_space<vmem>>, vector<16xi32>,
      %get3A_57 = vector.shape_cast %get3A_56 : vector<16xi32> to vector<16xi32>
      %mul3A_58 = arith.constant 8 : i32
      %mul3A_59 = vector.broadcast %mul3A_58 : i32 to vector<16xi32>
      %mul3A_60 = arith.muli %get3A_52, %mul3A_59 : vector<16xi32>
      %add3A_61 = arith.addi %mul3A_60, %get3A_57 : vector<16xi32>
      %mul3A_62 = arith.constant 16 : i32
      %mul3A_63 = arith.muli %scan3A_47, %mul3A_62 : i32
      %swap3A = arith.index_cast %mul3A_63 : i32 to index
      %swap3A_64 = tpu.vector_load %arg7[%swap3A] {strides = array<i32>} : memref<1024xi32, #tpu.memory_space<vmem>>, vector<16xi32>,
      %swap3A_65 = vector.shape_cast %swap3A_64 : vector<16xi32> to vector<16xi32>
      %swap3A_66 = vector.shape_cast %add3A_61 : vector<16xi32> to vector<16xi32>
      tpu.vector_store %arg7[%swap3A], %swap3A_66 {strides = array<i32>} : memref<1024xi32, #tpu.memory_space<vmem>>, vector<16xi32>,
      %scan3A_67 = arith.constant 0 : i32
      scf.yield %scan3A_67 : i32
    }
    %scan3A_19 = arith.constant 64 : i32
    "tpu.region"() ({
      %run_scoped3A = tpu.sem_alloc : memref<!tpu.dma_semaphore, #tpu.memory_space<semaphore_mem>>
      %dma_start3A = tpu.memref_slice %arg4[%add3A_12] : memref<163840xi32, #tpu.memory_space<hbm>> -> memref<1024xi32, #tpu.memory_space<hbm>>
      %dma_start3A_47 = tpu.memref_slice %arg4[%add3A_12] : memref<163840xi32, #tpu.memory_space<hbm>> -> memref<1024xi32, #tpu.memory_space<hbm>>
      tpu.enqueue_dma source(%arg7 : memref<1024xi32, #tpu.memory_space<vmem>>) target(%dma_start3A_47 : memref<1024xi32, #tpu.memory_space<hbm>>) target_semaphore(%run_scoped3A : memref<!tpu.dma_semaphore, #tpu.memory_space<semaphore_mem>>)
      %dma_wait3A = tpu.memref_slice %arg4[%add3A_12] : memref<163840xi32, #tpu.memory_space<hbm>> -> memref<1024xi32, #tpu.memory_space<hbm>>
      %dma_wait3A_48 = tpu.memref_slice %arg4[%add3A_12] : memref<163840xi32, #tpu.memory_space<hbm>> -> memref<1024xi32, #tpu.memory_space<hbm>>
      tpu.wait_dma2 semaphore(%run_scoped3A : memref<!tpu.dma_semaphore, #tpu.memory_space<semaphore_mem>>) src(%arg7 : memref<1024xi32, #tpu.memory_space<vmem>>) dst(%dma_wait3A_48 : memref<1024xi32, #tpu.memory_space<hbm>>)
      tpu.yield
    }) : () -> ()
    %add3A_20 = arith.constant 2048 : i32
    %add3A_21 = arith.addi %mul3A_2, %add3A_20 : i32
    "tpu.region"() ({
      %run_scoped3A = tpu.sem_alloc : memref<!tpu.dma_semaphore, #tpu.memory_space<semaphore_mem>>
      %dma_start3A = tpu.memref_slice %arg2[%add3A_21] : memref<163840xi32, #tpu.memory_space<hbm>> -> memref<1024xi32, #tpu.memory_space<hbm>>
      %dma_start3A_47 = tpu.memref_slice %arg2[%add3A_21] : memref<163840xi32, #tpu.memory_space<hbm>> -> memref<1024xi32, #tpu.memory_space<hbm>>
      tpu.enqueue_dma source(%dma_start3A_47 : memref<1024xi32, #tpu.memory_space<hbm>>) target(%arg5 : memref<1024xi32, #tpu.memory_space<vmem>>) target_semaphore(%run_scoped3A : memref<!tpu.dma_semaphore, #tpu.memory_space<semaphore_mem>>)
      %dma_wait3A = tpu.memref_slice %arg2[%add3A_21] : memref<163840xi32, #tpu.memory_space<hbm>> -> memref<1024xi32, #tpu.memory_space<hbm>>
      %dma_wait3A_48 = tpu.memref_slice %arg2[%add3A_21] : memref<163840xi32, #tpu.memory_space<hbm>> -> memref<1024xi32, #tpu.memory_space<hbm>>
      tpu.wait_dma2 semaphore(%run_scoped3A : memref<!tpu.dma_semaphore, #tpu.memory_space<semaphore_mem>>) src(%dma_wait3A_48 : memref<1024xi32, #tpu.memory_space<hbm>>) dst(%arg5 : memref<1024xi32, #tpu.memory_space<vmem>>)
      tpu.yield
    }) : () -> ()
    "tpu.region"() ({
      %run_scoped3A = tpu.sem_alloc : memref<!tpu.dma_semaphore, #tpu.memory_space<semaphore_mem>>
      %dma_start3A = tpu.memref_slice %arg3[%add3A_21] : memref<163840xi32, #tpu.memory_space<hbm>> -> memref<1024xi32, #tpu.memory_space<hbm>>
      %dma_start3A_47 = tpu.memref_slice %arg3[%add3A_21] : memref<163840xi32, #tpu.memory_space<hbm>> -> memref<1024xi32, #tpu.memory_space<hbm>>
      tpu.enqueue_dma source(%dma_start3A_47 : memref<1024xi32, #tpu.memory_space<hbm>>) target(%arg6 : memref<1024xi32, #tpu.memory_space<vmem>>) target_semaphore(%run_scoped3A : memref<!tpu.dma_semaphore, #tpu.memory_space<semaphore_mem>>)
      %dma_wait3A = tpu.memref_slice %arg3[%add3A_21] : memref<163840xi32, #tpu.memory_space<hbm>> -> memref<1024xi32, #tpu.memory_space<hbm>>
      %dma_wait3A_48 = tpu.memref_slice %arg3[%add3A_21] : memref<163840xi32, #tpu.memory_space<hbm>> -> memref<1024xi32, #tpu.memory_space<hbm>>
      tpu.wait_dma2 semaphore(%run_scoped3A : memref<!tpu.dma_semaphore, #tpu.memory_space<semaphore_mem>>) src(%dma_wait3A_48 : memref<1024xi32, #tpu.memory_space<hbm>>) dst(%arg6 : memref<1024xi32, #tpu.memory_space<vmem>>)
      tpu.yield
    }) : () -> ()
    %scan3A_22 = arith.constant 0 : i32
    %scan3A_23 = arith.constant 0 : i32
    %scan3A_24 = arith.constant 64 : i32
    %scan3A_25 = arith.addi %scan3A_23, %scan3A_24 : i32
    %scan3A_26 = arith.constant 1 : i32
    %scan3A_27 = scf.for %scan3A_47 = %scan3A_23 to %scan3A_25 step %scan3A_26 iter_args(%scan3A_48 = %scan3A_22) -> (i32)  : i32 {
      %mul3A_49 = arith.constant 16 : i32
      %mul3A_50 = arith.muli %scan3A_47, %mul3A_49 : i32
      %get3A = arith.index_cast %mul3A_50 : i32 to index
      %get3A_51 = tpu.vector_load %arg5[%get3A] {strides = array<i32>} : memref<1024xi32, #tpu.memory_space<vmem>>, vector<16xi32>,
      %get3A_52 = vector.shape_cast %get3A_51 : vector<16xi32> to vector<16xi32>
      %mul3A_53 = arith.constant 16 : i32
      %mul3A_54 = arith.muli %scan3A_47, %mul3A_53 : i32
      %get3A_55 = arith.index_cast %mul3A_54 : i32 to index
      %get3A_56 = tpu.vector_load %arg6[%get3A_55] {strides = array<i32>} : memref<1024xi32, #tpu.memory_space<vmem>>, vector<16xi32>,
      %get3A_57 = vector.shape_cast %get3A_56 : vector<16xi32> to vector<16xi32>
      %mul3A_58 = arith.constant 8 : i32
      %mul3A_59 = vector.broadcast %mul3A_58 : i32 to vector<16xi32>
      %mul3A_60 = arith.muli %get3A_52, %mul3A_59 : vector<16xi32>
      %add3A_61 = arith.addi %mul3A_60, %get3A_57 : vector<16xi32>
      %mul3A_62 = arith.constant 16 : i32
      %mul3A_63 = arith.muli %scan3A_47, %mul3A_62 : i32
      %swap3A = arith.index_cast %mul3A_63 : i32 to index
      %swap3A_64 = tpu.vector_load %arg7[%swap3A] {strides = array<i32>} : memref<1024xi32, #tpu.memory_space<vmem>>, vector<16xi32>,
      %swap3A_65 = vector.shape_cast %swap3A_64 : vector<16xi32> to vector<16xi32>
      %swap3A_66 = vector.shape_cast %add3A_61 : vector<16xi32> to vector<16xi32>
      tpu.vector_store %arg7[%swap3A], %swap3A_66 {strides = array<i32>} : memref<1024xi32, #tpu.memory_space<vmem>>, vector<16xi32>,
      %scan3A_67 = arith.constant 0 : i32
      scf.yield %scan3A_67 : i32
    }
    %scan3A_28 = arith.constant 64 : i32
    "tpu.region"() ({
      %run_scoped3A = tpu.sem_alloc : memref<!tpu.dma_semaphore, #tpu.memory_space<semaphore_mem>>
      %dma_start3A = tpu.memref_slice %arg4[%add3A_21] : memref<163840xi32, #tpu.memory_space<hbm>> -> memref<1024xi32, #tpu.memory_space<hbm>>
      %dma_start3A_47 = tpu.memref_slice %arg4[%add3A_21] : memref<163840xi32, #tpu.memory_space<hbm>> -> memref<1024xi32, #tpu.memory_space<hbm>>
      tpu.enqueue_dma source(%arg7 : memref<1024xi32, #tpu.memory_space<vmem>>) target(%dma_start3A_47 : memref<1024xi32, #tpu.memory_space<hbm>>) target_semaphore(%run_scoped3A : memref<!tpu.dma_semaphore, #tpu.memory_space<semaphore_mem>>)
      %dma_wait3A = tpu.memref_slice %arg4[%add3A_21] : memref<163840xi32, #tpu.memory_space<hbm>> -> memref<1024xi32, #tpu.memory_space<hbm>>
      %dma_wait3A_48 = tpu.memref_slice %arg4[%add3A_21] : memref<163840xi32, #tpu.memory_space<hbm>> -> memref<1024xi32, #tpu.memory_space<hbm>>
      tpu.wait_dma2 semaphore(%run_scoped3A : memref<!tpu.dma_semaphore, #tpu.memory_space<semaphore_mem>>) src(%arg7 : memref<1024xi32, #tpu.memory_space<vmem>>) dst(%dma_wait3A_48 : memref<1024xi32, #tpu.memory_space<hbm>>)
      tpu.yield
    }) : () -> ()
    %add3A_29 = arith.constant 3072 : i32
    %add3A_30 = arith.addi %mul3A_2, %add3A_29 : i32
    "tpu.region"() ({
      %run_scoped3A = tpu.sem_alloc : memref<!tpu.dma_semaphore, #tpu.memory_space<semaphore_mem>>
      %dma_start3A = tpu.memref_slice %arg2[%add3A_30] : memref<163840xi32, #tpu.memory_space<hbm>> -> memref<1024xi32, #tpu.memory_space<hbm>>
      %dma_start3A_47 = tpu.memref_slice %arg2[%add3A_30] : memref<163840xi32, #tpu.memory_space<hbm>> -> memref<1024xi32, #tpu.memory_space<hbm>>
      tpu.enqueue_dma source(%dma_start3A_47 : memref<1024xi32, #tpu.memory_space<hbm>>) target(%arg5 : memref<1024xi32, #tpu.memory_space<vmem>>) target_semaphore(%run_scoped3A : memref<!tpu.dma_semaphore, #tpu.memory_space<semaphore_mem>>)
      %dma_wait3A = tpu.memref_slice %arg2[%add3A_30] : memref<163840xi32, #tpu.memory_space<hbm>> -> memref<1024xi32, #tpu.memory_space<hbm>>
      %dma_wait3A_48 = tpu.memref_slice %arg2[%add3A_30] : memref<163840xi32, #tpu.memory_space<hbm>> -> memref<1024xi32, #tpu.memory_space<hbm>>
      tpu.wait_dma2 semaphore(%run_scoped3A : memref<!tpu.dma_semaphore, #tpu.memory_space<semaphore_mem>>) src(%dma_wait3A_48 : memref<1024xi32, #tpu.memory_space<hbm>>) dst(%arg5 : memref<1024xi32, #tpu.memory_space<vmem>>)
      tpu.yield
    }) : () -> ()
    "tpu.region"() ({
      %run_scoped3A = tpu.sem_alloc : memref<!tpu.dma_semaphore, #tpu.memory_space<semaphore_mem>>
      %dma_start3A = tpu.memref_slice %arg3[%add3A_30] : memref<163840xi32, #tpu.memory_space<hbm>> -> memref<1024xi32, #tpu.memory_space<hbm>>
      %dma_start3A_47 = tpu.memref_slice %arg3[%add3A_30] : memref<163840xi32, #tpu.memory_space<hbm>> -> memref<1024xi32, #tpu.memory_space<hbm>>
      tpu.enqueue_dma source(%dma_start3A_47 : memref<1024xi32, #tpu.memory_space<hbm>>) target(%arg6 : memref<1024xi32, #tpu.memory_space<vmem>>) target_semaphore(%run_scoped3A : memref<!tpu.dma_semaphore, #tpu.memory_space<semaphore_mem>>)
      %dma_wait3A = tpu.memref_slice %arg3[%add3A_30] : memref<163840xi32, #tpu.memory_space<hbm>> -> memref<1024xi32, #tpu.memory_space<hbm>>
      %dma_wait3A_48 = tpu.memref_slice %arg3[%add3A_30] : memref<163840xi32, #tpu.memory_space<hbm>> -> memref<1024xi32, #tpu.memory_space<hbm>>
      tpu.wait_dma2 semaphore(%run_scoped3A : memref<!tpu.dma_semaphore, #tpu.memory_space<semaphore_mem>>) src(%dma_wait3A_48 : memref<1024xi32, #tpu.memory_space<hbm>>) dst(%arg6 : memref<1024xi32, #tpu.memory_space<vmem>>)
      tpu.yield
    }) : () -> ()
    %scan3A_31 = arith.constant 0 : i32
    %scan3A_32 = arith.constant 0 : i32
    %scan3A_33 = arith.constant 64 : i32
    %scan3A_34 = arith.addi %scan3A_32, %scan3A_33 : i32
    %scan3A_35 = arith.constant 1 : i32
    %scan3A_36 = scf.for %scan3A_47 = %scan3A_32 to %scan3A_34 step %scan3A_35 iter_args(%scan3A_48 = %scan3A_31) -> (i32)  : i32 {
      %mul3A_49 = arith.constant 16 : i32
      %mul3A_50 = arith.muli %scan3A_47, %mul3A_49 : i32
      %get3A = arith.index_cast %mul3A_50 : i32 to index
      %get3A_51 = tpu.vector_load %arg5[%get3A] {strides = array<i32>} : memref<1024xi32, #tpu.memory_space<vmem>>, vector<16xi32>,
      %get3A_52 = vector.shape_cast %get3A_51 : vector<16xi32> to vector<16xi32>
      %mul3A_53 = arith.constant 16 : i32
      %mul3A_54 = arith.muli %scan3A_47, %mul3A_53 : i32
      %get3A_55 = arith.index_cast %mul3A_54 : i32 to index
      %get3A_56 = tpu.vector_load %arg6[%get3A_55] {strides = array<i32>} : memref<1024xi32, #tpu.memory_space<vmem>>, vector<16xi32>,
      %get3A_57 = vector.shape_cast %get3A_56 : vector<16xi32> to vector<16xi32>
      %mul3A_58 = arith.constant 8 : i32
      %mul3A_59 = vector.broadcast %mul3A_58 : i32 to vector<16xi32>
      %mul3A_60 = arith.muli %get3A_52, %mul3A_59 : vector<16xi32>
      %add3A_61 = arith.addi %mul3A_60, %get3A_57 : vector<16xi32>
      %mul3A_62 = arith.constant 16 : i32
      %mul3A_63 = arith.muli %scan3A_47, %mul3A_62 : i32
      %swap3A = arith.index_cast %mul3A_63 : i32 to index
      %swap3A_64 = tpu.vector_load %arg7[%swap3A] {strides = array<i32>} : memref<1024xi32, #tpu.memory_space<vmem>>, vector<16xi32>,
      %swap3A_65 = vector.shape_cast %swap3A_64 : vector<16xi32> to vector<16xi32>
      %swap3A_66 = vector.shape_cast %add3A_61 : vector<16xi32> to vector<16xi32>
      tpu.vector_store %arg7[%swap3A], %swap3A_66 {strides = array<i32>} : memref<1024xi32, #tpu.memory_space<vmem>>, vector<16xi32>,
      %scan3A_67 = arith.constant 0 : i32
      scf.yield %scan3A_67 : i32
    }
    %scan3A_37 = arith.constant 64 : i32
    "tpu.region"() ({
      %run_scoped3A = tpu.sem_alloc : memref<!tpu.dma_semaphore, #tpu.memory_space<semaphore_mem>>
      %dma_start3A = tpu.memref_slice %arg4[%add3A_30] : memref<163840xi32, #tpu.memory_space<hbm>> -> memref<1024xi32, #tpu.memory_space<hbm>>
      %dma_start3A_47 = tpu.memref_slice %arg4[%add3A_30] : memref<163840xi32, #tpu.memory_space<hbm>> -> memref<1024xi32, #tpu.memory_space<hbm>>
      tpu.enqueue_dma source(%arg7 : memref<1024xi32, #tpu.memory_space<vmem>>) target(%dma_start3A_47 : memref<1024xi32, #tpu.memory_space<hbm>>) target_semaphore(%run_scoped3A : memref<!tpu.dma_semaphore, #tpu.memory_space<semaphore_mem>>)
      %dma_wait3A = tpu.memref_slice %arg4[%add3A_30] : memref<163840xi32, #tpu.memory_space<hbm>> -> memref<1024xi32, #tpu.memory_space<hbm>>
      %dma_wait3A_48 = tpu.memref_slice %arg4[%add3A_30] : memref<163840xi32, #tpu.memory_space<hbm>> -> memref<1024xi32, #tpu.memory_space<hbm>>
      tpu.wait_dma2 semaphore(%run_scoped3A : memref<!tpu.dma_semaphore, #tpu.memory_space<semaphore_mem>>) src(%arg7 : memref<1024xi32, #tpu.memory_space<vmem>>) dst(%dma_wait3A_48 : memref<1024xi32, #tpu.memory_space<hbm>>)
      tpu.yield
    }) : () -> ()
    %add3A_38 = arith.constant 4096 : i32
    %add3A_39 = arith.addi %mul3A_2, %add3A_38 : i32
    "tpu.region"() ({
      %run_scoped3A = tpu.sem_alloc : memref<!tpu.dma_semaphore, #tpu.memory_space<semaphore_mem>>
      %dma_start3A = tpu.memref_slice %arg2[%add3A_39] : memref<163840xi32, #tpu.memory_space<hbm>> -> memref<1024xi32, #tpu.memory_space<hbm>>
      %dma_start3A_47 = tpu.memref_slice %arg2[%add3A_39] : memref<163840xi32, #tpu.memory_space<hbm>> -> memref<1024xi32, #tpu.memory_space<hbm>>
      tpu.enqueue_dma source(%dma_start3A_47 : memref<1024xi32, #tpu.memory_space<hbm>>) target(%arg5 : memref<1024xi32, #tpu.memory_space<vmem>>) target_semaphore(%run_scoped3A : memref<!tpu.dma_semaphore, #tpu.memory_space<semaphore_mem>>)
      %dma_wait3A = tpu.memref_slice %arg2[%add3A_39] : memref<163840xi32, #tpu.memory_space<hbm>> -> memref<1024xi32, #tpu.memory_space<hbm>>
      %dma_wait3A_48 = tpu.memref_slice %arg2[%add3A_39] : memref<163840xi32, #tpu.memory_space<hbm>> -> memref<1024xi32, #tpu.memory_space<hbm>>
      tpu.wait_dma2 semaphore(%run_scoped3A : memref<!tpu.dma_semaphore, #tpu.memory_space<semaphore_mem>>) src(%dma_wait3A_48 : memref<1024xi32, #tpu.memory_space<hbm>>) dst(%arg5 : memref<1024xi32, #tpu.memory_space<vmem>>)
      tpu.yield
    }) : () -> ()
    "tpu.region"() ({
      %run_scoped3A = tpu.sem_alloc : memref<!tpu.dma_semaphore, #tpu.memory_space<semaphore_mem>>
      %dma_start3A = tpu.memref_slice %arg3[%add3A_39] : memref<163840xi32, #tpu.memory_space<hbm>> -> memref<1024xi32, #tpu.memory_space<hbm>>
      %dma_start3A_47 = tpu.memref_slice %arg3[%add3A_39] : memref<163840xi32, #tpu.memory_space<hbm>> -> memref<1024xi32, #tpu.memory_space<hbm>>
      tpu.enqueue_dma source(%dma_start3A_47 : memref<1024xi32, #tpu.memory_space<hbm>>) target(%arg6 : memref<1024xi32, #tpu.memory_space<vmem>>) target_semaphore(%run_scoped3A : memref<!tpu.dma_semaphore, #tpu.memory_space<semaphore_mem>>)
      %dma_wait3A = tpu.memref_slice %arg3[%add3A_39] : memref<163840xi32, #tpu.memory_space<hbm>> -> memref<1024xi32, #tpu.memory_space<hbm>>
      %dma_wait3A_48 = tpu.memref_slice %arg3[%add3A_39] : memref<163840xi32, #tpu.memory_space<hbm>> -> memref<1024xi32, #tpu.memory_space<hbm>>
      tpu.wait_dma2 semaphore(%run_scoped3A : memref<!tpu.dma_semaphore, #tpu.memory_space<semaphore_mem>>) src(%dma_wait3A_48 : memref<1024xi32, #tpu.memory_space<hbm>>) dst(%arg6 : memref<1024xi32, #tpu.memory_space<vmem>>)
      tpu.yield
    }) : () -> ()
    %scan3A_40 = arith.constant 0 : i32
    %scan3A_41 = arith.constant 0 : i32
    %scan3A_42 = arith.constant 64 : i32
    %scan3A_43 = arith.addi %scan3A_41, %scan3A_42 : i32
    %scan3A_44 = arith.constant 1 : i32
    %scan3A_45 = scf.for %scan3A_47 = %scan3A_41 to %scan3A_43 step %scan3A_44 iter_args(%scan3A_48 = %scan3A_40) -> (i32)  : i32 {
      %mul3A_49 = arith.constant 16 : i32
      %mul3A_50 = arith.muli %scan3A_47, %mul3A_49 : i32
      %get3A = arith.index_cast %mul3A_50 : i32 to index
      %get3A_51 = tpu.vector_load %arg5[%get3A] {strides = array<i32>} : memref<1024xi32, #tpu.memory_space<vmem>>, vector<16xi32>,
      %get3A_52 = vector.shape_cast %get3A_51 : vector<16xi32> to vector<16xi32>
      %mul3A_53 = arith.constant 16 : i32
      %mul3A_54 = arith.muli %scan3A_47, %mul3A_53 : i32
      %get3A_55 = arith.index_cast %mul3A_54 : i32 to index
      %get3A_56 = tpu.vector_load %arg6[%get3A_55] {strides = array<i32>} : memref<1024xi32, #tpu.memory_space<vmem>>, vector<16xi32>,
      %get3A_57 = vector.shape_cast %get3A_56 : vector<16xi32> to vector<16xi32>
      %mul3A_58 = arith.constant 8 : i32
      %mul3A_59 = vector.broadcast %mul3A_58 : i32 to vector<16xi32>
      %mul3A_60 = arith.muli %get3A_52, %mul3A_59 : vector<16xi32>
      %add3A_61 = arith.addi %mul3A_60, %get3A_57 : vector<16xi32>
      %mul3A_62 = arith.constant 16 : i32
      %mul3A_63 = arith.muli %scan3A_47, %mul3A_62 : i32
      %swap3A = arith.index_cast %mul3A_63 : i32 to index
      %swap3A_64 = tpu.vector_load %arg7[%swap3A] {strides = array<i32>} : memref<1024xi32, #tpu.memory_space<vmem>>, vector<16xi32>,
      %swap3A_65 = vector.shape_cast %swap3A_64 : vector<16xi32> to vector<16xi32>
      %swap3A_66 = vector.shape_cast %add3A_61 : vector<16xi32> to vector<16xi32>
      tpu.vector_store %arg7[%swap3A], %swap3A_66 {strides = array<i32>} : memref<1024xi32, #tpu.memory_space<vmem>>, vector<16xi32>,
      %scan3A_67 = arith.constant 0 : i32
      scf.yield %scan3A_67 : i32
    }
    %scan3A_46 = arith.constant 64 : i32
    "tpu.region"() ({
      %run_scoped3A = tpu.sem_alloc : memref<!tpu.dma_semaphore, #tpu.memory_space<semaphore_mem>>
      %dma_start3A = tpu.memref_slice %arg4[%add3A_39] : memref<163840xi32, #tpu.memory_space<hbm>> -> memref<1024xi32, #tpu.memory_space<hbm>>
      %dma_start3A_47 = tpu.memref_slice %arg4[%add3A_39] : memref<163840xi32, #tpu.memory_space<hbm>> -> memref<1024xi32, #tpu.memory_space<hbm>>
      tpu.enqueue_dma source(%arg7 : memref<1024xi32, #tpu.memory_space<vmem>>) target(%dma_start3A_47 : memref<1024xi32, #tpu.memory_space<hbm>>) target_semaphore(%run_scoped3A : memref<!tpu.dma_semaphore, #tpu.memory_space<semaphore_mem>>)
      %dma_wait3A = tpu.memref_slice %arg4[%add3A_39] : memref<163840xi32, #tpu.memory_space<hbm>> -> memref<1024xi32, #tpu.memory_space<hbm>>
      %dma_wait3A_48 = tpu.memref_slice %arg4[%add3A_39] : memref<163840xi32, #tpu.memory_space<hbm>> -> memref<1024xi32, #tpu.memory_space<hbm>>
      tpu.wait_dma2 semaphore(%run_scoped3A : memref<!tpu.dma_semaphore, #tpu.memory_space<semaphore_mem>>) src(%arg7 : memref<1024xi32, #tpu.memory_space<vmem>>) dst(%dma_wait3A_48 : memref<1024xi32, #tpu.memory_space<hbm>>)
      tpu.yield
    }) : () -> ()
    return
  }
}

#map = affine_map<(d0, d1) -> (0, 0)>
#map1 = affine_map<(d0, d1) -> (0, 0, 0)>
module attributes {stable_mosaic.version = 14 : i64} {
  func.func @_edge_pass(%arg0: i32, %arg1: i32, %arg2: memref<160000x128xf32, #tpu.memory_space<hbm>>, %arg3: memref<1280x128xi32, #tpu.memory_space<hbm>>, %arg4: memref<1280x128xi32, #tpu.memory_space<hbm>>, %arg5: memref<2x10000x128xf32, #tpu.memory_space<hbm>>, %arg6: memref<10016x128xf32, #tpu.memory_space<vmem_shared>>, %arg7: memref<80x128xi32, #tpu.memory_space<vmem>>, %arg8: memref<80x128xi32, #tpu.memory_space<vmem>>, %arg9: memref<128x128xf32, #tpu.memory_space<vmem>>, %arg10: memref<40x128xf32, #tpu.memory_space<vmem>>, %arg11: memref<!tpu.dma_semaphore, #tpu.memory_space<semaphore_mem>>) attributes {dimension_semantics = [#tpu.dimension_semantics<core_parallel>, #tpu.dimension_semantics<subcore_parallel>], iteration_bounds = array<i64: 2, 16>, scalar_prefetch = 0 : i64, scratch_operands = 6 : i64, tpu.core_type = #tpu.core_type<sc_vector_subcore>, window_params = [{transform_indices = #map}, {transform_indices = #map}, {transform_indices = #map}, {transform_indices = #map1}]} {
    %scan3A = arith.constant 0 : i32
    %scan3A_0 = arith.constant 0 : i32
    %scan3A_1 = arith.constant 40 : i32
    %scan3A_2 = arith.addi %scan3A_0, %scan3A_1 : i32
    %scan3A_3 = arith.constant 1 : i32
    %scan3A_4 = scf.for %scan3A_37 = %scan3A_0 to %scan3A_2 step %scan3A_3 iter_args(%scan3A_38 = %scan3A) -> (i32)  : i32 {
      %scan3A_39 = arith.constant 0 : i32
      %scan3A_40 = arith.constant 0 : i32
      %scan3A_41 = arith.constant 8 : i32
      %scan3A_42 = arith.addi %scan3A_40, %scan3A_41 : i32
      %scan3A_43 = arith.constant 1 : i32
      %scan3A_44 = scf.for %scan3A_47 = %scan3A_40 to %scan3A_42 step %scan3A_43 iter_args(%scan3A_48 = %scan3A_39) -> (i32)  : i32 {
        %broadcast_in_dim3A = arith.constant 0.000000e+00 : f32
        %broadcast_in_dim3A_49 = vector.broadcast %broadcast_in_dim3A : f32 to vector<16xf32>
        %mul3A_50 = arith.constant 16 : i32
        %mul3A_51 = arith.muli %scan3A_47, %mul3A_50 : i32
        %swap3A = arith.index_cast %scan3A_37 : i32 to index
        %swap3A_52 = arith.index_cast %mul3A_51 : i32 to index
        %swap3A_53 = tpu.vector_load %arg10[%swap3A, %swap3A_52] {strides = array<i32>} : memref<40x128xf32, #tpu.memory_space<vmem>>, vector<1x16xf32>,
        %swap3A_54 = vector.shape_cast %swap3A_53 : vector<1x16xf32> to vector<16xf32>
        %swap3A_55 = vector.shape_cast %broadcast_in_dim3A_49 : vector<16xf32> to vector<1x16xf32>
        tpu.vector_store %arg10[%swap3A, %swap3A_52], %swap3A_55 {strides = array<i32>} : memref<40x128xf32, #tpu.memory_space<vmem>>, vector<1x16xf32>,
        %scan3A_56 = arith.constant 0 : i32
        scf.yield %scan3A_56 : i32
      }
      %scan3A_45 = arith.constant 8 : i32
      %scan3A_46 = arith.constant 0 : i32
      scf.yield %scan3A_46 : i32
    }
    %scan3A_5 = arith.constant 40 : i32
    %lt3A = arith.constant 10 : i32
    %lt3A_6 = arith.cmpi slt, %arg1, %lt3A : i32
    %convert_element_type3A = arith.extui %lt3A_6 : i1 to i32
    %cond3A = arith.constant 0 : i32
    %cond3A_7 = arith.cmpi ne, %convert_element_type3A, %cond3A : i32
    scf.if %cond3A_7 {
      %mul3A_37 = arith.constant 1000 : i32
      %mul3A_38 = arith.muli %arg1, %mul3A_37 : i32
      %add3A = arith.constant 0 : i32
      %add3A_39 = arith.addi %mul3A_38, %add3A : i32
      "tpu.region"() ({
        %run_scoped3A = tpu.sem_alloc : memref<!tpu.dma_semaphore, #tpu.memory_space<semaphore_mem>>
        %dma_start3A = arith.constant 0 : i32
        %dma_start3A_136 = tpu.memref_slice %arg6[%add3A_39, %dma_start3A] : memref<10016x128xf32, #tpu.memory_space<vmem_shared>> -> memref<40x128xf32, #tpu.memory_space<vmem_shared>>
        %dma_start3A_137 = arith.constant 0 : i32
        %dma_start3A_138 = tpu.memref_slice %arg6[%add3A_39, %dma_start3A_137] : memref<10016x128xf32, #tpu.memory_space<vmem_shared>> -> memref<40x128xf32, #tpu.memory_space<vmem_shared>>
        tpu.enqueue_dma source(%arg10 : memref<40x128xf32, #tpu.memory_space<vmem>>) target(%dma_start3A_138 : memref<40x128xf32, #tpu.memory_space<vmem_shared>>) target_semaphore(%run_scoped3A : memref<!tpu.dma_semaphore, #tpu.memory_space<semaphore_mem>>)
        %dma_wait3A = arith.constant 0 : i32
        %dma_wait3A_139 = tpu.memref_slice %arg6[%add3A_39, %dma_wait3A] : memref<10016x128xf32, #tpu.memory_space<vmem_shared>> -> memref<40x128xf32, #tpu.memory_space<vmem_shared>>
        %dma_wait3A_140 = arith.constant 0 : i32
        %dma_wait3A_141 = tpu.memref_slice %arg6[%add3A_39, %dma_wait3A_140] : memref<10016x128xf32, #tpu.memory_space<vmem_shared>> -> memref<40x128xf32, #tpu.memory_space<vmem_shared>>
        tpu.wait_dma2 semaphore(%run_scoped3A : memref<!tpu.dma_semaphore, #tpu.memory_space<semaphore_mem>>) src(%arg10 : memref<40x128xf32, #tpu.memory_space<vmem>>) dst(%dma_wait3A_141 : memref<40x128xf32, #tpu.memory_space<vmem_shared>>)
        tpu.yield
      }) : () -> ()
      %mul3A_40 = arith.constant 1000 : i32
      %mul3A_41 = arith.muli %arg1, %mul3A_40 : i32
      %add3A_42 = arith.constant 40 : i32
      %add3A_43 = arith.addi %mul3A_41, %add3A_42 : i32
      "tpu.region"() ({
        %run_scoped3A = tpu.sem_alloc : memref<!tpu.dma_semaphore, #tpu.memory_space<semaphore_mem>>
        %dma_start3A = arith.constant 0 : i32
        %dma_start3A_136 = tpu.memref_slice %arg6[%add3A_43, %dma_start3A] : memref<10016x128xf32, #tpu.memory_space<vmem_shared>> -> memref<40x128xf32, #tpu.memory_space<vmem_shared>>
        %dma_start3A_137 = arith.constant 0 : i32
        %dma_start3A_138 = tpu.memref_slice %arg6[%add3A_43, %dma_start3A_137] : memref<10016x128xf32, #tpu.memory_space<vmem_shared>> -> memref<40x128xf32, #tpu.memory_space<vmem_shared>>
        tpu.enqueue_dma source(%arg10 : memref<40x128xf32, #tpu.memory_space<vmem>>) target(%dma_start3A_138 : memref<40x128xf32, #tpu.memory_space<vmem_shared>>) target_semaphore(%run_scoped3A : memref<!tpu.dma_semaphore, #tpu.memory_space<semaphore_mem>>)
        %dma_wait3A = arith.constant 0 : i32
        %dma_wait3A_139 = tpu.memref_slice %arg6[%add3A_43, %dma_wait3A] : memref<10016x128xf32, #tpu.memory_space<vmem_shared>> -> memref<40x128xf32, #tpu.memory_space<vmem_shared>>
        %dma_wait3A_140 = arith.constant 0 : i32
        %dma_wait3A_141 = tpu.memref_slice %arg6[%add3A_43, %dma_wait3A_140] : memref<10016x128xf32, #tpu.memory_space<vmem_shared>> -> memref<40x128xf32, #tpu.memory_space<vmem_shared>>
        tpu.wait_dma2 semaphore(%run_scoped3A : memref<!tpu.dma_semaphore, #tpu.memory_space<semaphore_mem>>) src(%arg10 : memref<40x128xf32, #tpu.memory_space<vmem>>) dst(%dma_wait3A_141 : memref<40x128xf32, #tpu.memory_space<vmem_shared>>)
        tpu.yield
      }) : () -> ()
      %mul3A_44 = arith.constant 1000 : i32
      %mul3A_45 = arith.muli %arg1, %mul3A_44 : i32
      %add3A_46 = arith.constant 80 : i32
      %add3A_47 = arith.addi %mul3A_45, %add3A_46 : i32
      "tpu.region"() ({
        %run_scoped3A = tpu.sem_alloc : memref<!tpu.dma_semaphore, #tpu.memory_space<semaphore_mem>>
        %dma_start3A = arith.constant 0 : i32
        %dma_start3A_136 = tpu.memref_slice %arg6[%add3A_47, %dma_start3A] : memref<10016x128xf32, #tpu.memory_space<vmem_shared>> -> memref<40x128xf32, #tpu.memory_space<vmem_shared>>
        %dma_start3A_137 = arith.constant 0 : i32
        %dma_start3A_138 = tpu.memref_slice %arg6[%add3A_47, %dma_start3A_137] : memref<10016x128xf32, #tpu.memory_space<vmem_shared>> -> memref<40x128xf32, #tpu.memory_space<vmem_shared>>
        tpu.enqueue_dma source(%arg10 : memref<40x128xf32, #tpu.memory_space<vmem>>) target(%dma_start3A_138 : memref<40x128xf32, #tpu.memory_space<vmem_shared>>) target_semaphore(%run_scoped3A : memref<!tpu.dma_semaphore, #tpu.memory_space<semaphore_mem>>)
        %dma_wait3A = arith.constant 0 : i32
        %dma_wait3A_139 = tpu.memref_slice %arg6[%add3A_47, %dma_wait3A] : memref<10016x128xf32, #tpu.memory_space<vmem_shared>> -> memref<40x128xf32, #tpu.memory_space<vmem_shared>>
        %dma_wait3A_140 = arith.constant 0 : i32
        %dma_wait3A_141 = tpu.memref_slice %arg6[%add3A_47, %dma_wait3A_140] : memref<10016x128xf32, #tpu.memory_space<vmem_shared>> -> memref<40x128xf32, #tpu.memory_space<vmem_shared>>
        tpu.wait_dma2 semaphore(%run_scoped3A : memref<!tpu.dma_semaphore, #tpu.memory_space<semaphore_mem>>) src(%arg10 : memref<40x128xf32, #tpu.memory_space<vmem>>) dst(%dma_wait3A_141 : memref<40x128xf32, #tpu.memory_space<vmem_shared>>)
        tpu.yield
      }) : () -> ()
      %mul3A_48 = arith.constant 1000 : i32
      %mul3A_49 = arith.muli %arg1, %mul3A_48 : i32
      %add3A_50 = arith.constant 120 : i32
      %add3A_51 = arith.addi %mul3A_49, %add3A_50 : i32
      "tpu.region"() ({
        %run_scoped3A = tpu.sem_alloc : memref<!tpu.dma_semaphore, #tpu.memory_space<semaphore_mem>>
        %dma_start3A = arith.constant 0 : i32
        %dma_start3A_136 = tpu.memref_slice %arg6[%add3A_51, %dma_start3A] : memref<10016x128xf32, #tpu.memory_space<vmem_shared>> -> memref<40x128xf32, #tpu.memory_space<vmem_shared>>
        %dma_start3A_137 = arith.constant 0 : i32
        %dma_start3A_138 = tpu.memref_slice %arg6[%add3A_51, %dma_start3A_137] : memref<10016x128xf32, #tpu.memory_space<vmem_shared>> -> memref<40x128xf32, #tpu.memory_space<vmem_shared>>
        tpu.enqueue_dma source(%arg10 : memref<40x128xf32, #tpu.memory_space<vmem>>) target(%dma_start3A_138 : memref<40x128xf32, #tpu.memory_space<vmem_shared>>) target_semaphore(%run_scoped3A : memref<!tpu.dma_semaphore, #tpu.memory_space<semaphore_mem>>)
        %dma_wait3A = arith.constant 0 : i32
        %dma_wait3A_139 = tpu.memref_slice %arg6[%add3A_51, %dma_wait3A] : memref<10016x128xf32, #tpu.memory_space<vmem_shared>> -> memref<40x128xf32, #tpu.memory_space<vmem_shared>>
        %dma_wait3A_140 = arith.constant 0 : i32
        %dma_wait3A_141 = tpu.memref_slice %arg6[%add3A_51, %dma_wait3A_140] : memref<10016x128xf32, #tpu.memory_space<vmem_shared>> -> memref<40x128xf32, #tpu.memory_space<vmem_shared>>
        tpu.wait_dma2 semaphore(%run_scoped3A : memref<!tpu.dma_semaphore, #tpu.memory_space<semaphore_mem>>) src(%arg10 : memref<40x128xf32, #tpu.memory_space<vmem>>) dst(%dma_wait3A_141 : memref<40x128xf32, #tpu.memory_space<vmem_shared>>)
        tpu.yield
      }) : () -> ()
      %mul3A_52 = arith.constant 1000 : i32
      %mul3A_53 = arith.muli %arg1, %mul3A_52 : i32
      %add3A_54 = arith.constant 160 : i32
      %add3A_55 = arith.addi %mul3A_53, %add3A_54 : i32
      "tpu.region"() ({
        %run_scoped3A = tpu.sem_alloc : memref<!tpu.dma_semaphore, #tpu.memory_space<semaphore_mem>>
        %dma_start3A = arith.constant 0 : i32
        %dma_start3A_136 = tpu.memref_slice %arg6[%add3A_55, %dma_start3A] : memref<10016x128xf32, #tpu.memory_space<vmem_shared>> -> memref<40x128xf32, #tpu.memory_space<vmem_shared>>
        %dma_start3A_137 = arith.constant 0 : i32
        %dma_start3A_138 = tpu.memref_slice %arg6[%add3A_55, %dma_start3A_137] : memref<10016x128xf32, #tpu.memory_space<vmem_shared>> -> memref<40x128xf32, #tpu.memory_space<vmem_shared>>
        tpu.enqueue_dma source(%arg10 : memref<40x128xf32, #tpu.memory_space<vmem>>) target(%dma_start3A_138 : memref<40x128xf32, #tpu.memory_space<vmem_shared>>) target_semaphore(%run_scoped3A : memref<!tpu.dma_semaphore, #tpu.memory_space<semaphore_mem>>)
        %dma_wait3A = arith.constant 0 : i32
        %dma_wait3A_139 = tpu.memref_slice %arg6[%add3A_55, %dma_wait3A] : memref<10016x128xf32, #tpu.memory_space<vmem_shared>> -> memref<40x128xf32, #tpu.memory_space<vmem_shared>>
        %dma_wait3A_140 = arith.constant 0 : i32
        %dma_wait3A_141 = tpu.memref_slice %arg6[%add3A_55, %dma_wait3A_140] : memref<10016x128xf32, #tpu.memory_space<vmem_shared>> -> memref<40x128xf32, #tpu.memory_space<vmem_shared>>
        tpu.wait_dma2 semaphore(%run_scoped3A : memref<!tpu.dma_semaphore, #tpu.memory_space<semaphore_mem>>) src(%arg10 : memref<40x128xf32, #tpu.memory_space<vmem>>) dst(%dma_wait3A_141 : memref<40x128xf32, #tpu.memory_space<vmem_shared>>)
        tpu.yield
      }) : () -> ()
      %mul3A_56 = arith.constant 1000 : i32
      %mul3A_57 = arith.muli %arg1, %mul3A_56 : i32
      %add3A_58 = arith.constant 200 : i32
      %add3A_59 = arith.addi %mul3A_57, %add3A_58 : i32
      "tpu.region"() ({
        %run_scoped3A = tpu.sem_alloc : memref<!tpu.dma_semaphore, #tpu.memory_space<semaphore_mem>>
        %dma_start3A = arith.constant 0 : i32
        %dma_start3A_136 = tpu.memref_slice %arg6[%add3A_59, %dma_start3A] : memref<10016x128xf32, #tpu.memory_space<vmem_shared>> -> memref<40x128xf32, #tpu.memory_space<vmem_shared>>
        %dma_start3A_137 = arith.constant 0 : i32
        %dma_start3A_138 = tpu.memref_slice %arg6[%add3A_59, %dma_start3A_137] : memref<10016x128xf32, #tpu.memory_space<vmem_shared>> -> memref<40x128xf32, #tpu.memory_space<vmem_shared>>
        tpu.enqueue_dma source(%arg10 : memref<40x128xf32, #tpu.memory_space<vmem>>) target(%dma_start3A_138 : memref<40x128xf32, #tpu.memory_space<vmem_shared>>) target_semaphore(%run_scoped3A : memref<!tpu.dma_semaphore, #tpu.memory_space<semaphore_mem>>)
        %dma_wait3A = arith.constant 0 : i32
        %dma_wait3A_139 = tpu.memref_slice %arg6[%add3A_59, %dma_wait3A] : memref<10016x128xf32, #tpu.memory_space<vmem_shared>> -> memref<40x128xf32, #tpu.memory_space<vmem_shared>>
        %dma_wait3A_140 = arith.constant 0 : i32
        %dma_wait3A_141 = tpu.memref_slice %arg6[%add3A_59, %dma_wait3A_140] : memref<10016x128xf32, #tpu.memory_space<vmem_shared>> -> memref<40x128xf32, #tpu.memory_space<vmem_shared>>
        tpu.wait_dma2 semaphore(%run_scoped3A : memref<!tpu.dma_semaphore, #tpu.memory_space<semaphore_mem>>) src(%arg10 : memref<40x128xf32, #tpu.memory_space<vmem>>) dst(%dma_wait3A_141 : memref<40x128xf32, #tpu.memory_space<vmem_shared>>)
        tpu.yield
      }) : () -> ()
      %mul3A_60 = arith.constant 1000 : i32
      %mul3A_61 = arith.muli %arg1, %mul3A_60 : i32
      %add3A_62 = arith.constant 240 : i32
      %add3A_63 = arith.addi %mul3A_61, %add3A_62 : i32
      "tpu.region"() ({
        %run_scoped3A = tpu.sem_alloc : memref<!tpu.dma_semaphore, #tpu.memory_space<semaphore_mem>>
        %dma_start3A = arith.constant 0 : i32
        %dma_start3A_136 = tpu.memref_slice %arg6[%add3A_63, %dma_start3A] : memref<10016x128xf32, #tpu.memory_space<vmem_shared>> -> memref<40x128xf32, #tpu.memory_space<vmem_shared>>
        %dma_start3A_137 = arith.constant 0 : i32
        %dma_start3A_138 = tpu.memref_slice %arg6[%add3A_63, %dma_start3A_137] : memref<10016x128xf32, #tpu.memory_space<vmem_shared>> -> memref<40x128xf32, #tpu.memory_space<vmem_shared>>
        tpu.enqueue_dma source(%arg10 : memref<40x128xf32, #tpu.memory_space<vmem>>) target(%dma_start3A_138 : memref<40x128xf32, #tpu.memory_space<vmem_shared>>) target_semaphore(%run_scoped3A : memref<!tpu.dma_semaphore, #tpu.memory_space<semaphore_mem>>)
        %dma_wait3A = arith.constant 0 : i32
        %dma_wait3A_139 = tpu.memref_slice %arg6[%add3A_63, %dma_wait3A] : memref<10016x128xf32, #tpu.memory_space<vmem_shared>> -> memref<40x128xf32, #tpu.memory_space<vmem_shared>>
        %dma_wait3A_140 = arith.constant 0 : i32
        %dma_wait3A_141 = tpu.memref_slice %arg6[%add3A_63, %dma_wait3A_140] : memref<10016x128xf32, #tpu.memory_space<vmem_shared>> -> memref<40x128xf32, #tpu.memory_space<vmem_shared>>
        tpu.wait_dma2 semaphore(%run_scoped3A : memref<!tpu.dma_semaphore, #tpu.memory_space<semaphore_mem>>) src(%arg10 : memref<40x128xf32, #tpu.memory_space<vmem>>) dst(%dma_wait3A_141 : memref<40x128xf32, #tpu.memory_space<vmem_shared>>)
        tpu.yield
      }) : () -> ()
      %mul3A_64 = arith.constant 1000 : i32
      %mul3A_65 = arith.muli %arg1, %mul3A_64 : i32
      %add3A_66 = arith.constant 280 : i32
      %add3A_67 = arith.addi %mul3A_65, %add3A_66 : i32
      "tpu.region"() ({
        %run_scoped3A = tpu.sem_alloc : memref<!tpu.dma_semaphore, #tpu.memory_space<semaphore_mem>>
        %dma_start3A = arith.constant 0 : i32
        %dma_start3A_136 = tpu.memref_slice %arg6[%add3A_67, %dma_start3A] : memref<10016x128xf32, #tpu.memory_space<vmem_shared>> -> memref<40x128xf32, #tpu.memory_space<vmem_shared>>
        %dma_start3A_137 = arith.constant 0 : i32
        %dma_start3A_138 = tpu.memref_slice %arg6[%add3A_67, %dma_start3A_137] : memref<10016x128xf32, #tpu.memory_space<vmem_shared>> -> memref<40x128xf32, #tpu.memory_space<vmem_shared>>
        tpu.enqueue_dma source(%arg10 : memref<40x128xf32, #tpu.memory_space<vmem>>) target(%dma_start3A_138 : memref<40x128xf32, #tpu.memory_space<vmem_shared>>) target_semaphore(%run_scoped3A : memref<!tpu.dma_semaphore, #tpu.memory_space<semaphore_mem>>)
        %dma_wait3A = arith.constant 0 : i32
        %dma_wait3A_139 = tpu.memref_slice %arg6[%add3A_67, %dma_wait3A] : memref<10016x128xf32, #tpu.memory_space<vmem_shared>> -> memref<40x128xf32, #tpu.memory_space<vmem_shared>>
        %dma_wait3A_140 = arith.constant 0 : i32
        %dma_wait3A_141 = tpu.memref_slice %arg6[%add3A_67, %dma_wait3A_140] : memref<10016x128xf32, #tpu.memory_space<vmem_shared>> -> memref<40x128xf32, #tpu.memory_space<vmem_shared>>
        tpu.wait_dma2 semaphore(%run_scoped3A : memref<!tpu.dma_semaphore, #tpu.memory_space<semaphore_mem>>) src(%arg10 : memref<40x128xf32, #tpu.memory_space<vmem>>) dst(%dma_wait3A_141 : memref<40x128xf32, #tpu.memory_space<vmem_shared>>)
        tpu.yield
      }) : () -> ()
      %mul3A_68 = arith.constant 1000 : i32
      %mul3A_69 = arith.muli %arg1, %mul3A_68 : i32
      %add3A_70 = arith.constant 320 : i32
      %add3A_71 = arith.addi %mul3A_69, %add3A_70 : i32
      "tpu.region"() ({
        %run_scoped3A = tpu.sem_alloc : memref<!tpu.dma_semaphore, #tpu.memory_space<semaphore_mem>>
        %dma_start3A = arith.constant 0 : i32
        %dma_start3A_136 = tpu.memref_slice %arg6[%add3A_71, %dma_start3A] : memref<10016x128xf32, #tpu.memory_space<vmem_shared>> -> memref<40x128xf32, #tpu.memory_space<vmem_shared>>
        %dma_start3A_137 = arith.constant 0 : i32
        %dma_start3A_138 = tpu.memref_slice %arg6[%add3A_71, %dma_start3A_137] : memref<10016x128xf32, #tpu.memory_space<vmem_shared>> -> memref<40x128xf32, #tpu.memory_space<vmem_shared>>
        tpu.enqueue_dma source(%arg10 : memref<40x128xf32, #tpu.memory_space<vmem>>) target(%dma_start3A_138 : memref<40x128xf32, #tpu.memory_space<vmem_shared>>) target_semaphore(%run_scoped3A : memref<!tpu.dma_semaphore, #tpu.memory_space<semaphore_mem>>)
        %dma_wait3A = arith.constant 0 : i32
        %dma_wait3A_139 = tpu.memref_slice %arg6[%add3A_71, %dma_wait3A] : memref<10016x128xf32, #tpu.memory_space<vmem_shared>> -> memref<40x128xf32, #tpu.memory_space<vmem_shared>>
        %dma_wait3A_140 = arith.constant 0 : i32
        %dma_wait3A_141 = tpu.memref_slice %arg6[%add3A_71, %dma_wait3A_140] : memref<10016x128xf32, #tpu.memory_space<vmem_shared>> -> memref<40x128xf32, #tpu.memory_space<vmem_shared>>
        tpu.wait_dma2 semaphore(%run_scoped3A : memref<!tpu.dma_semaphore, #tpu.memory_space<semaphore_mem>>) src(%arg10 : memref<40x128xf32, #tpu.memory_space<vmem>>) dst(%dma_wait3A_141 : memref<40x128xf32, #tpu.memory_space<vmem_shared>>)
        tpu.yield
      }) : () -> ()
      %mul3A_72 = arith.constant 1000 : i32
      %mul3A_73 = arith.muli %arg1, %mul3A_72 : i32
      %add3A_74 = arith.constant 360 : i32
      %add3A_75 = arith.addi %mul3A_73, %add3A_74 : i32
      "tpu.region"() ({
        %run_scoped3A = tpu.sem_alloc : memref<!tpu.dma_semaphore, #tpu.memory_space<semaphore_mem>>
        %dma_start3A = arith.constant 0 : i32
        %dma_start3A_136 = tpu.memref_slice %arg6[%add3A_75, %dma_start3A] : memref<10016x128xf32, #tpu.memory_space<vmem_shared>> -> memref<40x128xf32, #tpu.memory_space<vmem_shared>>
        %dma_start3A_137 = arith.constant 0 : i32
        %dma_start3A_138 = tpu.memref_slice %arg6[%add3A_75, %dma_start3A_137] : memref<10016x128xf32, #tpu.memory_space<vmem_shared>> -> memref<40x128xf32, #tpu.memory_space<vmem_shared>>
        tpu.enqueue_dma source(%arg10 : memref<40x128xf32, #tpu.memory_space<vmem>>) target(%dma_start3A_138 : memref<40x128xf32, #tpu.memory_space<vmem_shared>>) target_semaphore(%run_scoped3A : memref<!tpu.dma_semaphore, #tpu.memory_space<semaphore_mem>>)
        %dma_wait3A = arith.constant 0 : i32
        %dma_wait3A_139 = tpu.memref_slice %arg6[%add3A_75, %dma_wait3A] : memref<10016x128xf32, #tpu.memory_space<vmem_shared>> -> memref<40x128xf32, #tpu.memory_space<vmem_shared>>
        %dma_wait3A_140 = arith.constant 0 : i32
        %dma_wait3A_141 = tpu.memref_slice %arg6[%add3A_75, %dma_wait3A_140] : memref<10016x128xf32, #tpu.memory_space<vmem_shared>> -> memref<40x128xf32, #tpu.memory_space<vmem_shared>>
        tpu.wait_dma2 semaphore(%run_scoped3A : memref<!tpu.dma_semaphore, #tpu.memory_space<semaphore_mem>>) src(%arg10 : memref<40x128xf32, #tpu.memory_space<vmem>>) dst(%dma_wait3A_141 : memref<40x128xf32, #tpu.memory_space<vmem_shared>>)
        tpu.yield
      }) : () -> ()
      %mul3A_76 = arith.constant 1000 : i32
      %mul3A_77 = arith.muli %arg1, %mul3A_76 : i32
      %add3A_78 = arith.constant 400 : i32
      %add3A_79 = arith.addi %mul3A_77, %add3A_78 : i32
      "tpu.region"() ({
        %run_scoped3A = tpu.sem_alloc : memref<!tpu.dma_semaphore, #tpu.memory_space<semaphore_mem>>
        %dma_start3A = arith.constant 0 : i32
        %dma_start3A_136 = tpu.memref_slice %arg6[%add3A_79, %dma_start3A] : memref<10016x128xf32, #tpu.memory_space<vmem_shared>> -> memref<40x128xf32, #tpu.memory_space<vmem_shared>>
        %dma_start3A_137 = arith.constant 0 : i32
        %dma_start3A_138 = tpu.memref_slice %arg6[%add3A_79, %dma_start3A_137] : memref<10016x128xf32, #tpu.memory_space<vmem_shared>> -> memref<40x128xf32, #tpu.memory_space<vmem_shared>>
        tpu.enqueue_dma source(%arg10 : memref<40x128xf32, #tpu.memory_space<vmem>>) target(%dma_start3A_138 : memref<40x128xf32, #tpu.memory_space<vmem_shared>>) target_semaphore(%run_scoped3A : memref<!tpu.dma_semaphore, #tpu.memory_space<semaphore_mem>>)
        %dma_wait3A = arith.constant 0 : i32
        %dma_wait3A_139 = tpu.memref_slice %arg6[%add3A_79, %dma_wait3A] : memref<10016x128xf32, #tpu.memory_space<vmem_shared>> -> memref<40x128xf32, #tpu.memory_space<vmem_shared>>
        %dma_wait3A_140 = arith.constant 0 : i32
        %dma_wait3A_141 = tpu.memref_slice %arg6[%add3A_79, %dma_wait3A_140] : memref<10016x128xf32, #tpu.memory_space<vmem_shared>> -> memref<40x128xf32, #tpu.memory_space<vmem_shared>>
        tpu.wait_dma2 semaphore(%run_scoped3A : memref<!tpu.dma_semaphore, #tpu.memory_space<semaphore_mem>>) src(%arg10 : memref<40x128xf32, #tpu.memory_space<vmem>>) dst(%dma_wait3A_141 : memref<40x128xf32, #tpu.memory_space<vmem_shared>>)
        tpu.yield
      }) : () -> ()
      %mul3A_80 = arith.constant 1000 : i32
      %mul3A_81 = arith.muli %arg1, %mul3A_80 : i32
      %add3A_82 = arith.constant 440 : i32
      %add3A_83 = arith.addi %mul3A_81, %add3A_82 : i32
      "tpu.region"() ({
        %run_scoped3A = tpu.sem_alloc : memref<!tpu.dma_semaphore, #tpu.memory_space<semaphore_mem>>
        %dma_start3A = arith.constant 0 : i32
        %dma_start3A_136 = tpu.memref_slice %arg6[%add3A_83, %dma_start3A] : memref<10016x128xf32, #tpu.memory_space<vmem_shared>> -> memref<40x128xf32, #tpu.memory_space<vmem_shared>>
        %dma_start3A_137 = arith.constant 0 : i32
        %dma_start3A_138 = tpu.memref_slice %arg6[%add3A_83, %dma_start3A_137] : memref<10016x128xf32, #tpu.memory_space<vmem_shared>> -> memref<40x128xf32, #tpu.memory_space<vmem_shared>>
        tpu.enqueue_dma source(%arg10 : memref<40x128xf32, #tpu.memory_space<vmem>>) target(%dma_start3A_138 : memref<40x128xf32, #tpu.memory_space<vmem_shared>>) target_semaphore(%run_scoped3A : memref<!tpu.dma_semaphore, #tpu.memory_space<semaphore_mem>>)
        %dma_wait3A = arith.constant 0 : i32
        %dma_wait3A_139 = tpu.memref_slice %arg6[%add3A_83, %dma_wait3A] : memref<10016x128xf32, #tpu.memory_space<vmem_shared>> -> memref<40x128xf32, #tpu.memory_space<vmem_shared>>
        %dma_wait3A_140 = arith.constant 0 : i32
        %dma_wait3A_141 = tpu.memref_slice %arg6[%add3A_83, %dma_wait3A_140] : memref<10016x128xf32, #tpu.memory_space<vmem_shared>> -> memref<40x128xf32, #tpu.memory_space<vmem_shared>>
        tpu.wait_dma2 semaphore(%run_scoped3A : memref<!tpu.dma_semaphore, #tpu.memory_space<semaphore_mem>>) src(%arg10 : memref<40x128xf32, #tpu.memory_space<vmem>>) dst(%dma_wait3A_141 : memref<40x128xf32, #tpu.memory_space<vmem_shared>>)
        tpu.yield
      }) : () -> ()
      %mul3A_84 = arith.constant 1000 : i32
      %mul3A_85 = arith.muli %arg1, %mul3A_84 : i32
      %add3A_86 = arith.constant 480 : i32
      %add3A_87 = arith.addi %mul3A_85, %add3A_86 : i32
      "tpu.region"() ({
        %run_scoped3A = tpu.sem_alloc : memref<!tpu.dma_semaphore, #tpu.memory_space<semaphore_mem>>
        %dma_start3A = arith.constant 0 : i32
        %dma_start3A_136 = tpu.memref_slice %arg6[%add3A_87, %dma_start3A] : memref<10016x128xf32, #tpu.memory_space<vmem_shared>> -> memref<40x128xf32, #tpu.memory_space<vmem_shared>>
        %dma_start3A_137 = arith.constant 0 : i32
        %dma_start3A_138 = tpu.memref_slice %arg6[%add3A_87, %dma_start3A_137] : memref<10016x128xf32, #tpu.memory_space<vmem_shared>> -> memref<40x128xf32, #tpu.memory_space<vmem_shared>>
        tpu.enqueue_dma source(%arg10 : memref<40x128xf32, #tpu.memory_space<vmem>>) target(%dma_start3A_138 : memref<40x128xf32, #tpu.memory_space<vmem_shared>>) target_semaphore(%run_scoped3A : memref<!tpu.dma_semaphore, #tpu.memory_space<semaphore_mem>>)
        %dma_wait3A = arith.constant 0 : i32
        %dma_wait3A_139 = tpu.memref_slice %arg6[%add3A_87, %dma_wait3A] : memref<10016x128xf32, #tpu.memory_space<vmem_shared>> -> memref<40x128xf32, #tpu.memory_space<vmem_shared>>
        %dma_wait3A_140 = arith.constant 0 : i32
        %dma_wait3A_141 = tpu.memref_slice %arg6[%add3A_87, %dma_wait3A_140] : memref<10016x128xf32, #tpu.memory_space<vmem_shared>> -> memref<40x128xf32, #tpu.memory_space<vmem_shared>>
        tpu.wait_dma2 semaphore(%run_scoped3A : memref<!tpu.dma_semaphore, #tpu.memory_space<semaphore_mem>>) src(%arg10 : memref<40x128xf32, #tpu.memory_space<vmem>>) dst(%dma_wait3A_141 : memref<40x128xf32, #tpu.memory_space<vmem_shared>>)
        tpu.yield
      }) : () -> ()
      %mul3A_88 = arith.constant 1000 : i32
      %mul3A_89 = arith.muli %arg1, %mul3A_88 : i32
      %add3A_90 = arith.constant 520 : i32
      %add3A_91 = arith.addi %mul3A_89, %add3A_90 : i32
      "tpu.region"() ({
        %run_scoped3A = tpu.sem_alloc : memref<!tpu.dma_semaphore, #tpu.memory_space<semaphore_mem>>
        %dma_start3A = arith.constant 0 : i32
        %dma_start3A_136 = tpu.memref_slice %arg6[%add3A_91, %dma_start3A] : memref<10016x128xf32, #tpu.memory_space<vmem_shared>> -> memref<40x128xf32, #tpu.memory_space<vmem_shared>>
        %dma_start3A_137 = arith.constant 0 : i32
        %dma_start3A_138 = tpu.memref_slice %arg6[%add3A_91, %dma_start3A_137] : memref<10016x128xf32, #tpu.memory_space<vmem_shared>> -> memref<40x128xf32, #tpu.memory_space<vmem_shared>>
        tpu.enqueue_dma source(%arg10 : memref<40x128xf32, #tpu.memory_space<vmem>>) target(%dma_start3A_138 : memref<40x128xf32, #tpu.memory_space<vmem_shared>>) target_semaphore(%run_scoped3A : memref<!tpu.dma_semaphore, #tpu.memory_space<semaphore_mem>>)
        %dma_wait3A = arith.constant 0 : i32
        %dma_wait3A_139 = tpu.memref_slice %arg6[%add3A_91, %dma_wait3A] : memref<10016x128xf32, #tpu.memory_space<vmem_shared>> -> memref<40x128xf32, #tpu.memory_space<vmem_shared>>
        %dma_wait3A_140 = arith.constant 0 : i32
        %dma_wait3A_141 = tpu.memref_slice %arg6[%add3A_91, %dma_wait3A_140] : memref<10016x128xf32, #tpu.memory_space<vmem_shared>> -> memref<40x128xf32, #tpu.memory_space<vmem_shared>>
        tpu.wait_dma2 semaphore(%run_scoped3A : memref<!tpu.dma_semaphore, #tpu.memory_space<semaphore_mem>>) src(%arg10 : memref<40x128xf32, #tpu.memory_space<vmem>>) dst(%dma_wait3A_141 : memref<40x128xf32, #tpu.memory_space<vmem_shared>>)
        tpu.yield
      }) : () -> ()
      %mul3A_92 = arith.constant 1000 : i32
      %mul3A_93 = arith.muli %arg1, %mul3A_92 : i32
      %add3A_94 = arith.constant 560 : i32
      %add3A_95 = arith.addi %mul3A_93, %add3A_94 : i32
      "tpu.region"() ({
        %run_scoped3A = tpu.sem_alloc : memref<!tpu.dma_semaphore, #tpu.memory_space<semaphore_mem>>
        %dma_start3A = arith.constant 0 : i32
        %dma_start3A_136 = tpu.memref_slice %arg6[%add3A_95, %dma_start3A] : memref<10016x128xf32, #tpu.memory_space<vmem_shared>> -> memref<40x128xf32, #tpu.memory_space<vmem_shared>>
        %dma_start3A_137 = arith.constant 0 : i32
        %dma_start3A_138 = tpu.memref_slice %arg6[%add3A_95, %dma_start3A_137] : memref<10016x128xf32, #tpu.memory_space<vmem_shared>> -> memref<40x128xf32, #tpu.memory_space<vmem_shared>>
        tpu.enqueue_dma source(%arg10 : memref<40x128xf32, #tpu.memory_space<vmem>>) target(%dma_start3A_138 : memref<40x128xf32, #tpu.memory_space<vmem_shared>>) target_semaphore(%run_scoped3A : memref<!tpu.dma_semaphore, #tpu.memory_space<semaphore_mem>>)
        %dma_wait3A = arith.constant 0 : i32
        %dma_wait3A_139 = tpu.memref_slice %arg6[%add3A_95, %dma_wait3A] : memref<10016x128xf32, #tpu.memory_space<vmem_shared>> -> memref<40x128xf32, #tpu.memory_space<vmem_shared>>
        %dma_wait3A_140 = arith.constant 0 : i32
        %dma_wait3A_141 = tpu.memref_slice %arg6[%add3A_95, %dma_wait3A_140] : memref<10016x128xf32, #tpu.memory_space<vmem_shared>> -> memref<40x128xf32, #tpu.memory_space<vmem_shared>>
        tpu.wait_dma2 semaphore(%run_scoped3A : memref<!tpu.dma_semaphore, #tpu.memory_space<semaphore_mem>>) src(%arg10 : memref<40x128xf32, #tpu.memory_space<vmem>>) dst(%dma_wait3A_141 : memref<40x128xf32, #tpu.memory_space<vmem_shared>>)
        tpu.yield
      }) : () -> ()
      %mul3A_96 = arith.constant 1000 : i32
      %mul3A_97 = arith.muli %arg1, %mul3A_96 : i32
      %add3A_98 = arith.constant 600 : i32
      %add3A_99 = arith.addi %mul3A_97, %add3A_98 : i32
      "tpu.region"() ({
        %run_scoped3A = tpu.sem_alloc : memref<!tpu.dma_semaphore, #tpu.memory_space<semaphore_mem>>
        %dma_start3A = arith.constant 0 : i32
        %dma_start3A_136 = tpu.memref_slice %arg6[%add3A_99, %dma_start3A] : memref<10016x128xf32, #tpu.memory_space<vmem_shared>> -> memref<40x128xf32, #tpu.memory_space<vmem_shared>>
        %dma_start3A_137 = arith.constant 0 : i32
        %dma_start3A_138 = tpu.memref_slice %arg6[%add3A_99, %dma_start3A_137] : memref<10016x128xf32, #tpu.memory_space<vmem_shared>> -> memref<40x128xf32, #tpu.memory_space<vmem_shared>>
        tpu.enqueue_dma source(%arg10 : memref<40x128xf32, #tpu.memory_space<vmem>>) target(%dma_start3A_138 : memref<40x128xf32, #tpu.memory_space<vmem_shared>>) target_semaphore(%run_scoped3A : memref<!tpu.dma_semaphore, #tpu.memory_space<semaphore_mem>>)
        %dma_wait3A = arith.constant 0 : i32
        %dma_wait3A_139 = tpu.memref_slice %arg6[%add3A_99, %dma_wait3A] : memref<10016x128xf32, #tpu.memory_space<vmem_shared>> -> memref<40x128xf32, #tpu.memory_space<vmem_shared>>
        %dma_wait3A_140 = arith.constant 0 : i32
        %dma_wait3A_141 = tpu.memref_slice %arg6[%add3A_99, %dma_wait3A_140] : memref<10016x128xf32, #tpu.memory_space<vmem_shared>> -> memref<40x128xf32, #tpu.memory_space<vmem_shared>>
        tpu.wait_dma2 semaphore(%run_scoped3A : memref<!tpu.dma_semaphore, #tpu.memory_space<semaphore_mem>>) src(%arg10 : memref<40x128xf32, #tpu.memory_space<vmem>>) dst(%dma_wait3A_141 : memref<40x128xf32, #tpu.memory_space<vmem_shared>>)
        tpu.yield
      }) : () -> ()
      %mul3A_100 = arith.constant 1000 : i32
      %mul3A_101 = arith.muli %arg1, %mul3A_100 : i32
      %add3A_102 = arith.constant 640 : i32
      %add3A_103 = arith.addi %mul3A_101, %add3A_102 : i32
      "tpu.region"() ({
        %run_scoped3A = tpu.sem_alloc : memref<!tpu.dma_semaphore, #tpu.memory_space<semaphore_mem>>
        %dma_start3A = arith.constant 0 : i32
        %dma_start3A_136 = tpu.memref_slice %arg6[%add3A_103, %dma_start3A] : memref<10016x128xf32, #tpu.memory_space<vmem_shared>> -> memref<40x128xf32, #tpu.memory_space<vmem_shared>>
        %dma_start3A_137 = arith.constant 0 : i32
        %dma_start3A_138 = tpu.memref_slice %arg6[%add3A_103, %dma_start3A_137] : memref<10016x128xf32, #tpu.memory_space<vmem_shared>> -> memref<40x128xf32, #tpu.memory_space<vmem_shared>>
        tpu.enqueue_dma source(%arg10 : memref<40x128xf32, #tpu.memory_space<vmem>>) target(%dma_start3A_138 : memref<40x128xf32, #tpu.memory_space<vmem_shared>>) target_semaphore(%run_scoped3A : memref<!tpu.dma_semaphore, #tpu.memory_space<semaphore_mem>>)
        %dma_wait3A = arith.constant 0 : i32
        %dma_wait3A_139 = tpu.memref_slice %arg6[%add3A_103, %dma_wait3A] : memref<10016x128xf32, #tpu.memory_space<vmem_shared>> -> memref<40x128xf32, #tpu.memory_space<vmem_shared>>
        %dma_wait3A_140 = arith.constant 0 : i32
        %dma_wait3A_141 = tpu.memref_slice %arg6[%add3A_103, %dma_wait3A_140] : memref<10016x128xf32, #tpu.memory_space<vmem_shared>> -> memref<40x128xf32, #tpu.memory_space<vmem_shared>>
        tpu.wait_dma2 semaphore(%run_scoped3A : memref<!tpu.dma_semaphore, #tpu.memory_space<semaphore_mem>>) src(%arg10 : memref<40x128xf32, #tpu.memory_space<vmem>>) dst(%dma_wait3A_141 : memref<40x128xf32, #tpu.memory_space<vmem_shared>>)
        tpu.yield
      }) : () -> ()
      %mul3A_104 = arith.constant 1000 : i32
      %mul3A_105 = arith.muli %arg1, %mul3A_104 : i32
      %add3A_106 = arith.constant 680 : i32
      %add3A_107 = arith.addi %mul3A_105, %add3A_106 : i32
      "tpu.region"() ({
        %run_scoped3A = tpu.sem_alloc : memref<!tpu.dma_semaphore, #tpu.memory_space<semaphore_mem>>
        %dma_start3A = arith.constant 0 : i32
        %dma_start3A_136 = tpu.memref_slice %arg6[%add3A_107, %dma_start3A] : memref<10016x128xf32, #tpu.memory_space<vmem_shared>> -> memref<40x128xf32, #tpu.memory_space<vmem_shared>>
        %dma_start3A_137 = arith.constant 0 : i32
        %dma_start3A_138 = tpu.memref_slice %arg6[%add3A_107, %dma_start3A_137] : memref<10016x128xf32, #tpu.memory_space<vmem_shared>> -> memref<40x128xf32, #tpu.memory_space<vmem_shared>>
        tpu.enqueue_dma source(%arg10 : memref<40x128xf32, #tpu.memory_space<vmem>>) target(%dma_start3A_138 : memref<40x128xf32, #tpu.memory_space<vmem_shared>>) target_semaphore(%run_scoped3A : memref<!tpu.dma_semaphore, #tpu.memory_space<semaphore_mem>>)
        %dma_wait3A = arith.constant 0 : i32
        %dma_wait3A_139 = tpu.memref_slice %arg6[%add3A_107, %dma_wait3A] : memref<10016x128xf32, #tpu.memory_space<vmem_shared>> -> memref<40x128xf32, #tpu.memory_space<vmem_shared>>
        %dma_wait3A_140 = arith.constant 0 : i32
        %dma_wait3A_141 = tpu.memref_slice %arg6[%add3A_107, %dma_wait3A_140] : memref<10016x128xf32, #tpu.memory_space<vmem_shared>> -> memref<40x128xf32, #tpu.memory_space<vmem_shared>>
        tpu.wait_dma2 semaphore(%run_scoped3A : memref<!tpu.dma_semaphore, #tpu.memory_space<semaphore_mem>>) src(%arg10 : memref<40x128xf32, #tpu.memory_space<vmem>>) dst(%dma_wait3A_141 : memref<40x128xf32, #tpu.memory_space<vmem_shared>>)
        tpu.yield
      }) : () -> ()
      %mul3A_108 = arith.constant 1000 : i32
      %mul3A_109 = arith.muli %arg1, %mul3A_108 : i32
      %add3A_110 = arith.constant 720 : i32
      %add3A_111 = arith.addi %mul3A_109, %add3A_110 : i32
      "tpu.region"() ({
        %run_scoped3A = tpu.sem_alloc : memref<!tpu.dma_semaphore, #tpu.memory_space<semaphore_mem>>
        %dma_start3A = arith.constant 0 : i32
        %dma_start3A_136 = tpu.memref_slice %arg6[%add3A_111, %dma_start3A] : memref<10016x128xf32, #tpu.memory_space<vmem_shared>> -> memref<40x128xf32, #tpu.memory_space<vmem_shared>>
        %dma_start3A_137 = arith.constant 0 : i32
        %dma_start3A_138 = tpu.memref_slice %arg6[%add3A_111, %dma_start3A_137] : memref<10016x128xf32, #tpu.memory_space<vmem_shared>> -> memref<40x128xf32, #tpu.memory_space<vmem_shared>>
        tpu.enqueue_dma source(%arg10 : memref<40x128xf32, #tpu.memory_space<vmem>>) target(%dma_start3A_138 : memref<40x128xf32, #tpu.memory_space<vmem_shared>>) target_semaphore(%run_scoped3A : memref<!tpu.dma_semaphore, #tpu.memory_space<semaphore_mem>>)
        %dma_wait3A = arith.constant 0 : i32
        %dma_wait3A_139 = tpu.memref_slice %arg6[%add3A_111, %dma_wait3A] : memref<10016x128xf32, #tpu.memory_space<vmem_shared>> -> memref<40x128xf32, #tpu.memory_space<vmem_shared>>
        %dma_wait3A_140 = arith.constant 0 : i32
        %dma_wait3A_141 = tpu.memref_slice %arg6[%add3A_111, %dma_wait3A_140] : memref<10016x128xf32, #tpu.memory_space<vmem_shared>> -> memref<40x128xf32, #tpu.memory_space<vmem_shared>>
        tpu.wait_dma2 semaphore(%run_scoped3A : memref<!tpu.dma_semaphore, #tpu.memory_space<semaphore_mem>>) src(%arg10 : memref<40x128xf32, #tpu.memory_space<vmem>>) dst(%dma_wait3A_141 : memref<40x128xf32, #tpu.memory_space<vmem_shared>>)
        tpu.yield
      }) : () -> ()
      %mul3A_112 = arith.constant 1000 : i32
      %mul3A_113 = arith.muli %arg1, %mul3A_112 : i32
      %add3A_114 = arith.constant 760 : i32
      %add3A_115 = arith.addi %mul3A_113, %add3A_114 : i32
      "tpu.region"() ({
        %run_scoped3A = tpu.sem_alloc : memref<!tpu.dma_semaphore, #tpu.memory_space<semaphore_mem>>
        %dma_start3A = arith.constant 0 : i32
        %dma_start3A_136 = tpu.memref_slice %arg6[%add3A_115, %dma_start3A] : memref<10016x128xf32, #tpu.memory_space<vmem_shared>> -> memref<40x128xf32, #tpu.memory_space<vmem_shared>>
        %dma_start3A_137 = arith.constant 0 : i32
        %dma_start3A_138 = tpu.memref_slice %arg6[%add3A_115, %dma_start3A_137] : memref<10016x128xf32, #tpu.memory_space<vmem_shared>> -> memref<40x128xf32, #tpu.memory_space<vmem_shared>>
        tpu.enqueue_dma source(%arg10 : memref<40x128xf32, #tpu.memory_space<vmem>>) target(%dma_start3A_138 : memref<40x128xf32, #tpu.memory_space<vmem_shared>>) target_semaphore(%run_scoped3A : memref<!tpu.dma_semaphore, #tpu.memory_space<semaphore_mem>>)
        %dma_wait3A = arith.constant 0 : i32
        %dma_wait3A_139 = tpu.memref_slice %arg6[%add3A_115, %dma_wait3A] : memref<10016x128xf32, #tpu.memory_space<vmem_shared>> -> memref<40x128xf32, #tpu.memory_space<vmem_shared>>
        %dma_wait3A_140 = arith.constant 0 : i32
        %dma_wait3A_141 = tpu.memref_slice %arg6[%add3A_115, %dma_wait3A_140] : memref<10016x128xf32, #tpu.memory_space<vmem_shared>> -> memref<40x128xf32, #tpu.memory_space<vmem_shared>>
        tpu.wait_dma2 semaphore(%run_scoped3A : memref<!tpu.dma_semaphore, #tpu.memory_space<semaphore_mem>>) src(%arg10 : memref<40x128xf32, #tpu.memory_space<vmem>>) dst(%dma_wait3A_141 : memref<40x128xf32, #tpu.memory_space<vmem_shared>>)
        tpu.yield
      }) : () -> ()
      %mul3A_116 = arith.constant 1000 : i32
      %mul3A_117 = arith.muli %arg1, %mul3A_116 : i32
      %add3A_118 = arith.constant 800 : i32
      %add3A_119 = arith.addi %mul3A_117, %add3A_118 : i32
      "tpu.region"() ({
        %run_scoped3A = tpu.sem_alloc : memref<!tpu.dma_semaphore, #tpu.memory_space<semaphore_mem>>
        %dma_start3A = arith.constant 0 : i32
        %dma_start3A_136 = tpu.memref_slice %arg6[%add3A_119, %dma_start3A] : memref<10016x128xf32, #tpu.memory_space<vmem_shared>> -> memref<40x128xf32, #tpu.memory_space<vmem_shared>>
        %dma_start3A_137 = arith.constant 0 : i32
        %dma_start3A_138 = tpu.memref_slice %arg6[%add3A_119, %dma_start3A_137] : memref<10016x128xf32, #tpu.memory_space<vmem_shared>> -> memref<40x128xf32, #tpu.memory_space<vmem_shared>>
        tpu.enqueue_dma source(%arg10 : memref<40x128xf32, #tpu.memory_space<vmem>>) target(%dma_start3A_138 : memref<40x128xf32, #tpu.memory_space<vmem_shared>>) target_semaphore(%run_scoped3A : memref<!tpu.dma_semaphore, #tpu.memory_space<semaphore_mem>>)
        %dma_wait3A = arith.constant 0 : i32
        %dma_wait3A_139 = tpu.memref_slice %arg6[%add3A_119, %dma_wait3A] : memref<10016x128xf32, #tpu.memory_space<vmem_shared>> -> memref<40x128xf32, #tpu.memory_space<vmem_shared>>
        %dma_wait3A_140 = arith.constant 0 : i32
        %dma_wait3A_141 = tpu.memref_slice %arg6[%add3A_119, %dma_wait3A_140] : memref<10016x128xf32, #tpu.memory_space<vmem_shared>> -> memref<40x128xf32, #tpu.memory_space<vmem_shared>>
        tpu.wait_dma2 semaphore(%run_scoped3A : memref<!tpu.dma_semaphore, #tpu.memory_space<semaphore_mem>>) src(%arg10 : memref<40x128xf32, #tpu.memory_space<vmem>>) dst(%dma_wait3A_141 : memref<40x128xf32, #tpu.memory_space<vmem_shared>>)
        tpu.yield
      }) : () -> ()
      %mul3A_120 = arith.constant 1000 : i32
      %mul3A_121 = arith.muli %arg1, %mul3A_120 : i32
      %add3A_122 = arith.constant 840 : i32
      %add3A_123 = arith.addi %mul3A_121, %add3A_122 : i32
      "tpu.region"() ({
        %run_scoped3A = tpu.sem_alloc : memref<!tpu.dma_semaphore, #tpu.memory_space<semaphore_mem>>
        %dma_start3A = arith.constant 0 : i32
        %dma_start3A_136 = tpu.memref_slice %arg6[%add3A_123, %dma_start3A] : memref<10016x128xf32, #tpu.memory_space<vmem_shared>> -> memref<40x128xf32, #tpu.memory_space<vmem_shared>>
        %dma_start3A_137 = arith.constant 0 : i32
        %dma_start3A_138 = tpu.memref_slice %arg6[%add3A_123, %dma_start3A_137] : memref<10016x128xf32, #tpu.memory_space<vmem_shared>> -> memref<40x128xf32, #tpu.memory_space<vmem_shared>>
        tpu.enqueue_dma source(%arg10 : memref<40x128xf32, #tpu.memory_space<vmem>>) target(%dma_start3A_138 : memref<40x128xf32, #tpu.memory_space<vmem_shared>>) target_semaphore(%run_scoped3A : memref<!tpu.dma_semaphore, #tpu.memory_space<semaphore_mem>>)
        %dma_wait3A = arith.constant 0 : i32
        %dma_wait3A_139 = tpu.memref_slice %arg6[%add3A_123, %dma_wait3A] : memref<10016x128xf32, #tpu.memory_space<vmem_shared>> -> memref<40x128xf32, #tpu.memory_space<vmem_shared>>
        %dma_wait3A_140 = arith.constant 0 : i32
        %dma_wait3A_141 = tpu.memref_slice %arg6[%add3A_123, %dma_wait3A_140] : memref<10016x128xf32, #tpu.memory_space<vmem_shared>> -> memref<40x128xf32, #tpu.memory_space<vmem_shared>>
        tpu.wait_dma2 semaphore(%run_scoped3A : memref<!tpu.dma_semaphore, #tpu.memory_space<semaphore_mem>>) src(%arg10 : memref<40x128xf32, #tpu.memory_space<vmem>>) dst(%dma_wait3A_141 : memref<40x128xf32, #tpu.memory_space<vmem_shared>>)
        tpu.yield
      }) : () -> ()
      %mul3A_124 = arith.constant 1000 : i32
      %mul3A_125 = arith.muli %arg1, %mul3A_124 : i32
      %add3A_126 = arith.constant 880 : i32
      %add3A_127 = arith.addi %mul3A_125, %add3A_126 : i32
      "tpu.region"() ({
        %run_scoped3A = tpu.sem_alloc : memref<!tpu.dma_semaphore, #tpu.memory_space<semaphore_mem>>
        %dma_start3A = arith.constant 0 : i32
        %dma_start3A_136 = tpu.memref_slice %arg6[%add3A_127, %dma_start3A] : memref<10016x128xf32, #tpu.memory_space<vmem_shared>> -> memref<40x128xf32, #tpu.memory_space<vmem_shared>>
        %dma_start3A_137 = arith.constant 0 : i32
        %dma_start3A_138 = tpu.memref_slice %arg6[%add3A_127, %dma_start3A_137] : memref<10016x128xf32, #tpu.memory_space<vmem_shared>> -> memref<40x128xf32, #tpu.memory_space<vmem_shared>>
        tpu.enqueue_dma source(%arg10 : memref<40x128xf32, #tpu.memory_space<vmem>>) target(%dma_start3A_138 : memref<40x128xf32, #tpu.memory_space<vmem_shared>>) target_semaphore(%run_scoped3A : memref<!tpu.dma_semaphore, #tpu.memory_space<semaphore_mem>>)
        %dma_wait3A = arith.constant 0 : i32
        %dma_wait3A_139 = tpu.memref_slice %arg6[%add3A_127, %dma_wait3A] : memref<10016x128xf32, #tpu.memory_space<vmem_shared>> -> memref<40x128xf32, #tpu.memory_space<vmem_shared>>
        %dma_wait3A_140 = arith.constant 0 : i32
        %dma_wait3A_141 = tpu.memref_slice %arg6[%add3A_127, %dma_wait3A_140] : memref<10016x128xf32, #tpu.memory_space<vmem_shared>> -> memref<40x128xf32, #tpu.memory_space<vmem_shared>>
        tpu.wait_dma2 semaphore(%run_scoped3A : memref<!tpu.dma_semaphore, #tpu.memory_space<semaphore_mem>>) src(%arg10 : memref<40x128xf32, #tpu.memory_space<vmem>>) dst(%dma_wait3A_141 : memref<40x128xf32, #tpu.memory_space<vmem_shared>>)
        tpu.yield
      }) : () -> ()
      %mul3A_128 = arith.constant 1000 : i32
      %mul3A_129 = arith.muli %arg1, %mul3A_128 : i32
      %add3A_130 = arith.constant 920 : i32
      %add3A_131 = arith.addi %mul3A_129, %add3A_130 : i32
      "tpu.region"() ({
        %run_scoped3A = tpu.sem_alloc : memref<!tpu.dma_semaphore, #tpu.memory_space<semaphore_mem>>
        %dma_start3A = arith.constant 0 : i32
        %dma_start3A_136 = tpu.memref_slice %arg6[%add3A_131, %dma_start3A] : memref<10016x128xf32, #tpu.memory_space<vmem_shared>> -> memref<40x128xf32, #tpu.memory_space<vmem_shared>>
        %dma_start3A_137 = arith.constant 0 : i32
        %dma_start3A_138 = tpu.memref_slice %arg6[%add3A_131, %dma_start3A_137] : memref<10016x128xf32, #tpu.memory_space<vmem_shared>> -> memref<40x128xf32, #tpu.memory_space<vmem_shared>>
        tpu.enqueue_dma source(%arg10 : memref<40x128xf32, #tpu.memory_space<vmem>>) target(%dma_start3A_138 : memref<40x128xf32, #tpu.memory_space<vmem_shared>>) target_semaphore(%run_scoped3A : memref<!tpu.dma_semaphore, #tpu.memory_space<semaphore_mem>>)
        %dma_wait3A = arith.constant 0 : i32
        %dma_wait3A_139 = tpu.memref_slice %arg6[%add3A_131, %dma_wait3A] : memref<10016x128xf32, #tpu.memory_space<vmem_shared>> -> memref<40x128xf32, #tpu.memory_space<vmem_shared>>
        %dma_wait3A_140 = arith.constant 0 : i32
        %dma_wait3A_141 = tpu.memref_slice %arg6[%add3A_131, %dma_wait3A_140] : memref<10016x128xf32, #tpu.memory_space<vmem_shared>> -> memref<40x128xf32, #tpu.memory_space<vmem_shared>>
        tpu.wait_dma2 semaphore(%run_scoped3A : memref<!tpu.dma_semaphore, #tpu.memory_space<semaphore_mem>>) src(%arg10 : memref<40x128xf32, #tpu.memory_space<vmem>>) dst(%dma_wait3A_141 : memref<40x128xf32, #tpu.memory_space<vmem_shared>>)
        tpu.yield
      }) : () -> ()
      %mul3A_132 = arith.constant 1000 : i32
      %mul3A_133 = arith.muli %arg1, %mul3A_132 : i32
      %add3A_134 = arith.constant 960 : i32
      %add3A_135 = arith.addi %mul3A_133, %add3A_134 : i32
      "tpu.region"() ({
        %run_scoped3A = tpu.sem_alloc : memref<!tpu.dma_semaphore, #tpu.memory_space<semaphore_mem>>
        %dma_start3A = arith.constant 0 : i32
        %dma_start3A_136 = tpu.memref_slice %arg6[%add3A_135, %dma_start3A] : memref<10016x128xf32, #tpu.memory_space<vmem_shared>> -> memref<40x128xf32, #tpu.memory_space<vmem_shared>>
        %dma_start3A_137 = arith.constant 0 : i32
        %dma_start3A_138 = tpu.memref_slice %arg6[%add3A_135, %dma_start3A_137] : memref<10016x128xf32, #tpu.memory_space<vmem_shared>> -> memref<40x128xf32, #tpu.memory_space<vmem_shared>>
        tpu.enqueue_dma source(%arg10 : memref<40x128xf32, #tpu.memory_space<vmem>>) target(%dma_start3A_138 : memref<40x128xf32, #tpu.memory_space<vmem_shared>>) target_semaphore(%run_scoped3A : memref<!tpu.dma_semaphore, #tpu.memory_space<semaphore_mem>>)
        %dma_wait3A = arith.constant 0 : i32
        %dma_wait3A_139 = tpu.memref_slice %arg6[%add3A_135, %dma_wait3A] : memref<10016x128xf32, #tpu.memory_space<vmem_shared>> -> memref<40x128xf32, #tpu.memory_space<vmem_shared>>
        %dma_wait3A_140 = arith.constant 0 : i32
        %dma_wait3A_141 = tpu.memref_slice %arg6[%add3A_135, %dma_wait3A_140] : memref<10016x128xf32, #tpu.memory_space<vmem_shared>> -> memref<40x128xf32, #tpu.memory_space<vmem_shared>>
        tpu.wait_dma2 semaphore(%run_scoped3A : memref<!tpu.dma_semaphore, #tpu.memory_space<semaphore_mem>>) src(%arg10 : memref<40x128xf32, #tpu.memory_space<vmem>>) dst(%dma_wait3A_141 : memref<40x128xf32, #tpu.memory_space<vmem_shared>>)
        tpu.yield
      }) : () -> ()
    } else {
    }
    %eq3A = arith.constant 10 : i32
    %eq3A_8 = arith.cmpi eq, %arg1, %eq3A : i32
    %convert_element_type3A_9 = arith.extui %eq3A_8 : i1 to i32
    %cond3A_10 = arith.constant 0 : i32
    %cond3A_11 = arith.cmpi ne, %convert_element_type3A_9, %cond3A_10 : i32
    scf.if %cond3A_11 {
      "tpu.region"() ({
        %run_scoped3A = tpu.sem_alloc : memref<!tpu.dma_semaphore, #tpu.memory_space<semaphore_mem>>
        %dma_start3A = arith.constant 0 : i32
        %dma_start3A_37 = arith.constant 0 : i32
        %dma_start3A_38 = tpu.memref_slice %arg10[%dma_start3A, %dma_start3A_37] : memref<40x128xf32, #tpu.memory_space<vmem>> -> memref<16x128xf32, #tpu.memory_space<vmem>>
        %dma_start3A_39 = arith.constant 10000 : i32
        %dma_start3A_40 = arith.constant 0 : i32
        %dma_start3A_41 = tpu.memref_slice %arg6[%dma_start3A_39, %dma_start3A_40] : memref<10016x128xf32, #tpu.memory_space<vmem_shared>> -> memref<16x128xf32, #tpu.memory_space<vmem_shared>>
        %dma_start3A_42 = arith.constant 10000 : i32
        %dma_start3A_43 = arith.constant 0 : i32
        %dma_start3A_44 = tpu.memref_slice %arg6[%dma_start3A_42, %dma_start3A_43] : memref<10016x128xf32, #tpu.memory_space<vmem_shared>> -> memref<16x128xf32, #tpu.memory_space<vmem_shared>>
        %dma_start3A_45 = arith.constant 0 : i32
        %dma_start3A_46 = arith.constant 0 : i32
        %dma_start3A_47 = tpu.memref_slice %arg10[%dma_start3A_45, %dma_start3A_46] : memref<40x128xf32, #tpu.memory_space<vmem>> -> memref<16x128xf32, #tpu.memory_space<vmem>>
        tpu.enqueue_dma source(%dma_start3A_47 : memref<16x128xf32, #tpu.memory_space<vmem>>) target(%dma_start3A_44 : memref<16x128xf32, #tpu.memory_space<vmem_shared>>) target_semaphore(%run_scoped3A : memref<!tpu.dma_semaphore, #tpu.memory_space<semaphore_mem>>)
        %dma_wait3A = arith.constant 0 : i32
        %dma_wait3A_48 = arith.constant 0 : i32
        %dma_wait3A_49 = tpu.memref_slice %arg10[%dma_wait3A, %dma_wait3A_48] : memref<40x128xf32, #tpu.memory_space<vmem>> -> memref<16x128xf32, #tpu.memory_space<vmem>>
        %dma_wait3A_50 = arith.constant 10000 : i32
        %dma_wait3A_51 = arith.constant 0 : i32
        %dma_wait3A_52 = tpu.memref_slice %arg6[%dma_wait3A_50, %dma_wait3A_51] : memref<10016x128xf32, #tpu.memory_space<vmem_shared>> -> memref<16x128xf32, #tpu.memory_space<vmem_shared>>
        %dma_wait3A_53 = arith.constant 10000 : i32
        %dma_wait3A_54 = arith.constant 0 : i32
        %dma_wait3A_55 = tpu.memref_slice %arg6[%dma_wait3A_53, %dma_wait3A_54] : memref<10016x128xf32, #tpu.memory_space<vmem_shared>> -> memref<16x128xf32, #tpu.memory_space<vmem_shared>>
        %dma_wait3A_56 = arith.constant 0 : i32
        %dma_wait3A_57 = arith.constant 0 : i32
        %dma_wait3A_58 = tpu.memref_slice %arg10[%dma_wait3A_56, %dma_wait3A_57] : memref<40x128xf32, #tpu.memory_space<vmem>> -> memref<16x128xf32, #tpu.memory_space<vmem>>
        tpu.wait_dma2 semaphore(%run_scoped3A : memref<!tpu.dma_semaphore, #tpu.memory_space<semaphore_mem>>) src(%dma_wait3A_58 : memref<16x128xf32, #tpu.memory_space<vmem>>) dst(%dma_wait3A_55 : memref<16x128xf32, #tpu.memory_space<vmem_shared>>)
        tpu.yield
      }) : () -> ()
    } else {
    }
    %mul3A = arith.constant 80 : i32
    %mul3A_12 = arith.muli %arg1, %mul3A : i32
    "tpu.region"() ({
      %run_scoped3A = tpu.sem_alloc : memref<!tpu.dma_semaphore, #tpu.memory_space<semaphore_mem>>
      %dma_start3A = arith.constant 0 : i32
      %dma_start3A_37 = tpu.memref_slice %arg3[%mul3A_12, %dma_start3A] : memref<1280x128xi32, #tpu.memory_space<hbm>> -> memref<80x128xi32, #tpu.memory_space<hbm>>
      %dma_start3A_38 = arith.constant 0 : i32
      %dma_start3A_39 = tpu.memref_slice %arg3[%mul3A_12, %dma_start3A_38] : memref<1280x128xi32, #tpu.memory_space<hbm>> -> memref<80x128xi32, #tpu.memory_space<hbm>>
      tpu.enqueue_dma source(%dma_start3A_39 : memref<80x128xi32, #tpu.memory_space<hbm>>) target(%arg7 : memref<80x128xi32, #tpu.memory_space<vmem>>) target_semaphore(%run_scoped3A : memref<!tpu.dma_semaphore, #tpu.memory_space<semaphore_mem>>)
      %dma_wait3A = arith.constant 0 : i32
      %dma_wait3A_40 = tpu.memref_slice %arg3[%mul3A_12, %dma_wait3A] : memref<1280x128xi32, #tpu.memory_space<hbm>> -> memref<80x128xi32, #tpu.memory_space<hbm>>
      %dma_wait3A_41 = arith.constant 0 : i32
      %dma_wait3A_42 = tpu.memref_slice %arg3[%mul3A_12, %dma_wait3A_41] : memref<1280x128xi32, #tpu.memory_space<hbm>> -> memref<80x128xi32, #tpu.memory_space<hbm>>
      tpu.wait_dma2 semaphore(%run_scoped3A : memref<!tpu.dma_semaphore, #tpu.memory_space<semaphore_mem>>) src(%dma_wait3A_42 : memref<80x128xi32, #tpu.memory_space<hbm>>) dst(%arg7 : memref<80x128xi32, #tpu.memory_space<vmem>>)
      tpu.yield
    }) : () -> ()
    %mul3A_13 = arith.constant 80 : i32
    %mul3A_14 = arith.muli %arg1, %mul3A_13 : i32
    "tpu.region"() ({
      %run_scoped3A = tpu.sem_alloc : memref<!tpu.dma_semaphore, #tpu.memory_space<semaphore_mem>>
      %dma_start3A = arith.constant 0 : i32
      %dma_start3A_37 = tpu.memref_slice %arg4[%mul3A_14, %dma_start3A] : memref<1280x128xi32, #tpu.memory_space<hbm>> -> memref<80x128xi32, #tpu.memory_space<hbm>>
      %dma_start3A_38 = arith.constant 0 : i32
      %dma_start3A_39 = tpu.memref_slice %arg4[%mul3A_14, %dma_start3A_38] : memref<1280x128xi32, #tpu.memory_space<hbm>> -> memref<80x128xi32, #tpu.memory_space<hbm>>
      tpu.enqueue_dma source(%dma_start3A_39 : memref<80x128xi32, #tpu.memory_space<hbm>>) target(%arg8 : memref<80x128xi32, #tpu.memory_space<vmem>>) target_semaphore(%run_scoped3A : memref<!tpu.dma_semaphore, #tpu.memory_space<semaphore_mem>>)
      %dma_wait3A = arith.constant 0 : i32
      %dma_wait3A_40 = tpu.memref_slice %arg4[%mul3A_14, %dma_wait3A] : memref<1280x128xi32, #tpu.memory_space<hbm>> -> memref<80x128xi32, #tpu.memory_space<hbm>>
      %dma_wait3A_41 = arith.constant 0 : i32
      %dma_wait3A_42 = tpu.memref_slice %arg4[%mul3A_14, %dma_wait3A_41] : memref<1280x128xi32, #tpu.memory_space<hbm>> -> memref<80x128xi32, #tpu.memory_space<hbm>>
      tpu.wait_dma2 semaphore(%run_scoped3A : memref<!tpu.dma_semaphore, #tpu.memory_space<semaphore_mem>>) src(%dma_wait3A_42 : memref<80x128xi32, #tpu.memory_space<hbm>>) dst(%arg8 : memref<80x128xi32, #tpu.memory_space<vmem>>)
      tpu.yield
    }) : () -> ()
    %mul3A_15 = arith.constant 80000 : i32
    %mul3A_16 = arith.muli %arg0, %mul3A_15 : i32
    %scan3A_17 = arith.constant 0 : i32
    %scan3A_18 = arith.constant 0 : i32
    %scan3A_19 = arith.constant 80 : i32
    %scan3A_20 = arith.addi %scan3A_18, %scan3A_19 : i32
    %scan3A_21 = arith.constant 1 : i32
    %scan3A_22 = scf.for %scan3A_37 = %scan3A_18 to %scan3A_20 step %scan3A_21 iter_args(%scan3A_38 = %scan3A_17) -> (i32)  : i32 {
      %scan3A_39 = arith.constant 0 : i32
      %scan3A_40 = arith.constant 0 : i32
      %scan3A_41 = arith.constant 8 : i32
      %scan3A_42 = arith.addi %scan3A_40, %scan3A_41 : i32
      %scan3A_43 = arith.constant 1 : i32
      %scan3A_44 = scf.for %scan3A_47 = %scan3A_40 to %scan3A_42 step %scan3A_43 iter_args(%scan3A_48 = %scan3A_39) -> (i32)  : i32 {
        %mul3A_49 = arith.constant 16 : i32
        %mul3A_50 = arith.muli %scan3A_47, %mul3A_49 : i32
        %get3A = arith.index_cast %scan3A_37 : i32 to index
        %get3A_51 = arith.index_cast %mul3A_50 : i32 to index
        %get3A_52 = tpu.vector_load %arg7[%get3A, %get3A_51] {strides = array<i32>} : memref<80x128xi32, #tpu.memory_space<vmem>>, vector<1x16xi32>,
        %get3A_53 = vector.shape_cast %get3A_52 : vector<1x16xi32> to vector<16xi32>
        %add3A = vector.broadcast %mul3A_16 : i32 to vector<16xi32>
        %add3A_54 = arith.addi %get3A_53, %add3A : vector<16xi32>
        %mul3A_55 = arith.constant 16 : i32
        %mul3A_56 = arith.muli %scan3A_47, %mul3A_55 : i32
        %swap3A = arith.index_cast %scan3A_37 : i32 to index
        %swap3A_57 = arith.index_cast %mul3A_56 : i32 to index
        %swap3A_58 = tpu.vector_load %arg7[%swap3A, %swap3A_57] {strides = array<i32>} : memref<80x128xi32, #tpu.memory_space<vmem>>, vector<1x16xi32>,
        %swap3A_59 = vector.shape_cast %swap3A_58 : vector<1x16xi32> to vector<16xi32>
        %swap3A_60 = vector.shape_cast %add3A_54 : vector<16xi32> to vector<1x16xi32>
        tpu.vector_store %arg7[%swap3A, %swap3A_57], %swap3A_60 {strides = array<i32>} : memref<80x128xi32, #tpu.memory_space<vmem>>, vector<1x16xi32>,
        %scan3A_61 = arith.constant 0 : i32
        scf.yield %scan3A_61 : i32
      }
      %scan3A_45 = arith.constant 8 : i32
      %scan3A_46 = arith.constant 0 : i32
      scf.yield %scan3A_46 : i32
    }
    %scan3A_23 = arith.constant 80 : i32
    %barrier3A = arith.constant 0 : index
    tpu.barrier barrier_id(%barrier3A)
    %scan3A_24 = arith.constant 0 : i32
    %scan3A_25 = arith.constant 0 : i32
    %scan3A_26 = arith.constant 80 : i32
    %scan3A_27 = arith.addi %scan3A_25, %scan3A_26 : i32
    %scan3A_28 = arith.constant 1 : i32
    %scan3A_29 = scf.for %scan3A_37 = %scan3A_25 to %scan3A_27 step %scan3A_28 iter_args(%scan3A_38 = %scan3A_24) -> (i32)  : i32 {
      %dma_start3A = arith.constant 0 : i32
      %dma_start3A_39 = tpu.memref_slice %arg7[%scan3A_37, %dma_start3A] : memref<80x128xi32, #tpu.memory_space<vmem>> -> memref<1x128xi32, #tpu.memory_space<vmem>>
      %dma_start3A_40 = tpu.memref_squeeze %dma_start3A_39 : memref<1x128xi32, #tpu.memory_space<vmem>> -> memref<128xi32, #tpu.memory_space<vmem>>
      %dma_start3A_41 = arith.constant 0 : i32
      %dma_start3A_42 = arith.constant 0 : i32
      %dma_start3A_43 = tpu.memref_slice %arg2[%dma_start3A_41, %dma_start3A_42] : memref<160000x128xf32, #tpu.memory_space<hbm>> -> memref<160000x128xf32, #tpu.memory_space<hbm>>
      tpu.enqueue_indirect_dma source(%dma_start3A_43 : memref<160000x128xf32, #tpu.memory_space<hbm>>) target(%arg9 : memref<128x128xf32, #tpu.memory_space<vmem>>) offsets(%dma_start3A_40 : memref<128xi32, #tpu.memory_space<vmem>>) semaphore(%arg11 : memref<!tpu.dma_semaphore, #tpu.memory_space<semaphore_mem>>)
      %dma_wait3A = arith.constant 0 : i32
      %dma_wait3A_44 = tpu.memref_slice %arg7[%scan3A_37, %dma_wait3A] : memref<80x128xi32, #tpu.memory_space<vmem>> -> memref<1x128xi32, #tpu.memory_space<vmem>>
      %dma_wait3A_45 = tpu.memref_squeeze %dma_wait3A_44 : memref<1x128xi32, #tpu.memory_space<vmem>> -> memref<128xi32, #tpu.memory_space<vmem>>
      %dma_wait3A_46 = arith.constant 0 : i32
      %dma_wait3A_47 = arith.constant 0 : i32
      %dma_wait3A_48 = tpu.memref_slice %arg2[%dma_wait3A_46, %dma_wait3A_47] : memref<160000x128xf32, #tpu.memory_space<hbm>> -> memref<160000x128xf32, #tpu.memory_space<hbm>>
      tpu.wait_indirect_dma semaphore(%arg11 : memref<!tpu.dma_semaphore, #tpu.memory_space<semaphore_mem>>) src(%dma_wait3A_48 : memref<160000x128xf32, #tpu.memory_space<hbm>>) dst(%arg9 : memref<128x128xf32, #tpu.memory_space<vmem>>)
      "tpu.region"() ({
        %run_scoped3A = tpu.sem_alloc : memref<!tpu.dma_semaphore, #tpu.memory_space<semaphore_mem>>
        %dma_start3A_50 = arith.constant 0 : i32
        %dma_start3A_51 = tpu.memref_slice %arg8[%scan3A_37, %dma_start3A_50] : memref<80x128xi32, #tpu.memory_space<vmem>> -> memref<1x128xi32, #tpu.memory_space<vmem>>
        %dma_start3A_52 = tpu.memref_squeeze %dma_start3A_51 : memref<1x128xi32, #tpu.memory_space<vmem>> -> memref<128xi32, #tpu.memory_space<vmem>>
        %dma_start3A_53 = arith.constant 0 : i32
        %dma_start3A_54 = arith.constant 0 : i32
        %dma_start3A_55 = tpu.memref_slice %arg6[%dma_start3A_53, %dma_start3A_54] : memref<10016x128xf32, #tpu.memory_space<vmem_shared>> -> memref<10016x128xf32, #tpu.memory_space<vmem_shared>>
        tpu.enqueue_indirect_dma source(%arg9 : memref<128x128xf32, #tpu.memory_space<vmem>>) target(%dma_start3A_55 : memref<10016x128xf32, #tpu.memory_space<vmem_shared>>) offsets(%dma_start3A_52 : memref<128xi32, #tpu.memory_space<vmem>>) semaphore(%run_scoped3A : memref<!tpu.dma_semaphore, #tpu.memory_space<semaphore_mem>>) {add = true}
        %dma_wait3A_56 = arith.constant 0 : i32
        %dma_wait3A_57 = tpu.memref_slice %arg8[%scan3A_37, %dma_wait3A_56] : memref<80x128xi32, #tpu.memory_space<vmem>> -> memref<1x128xi32, #tpu.memory_space<vmem>>
        %dma_wait3A_58 = tpu.memref_squeeze %dma_wait3A_57 : memref<1x128xi32, #tpu.memory_space<vmem>> -> memref<128xi32, #tpu.memory_space<vmem>>
        %dma_wait3A_59 = arith.constant 0 : i32
        %dma_wait3A_60 = arith.constant 0 : i32
        %dma_wait3A_61 = tpu.memref_slice %arg6[%dma_wait3A_59, %dma_wait3A_60] : memref<10016x128xf32, #tpu.memory_space<vmem_shared>> -> memref<10016x128xf32, #tpu.memory_space<vmem_shared>>
        tpu.wait_indirect_dma semaphore(%run_scoped3A : memref<!tpu.dma_semaphore, #tpu.memory_space<semaphore_mem>>) src(%arg9 : memref<128x128xf32, #tpu.memory_space<vmem>>) dst(%dma_wait3A_61 : memref<10016x128xf32, #tpu.memory_space<vmem_shared>>)
        tpu.yield
      }) : () -> ()
      %scan3A_49 = arith.constant 0 : i32
      scf.yield %scan3A_49 : i32
    }
    %scan3A_30 = arith.constant 80 : i32
    %barrier3A_31 = arith.constant 0 : index
    tpu.barrier barrier_id(%barrier3A_31)
    %lt3A_32 = arith.constant 10 : i32
    %lt3A_33 = arith.cmpi slt, %arg1, %lt3A_32 : i32
    %convert_element_type3A_34 = arith.extui %lt3A_33 : i1 to i32
    %cond3A_35 = arith.constant 0 : i32
    %cond3A_36 = arith.cmpi ne, %convert_element_type3A_34, %cond3A_35 : i32
    scf.if %cond3A_36 {
      %mul3A_37 = arith.constant 1000 : i32
      %mul3A_38 = arith.muli %arg1, %mul3A_37 : i32
      %mul3A_39 = arith.constant 1000 : i32
      %mul3A_40 = arith.muli %arg1, %mul3A_39 : i32
      "tpu.region"() ({
        %run_scoped3A = tpu.sem_alloc : memref<!tpu.dma_semaphore, #tpu.memory_space<semaphore_mem>>
        %dma_start3A = arith.constant 0 : i32
        %dma_start3A_41 = tpu.memref_slice %arg5[%arg0, %mul3A_40, %dma_start3A] : memref<2x10000x128xf32, #tpu.memory_space<hbm>> -> memref<1x1000x128xf32, #tpu.memory_space<hbm>>
        %dma_start3A_42 = tpu.memref_squeeze %dma_start3A_41 : memref<1x1000x128xf32, #tpu.memory_space<hbm>> -> memref<1000x128xf32, #tpu.memory_space<hbm>>
        %dma_start3A_43 = arith.constant 0 : i32
        %dma_start3A_44 = tpu.memref_slice %arg6[%mul3A_38, %dma_start3A_43] : memref<10016x128xf32, #tpu.memory_space<vmem_shared>> -> memref<1000x128xf32, #tpu.memory_space<vmem_shared>>
        tpu.enqueue_dma source(%dma_start3A_44 : memref<1000x128xf32, #tpu.memory_space<vmem_shared>>) target(%dma_start3A_42 : memref<1000x128xf32, #tpu.memory_space<hbm>>) target_semaphore(%run_scoped3A : memref<!tpu.dma_semaphore, #tpu.memory_space<semaphore_mem>>)
        %dma_wait3A = arith.constant 0 : i32
        %dma_wait3A_45 = tpu.memref_slice %arg5[%arg0, %mul3A_40, %dma_wait3A] : memref<2x10000x128xf32, #tpu.memory_space<hbm>> -> memref<1x1000x128xf32, #tpu.memory_space<hbm>>
        %dma_wait3A_46 = tpu.memref_squeeze %dma_wait3A_45 : memref<1x1000x128xf32, #tpu.memory_space<hbm>> -> memref<1000x128xf32, #tpu.memory_space<hbm>>
        %dma_wait3A_47 = arith.constant 0 : i32
        %dma_wait3A_48 = tpu.memref_slice %arg6[%mul3A_38, %dma_wait3A_47] : memref<10016x128xf32, #tpu.memory_space<vmem_shared>> -> memref<1000x128xf32, #tpu.memory_space<vmem_shared>>
        tpu.wait_dma2 semaphore(%run_scoped3A : memref<!tpu.dma_semaphore, #tpu.memory_space<semaphore_mem>>) src(%dma_wait3A_48 : memref<1000x128xf32, #tpu.memory_space<vmem_shared>>) dst(%dma_wait3A_46 : memref<1000x128xf32, #tpu.memory_space<hbm>>)
        tpu.yield
      }) : () -> ()
    } else {
    }
    return
  }
}

#map = affine_map<(d0, d1) -> (0, 0)>
#map1 = affine_map<(d0, d1) -> (0, 0, 0)>
module attributes {stable_mosaic.version = 14 : i64} {
  func.func @_edge_pass(%arg0: i32, %arg1: i32, %arg2: memref<160000x128xf32, #tpu.memory_space<hbm>>, %arg3: memref<1280x128xi32, #tpu.memory_space<hbm>>, %arg4: memref<1280x128xi32, #tpu.memory_space<hbm>>, %arg5: memref<2x10000x128xf32, #tpu.memory_space<hbm>>, %arg6: memref<10016x128xf32, #tpu.memory_space<vmem_shared>>, %arg7: memref<80x128xi32, #tpu.memory_space<vmem>>, %arg8: memref<80x128xi32, #tpu.memory_space<vmem>>, %arg9: memref<128x128xf32, #tpu.memory_space<vmem>>, %arg10: memref<40x128xf32, #tpu.memory_space<vmem>>, %arg11: memref<!tpu.dma_semaphore, #tpu.memory_space<semaphore_mem>>) attributes {dimension_semantics = [#tpu.dimension_semantics<core_parallel>, #tpu.dimension_semantics<subcore_parallel>], iteration_bounds = array<i64: 2, 16>, scalar_prefetch = 0 : i64, scratch_operands = 6 : i64, tpu.core_type = #tpu.core_type<sc_vector_subcore>, window_params = [{transform_indices = #map}, {transform_indices = #map}, {transform_indices = #map}, {transform_indices = #map1}]} {
    %scan3A = arith.constant 0 : i32
    %scan3A_0 = arith.constant 0 : i32
    %scan3A_1 = arith.constant 40 : i32
    %scan3A_2 = arith.addi %scan3A_0, %scan3A_1 : i32
    %scan3A_3 = arith.constant 1 : i32
    %scan3A_4 = scf.for %scan3A_37 = %scan3A_0 to %scan3A_2 step %scan3A_3 iter_args(%scan3A_38 = %scan3A) -> (i32)  : i32 {
      %scan3A_39 = arith.constant 0 : i32
      %scan3A_40 = arith.constant 0 : i32
      %scan3A_41 = arith.constant 8 : i32
      %scan3A_42 = arith.addi %scan3A_40, %scan3A_41 : i32
      %scan3A_43 = arith.constant 1 : i32
      %scan3A_44 = scf.for %scan3A_47 = %scan3A_40 to %scan3A_42 step %scan3A_43 iter_args(%scan3A_48 = %scan3A_39) -> (i32)  : i32 {
        %broadcast_in_dim3A = arith.constant 0.000000e+00 : f32
        %broadcast_in_dim3A_49 = vector.broadcast %broadcast_in_dim3A : f32 to vector<16xf32>
        %mul3A_50 = arith.constant 16 : i32
        %mul3A_51 = arith.muli %scan3A_47, %mul3A_50 : i32
        %swap3A = arith.index_cast %scan3A_37 : i32 to index
        %swap3A_52 = arith.index_cast %mul3A_51 : i32 to index
        %swap3A_53 = tpu.vector_load %arg10[%swap3A, %swap3A_52] {strides = array<i32>} : memref<40x128xf32, #tpu.memory_space<vmem>>, vector<1x16xf32>,
        %swap3A_54 = vector.shape_cast %swap3A_53 : vector<1x16xf32> to vector<16xf32>
        %swap3A_55 = vector.shape_cast %broadcast_in_dim3A_49 : vector<16xf32> to vector<1x16xf32>
        tpu.vector_store %arg10[%swap3A, %swap3A_52], %swap3A_55 {strides = array<i32>} : memref<40x128xf32, #tpu.memory_space<vmem>>, vector<1x16xf32>,
        %scan3A_56 = arith.constant 0 : i32
        scf.yield %scan3A_56 : i32
      }
      %scan3A_45 = arith.constant 8 : i32
      %scan3A_46 = arith.constant 0 : i32
      scf.yield %scan3A_46 : i32
    }
    %scan3A_5 = arith.constant 40 : i32
    %lt3A = arith.constant 10 : i32
    %lt3A_6 = arith.cmpi slt, %arg1, %lt3A : i32
    %convert_element_type3A = arith.extui %lt3A_6 : i1 to i32
    %cond3A = arith.constant 0 : i32
    %cond3A_7 = arith.cmpi ne, %convert_element_type3A, %cond3A : i32
    scf.if %cond3A_7 {
      %mul3A_37 = arith.constant 1000 : i32
      %mul3A_38 = arith.muli %arg1, %mul3A_37 : i32
      %add3A = arith.constant 0 : i32
      %add3A_39 = arith.addi %mul3A_38, %add3A : i32
      "tpu.region"() ({
        %run_scoped3A = tpu.sem_alloc : memref<!tpu.dma_semaphore, #tpu.memory_space<semaphore_mem>>
        %dma_start3A = arith.constant 0 : i32
        %dma_start3A_136 = tpu.memref_slice %arg6[%add3A_39, %dma_start3A] : memref<10016x128xf32, #tpu.memory_space<vmem_shared>> -> memref<40x128xf32, #tpu.memory_space<vmem_shared>>
        %dma_start3A_137 = arith.constant 0 : i32
        %dma_start3A_138 = tpu.memref_slice %arg6[%add3A_39, %dma_start3A_137] : memref<10016x128xf32, #tpu.memory_space<vmem_shared>> -> memref<40x128xf32, #tpu.memory_space<vmem_shared>>
        tpu.enqueue_dma source(%arg10 : memref<40x128xf32, #tpu.memory_space<vmem>>) target(%dma_start3A_138 : memref<40x128xf32, #tpu.memory_space<vmem_shared>>) target_semaphore(%run_scoped3A : memref<!tpu.dma_semaphore, #tpu.memory_space<semaphore_mem>>)
        %dma_wait3A = arith.constant 0 : i32
        %dma_wait3A_139 = tpu.memref_slice %arg6[%add3A_39, %dma_wait3A] : memref<10016x128xf32, #tpu.memory_space<vmem_shared>> -> memref<40x128xf32, #tpu.memory_space<vmem_shared>>
        %dma_wait3A_140 = arith.constant 0 : i32
        %dma_wait3A_141 = tpu.memref_slice %arg6[%add3A_39, %dma_wait3A_140] : memref<10016x128xf32, #tpu.memory_space<vmem_shared>> -> memref<40x128xf32, #tpu.memory_space<vmem_shared>>
        tpu.wait_dma2 semaphore(%run_scoped3A : memref<!tpu.dma_semaphore, #tpu.memory_space<semaphore_mem>>) src(%arg10 : memref<40x128xf32, #tpu.memory_space<vmem>>) dst(%dma_wait3A_141 : memref<40x128xf32, #tpu.memory_space<vmem_shared>>)
        tpu.yield
      }) : () -> ()
      %mul3A_40 = arith.constant 1000 : i32
      %mul3A_41 = arith.muli %arg1, %mul3A_40 : i32
      %add3A_42 = arith.constant 40 : i32
      %add3A_43 = arith.addi %mul3A_41, %add3A_42 : i32
      "tpu.region"() ({
        %run_scoped3A = tpu.sem_alloc : memref<!tpu.dma_semaphore, #tpu.memory_space<semaphore_mem>>
        %dma_start3A = arith.constant 0 : i32
        %dma_start3A_136 = tpu.memref_slice %arg6[%add3A_43, %dma_start3A] : memref<10016x128xf32, #tpu.memory_space<vmem_shared>> -> memref<40x128xf32, #tpu.memory_space<vmem_shared>>
        %dma_start3A_137 = arith.constant 0 : i32
        %dma_start3A_138 = tpu.memref_slice %arg6[%add3A_43, %dma_start3A_137] : memref<10016x128xf32, #tpu.memory_space<vmem_shared>> -> memref<40x128xf32, #tpu.memory_space<vmem_shared>>
        tpu.enqueue_dma source(%arg10 : memref<40x128xf32, #tpu.memory_space<vmem>>) target(%dma_start3A_138 : memref<40x128xf32, #tpu.memory_space<vmem_shared>>) target_semaphore(%run_scoped3A : memref<!tpu.dma_semaphore, #tpu.memory_space<semaphore_mem>>)
        %dma_wait3A = arith.constant 0 : i32
        %dma_wait3A_139 = tpu.memref_slice %arg6[%add3A_43, %dma_wait3A] : memref<10016x128xf32, #tpu.memory_space<vmem_shared>> -> memref<40x128xf32, #tpu.memory_space<vmem_shared>>
        %dma_wait3A_140 = arith.constant 0 : i32
        %dma_wait3A_141 = tpu.memref_slice %arg6[%add3A_43, %dma_wait3A_140] : memref<10016x128xf32, #tpu.memory_space<vmem_shared>> -> memref<40x128xf32, #tpu.memory_space<vmem_shared>>
        tpu.wait_dma2 semaphore(%run_scoped3A : memref<!tpu.dma_semaphore, #tpu.memory_space<semaphore_mem>>) src(%arg10 : memref<40x128xf32, #tpu.memory_space<vmem>>) dst(%dma_wait3A_141 : memref<40x128xf32, #tpu.memory_space<vmem_shared>>)
        tpu.yield
      }) : () -> ()
      %mul3A_44 = arith.constant 1000 : i32
      %mul3A_45 = arith.muli %arg1, %mul3A_44 : i32
      %add3A_46 = arith.constant 80 : i32
      %add3A_47 = arith.addi %mul3A_45, %add3A_46 : i32
      "tpu.region"() ({
        %run_scoped3A = tpu.sem_alloc : memref<!tpu.dma_semaphore, #tpu.memory_space<semaphore_mem>>
        %dma_start3A = arith.constant 0 : i32
        %dma_start3A_136 = tpu.memref_slice %arg6[%add3A_47, %dma_start3A] : memref<10016x128xf32, #tpu.memory_space<vmem_shared>> -> memref<40x128xf32, #tpu.memory_space<vmem_shared>>
        %dma_start3A_137 = arith.constant 0 : i32
        %dma_start3A_138 = tpu.memref_slice %arg6[%add3A_47, %dma_start3A_137] : memref<10016x128xf32, #tpu.memory_space<vmem_shared>> -> memref<40x128xf32, #tpu.memory_space<vmem_shared>>
        tpu.enqueue_dma source(%arg10 : memref<40x128xf32, #tpu.memory_space<vmem>>) target(%dma_start3A_138 : memref<40x128xf32, #tpu.memory_space<vmem_shared>>) target_semaphore(%run_scoped3A : memref<!tpu.dma_semaphore, #tpu.memory_space<semaphore_mem>>)
        %dma_wait3A = arith.constant 0 : i32
        %dma_wait3A_139 = tpu.memref_slice %arg6[%add3A_47, %dma_wait3A] : memref<10016x128xf32, #tpu.memory_space<vmem_shared>> -> memref<40x128xf32, #tpu.memory_space<vmem_shared>>
        %dma_wait3A_140 = arith.constant 0 : i32
        %dma_wait3A_141 = tpu.memref_slice %arg6[%add3A_47, %dma_wait3A_140] : memref<10016x128xf32, #tpu.memory_space<vmem_shared>> -> memref<40x128xf32, #tpu.memory_space<vmem_shared>>
        tpu.wait_dma2 semaphore(%run_scoped3A : memref<!tpu.dma_semaphore, #tpu.memory_space<semaphore_mem>>) src(%arg10 : memref<40x128xf32, #tpu.memory_space<vmem>>) dst(%dma_wait3A_141 : memref<40x128xf32, #tpu.memory_space<vmem_shared>>)
        tpu.yield
      }) : () -> ()
      %mul3A_48 = arith.constant 1000 : i32
      %mul3A_49 = arith.muli %arg1, %mul3A_48 : i32
      %add3A_50 = arith.constant 120 : i32
      %add3A_51 = arith.addi %mul3A_49, %add3A_50 : i32
      "tpu.region"() ({
        %run_scoped3A = tpu.sem_alloc : memref<!tpu.dma_semaphore, #tpu.memory_space<semaphore_mem>>
        %dma_start3A = arith.constant 0 : i32
        %dma_start3A_136 = tpu.memref_slice %arg6[%add3A_51, %dma_start3A] : memref<10016x128xf32, #tpu.memory_space<vmem_shared>> -> memref<40x128xf32, #tpu.memory_space<vmem_shared>>
        %dma_start3A_137 = arith.constant 0 : i32
        %dma_start3A_138 = tpu.memref_slice %arg6[%add3A_51, %dma_start3A_137] : memref<10016x128xf32, #tpu.memory_space<vmem_shared>> -> memref<40x128xf32, #tpu.memory_space<vmem_shared>>
        tpu.enqueue_dma source(%arg10 : memref<40x128xf32, #tpu.memory_space<vmem>>) target(%dma_start3A_138 : memref<40x128xf32, #tpu.memory_space<vmem_shared>>) target_semaphore(%run_scoped3A : memref<!tpu.dma_semaphore, #tpu.memory_space<semaphore_mem>>)
        %dma_wait3A = arith.constant 0 : i32
        %dma_wait3A_139 = tpu.memref_slice %arg6[%add3A_51, %dma_wait3A] : memref<10016x128xf32, #tpu.memory_space<vmem_shared>> -> memref<40x128xf32, #tpu.memory_space<vmem_shared>>
        %dma_wait3A_140 = arith.constant 0 : i32
        %dma_wait3A_141 = tpu.memref_slice %arg6[%add3A_51, %dma_wait3A_140] : memref<10016x128xf32, #tpu.memory_space<vmem_shared>> -> memref<40x128xf32, #tpu.memory_space<vmem_shared>>
        tpu.wait_dma2 semaphore(%run_scoped3A : memref<!tpu.dma_semaphore, #tpu.memory_space<semaphore_mem>>) src(%arg10 : memref<40x128xf32, #tpu.memory_space<vmem>>) dst(%dma_wait3A_141 : memref<40x128xf32, #tpu.memory_space<vmem_shared>>)
        tpu.yield
      }) : () -> ()
      %mul3A_52 = arith.constant 1000 : i32
      %mul3A_53 = arith.muli %arg1, %mul3A_52 : i32
      %add3A_54 = arith.constant 160 : i32
      %add3A_55 = arith.addi %mul3A_53, %add3A_54 : i32
      "tpu.region"() ({
        %run_scoped3A = tpu.sem_alloc : memref<!tpu.dma_semaphore, #tpu.memory_space<semaphore_mem>>
        %dma_start3A = arith.constant 0 : i32
        %dma_start3A_136 = tpu.memref_slice %arg6[%add3A_55, %dma_start3A] : memref<10016x128xf32, #tpu.memory_space<vmem_shared>> -> memref<40x128xf32, #tpu.memory_space<vmem_shared>>
        %dma_start3A_137 = arith.constant 0 : i32
        %dma_start3A_138 = tpu.memref_slice %arg6[%add3A_55, %dma_start3A_137] : memref<10016x128xf32, #tpu.memory_space<vmem_shared>> -> memref<40x128xf32, #tpu.memory_space<vmem_shared>>
        tpu.enqueue_dma source(%arg10 : memref<40x128xf32, #tpu.memory_space<vmem>>) target(%dma_start3A_138 : memref<40x128xf32, #tpu.memory_space<vmem_shared>>) target_semaphore(%run_scoped3A : memref<!tpu.dma_semaphore, #tpu.memory_space<semaphore_mem>>)
        %dma_wait3A = arith.constant 0 : i32
        %dma_wait3A_139 = tpu.memref_slice %arg6[%add3A_55, %dma_wait3A] : memref<10016x128xf32, #tpu.memory_space<vmem_shared>> -> memref<40x128xf32, #tpu.memory_space<vmem_shared>>
        %dma_wait3A_140 = arith.constant 0 : i32
        %dma_wait3A_141 = tpu.memref_slice %arg6[%add3A_55, %dma_wait3A_140] : memref<10016x128xf32, #tpu.memory_space<vmem_shared>> -> memref<40x128xf32, #tpu.memory_space<vmem_shared>>
        tpu.wait_dma2 semaphore(%run_scoped3A : memref<!tpu.dma_semaphore, #tpu.memory_space<semaphore_mem>>) src(%arg10 : memref<40x128xf32, #tpu.memory_space<vmem>>) dst(%dma_wait3A_141 : memref<40x128xf32, #tpu.memory_space<vmem_shared>>)
        tpu.yield
      }) : () -> ()
      %mul3A_56 = arith.constant 1000 : i32
      %mul3A_57 = arith.muli %arg1, %mul3A_56 : i32
      %add3A_58 = arith.constant 200 : i32
      %add3A_59 = arith.addi %mul3A_57, %add3A_58 : i32
      "tpu.region"() ({
        %run_scoped3A = tpu.sem_alloc : memref<!tpu.dma_semaphore, #tpu.memory_space<semaphore_mem>>
        %dma_start3A = arith.constant 0 : i32
        %dma_start3A_136 = tpu.memref_slice %arg6[%add3A_59, %dma_start3A] : memref<10016x128xf32, #tpu.memory_space<vmem_shared>> -> memref<40x128xf32, #tpu.memory_space<vmem_shared>>
        %dma_start3A_137 = arith.constant 0 : i32
        %dma_start3A_138 = tpu.memref_slice %arg6[%add3A_59, %dma_start3A_137] : memref<10016x128xf32, #tpu.memory_space<vmem_shared>> -> memref<40x128xf32, #tpu.memory_space<vmem_shared>>
        tpu.enqueue_dma source(%arg10 : memref<40x128xf32, #tpu.memory_space<vmem>>) target(%dma_start3A_138 : memref<40x128xf32, #tpu.memory_space<vmem_shared>>) target_semaphore(%run_scoped3A : memref<!tpu.dma_semaphore, #tpu.memory_space<semaphore_mem>>)
        %dma_wait3A = arith.constant 0 : i32
        %dma_wait3A_139 = tpu.memref_slice %arg6[%add3A_59, %dma_wait3A] : memref<10016x128xf32, #tpu.memory_space<vmem_shared>> -> memref<40x128xf32, #tpu.memory_space<vmem_shared>>
        %dma_wait3A_140 = arith.constant 0 : i32
        %dma_wait3A_141 = tpu.memref_slice %arg6[%add3A_59, %dma_wait3A_140] : memref<10016x128xf32, #tpu.memory_space<vmem_shared>> -> memref<40x128xf32, #tpu.memory_space<vmem_shared>>
        tpu.wait_dma2 semaphore(%run_scoped3A : memref<!tpu.dma_semaphore, #tpu.memory_space<semaphore_mem>>) src(%arg10 : memref<40x128xf32, #tpu.memory_space<vmem>>) dst(%dma_wait3A_141 : memref<40x128xf32, #tpu.memory_space<vmem_shared>>)
        tpu.yield
      }) : () -> ()
      %mul3A_60 = arith.constant 1000 : i32
      %mul3A_61 = arith.muli %arg1, %mul3A_60 : i32
      %add3A_62 = arith.constant 240 : i32
      %add3A_63 = arith.addi %mul3A_61, %add3A_62 : i32
      "tpu.region"() ({
        %run_scoped3A = tpu.sem_alloc : memref<!tpu.dma_semaphore, #tpu.memory_space<semaphore_mem>>
        %dma_start3A = arith.constant 0 : i32
        %dma_start3A_136 = tpu.memref_slice %arg6[%add3A_63, %dma_start3A] : memref<10016x128xf32, #tpu.memory_space<vmem_shared>> -> memref<40x128xf32, #tpu.memory_space<vmem_shared>>
        %dma_start3A_137 = arith.constant 0 : i32
        %dma_start3A_138 = tpu.memref_slice %arg6[%add3A_63, %dma_start3A_137] : memref<10016x128xf32, #tpu.memory_space<vmem_shared>> -> memref<40x128xf32, #tpu.memory_space<vmem_shared>>
        tpu.enqueue_dma source(%arg10 : memref<40x128xf32, #tpu.memory_space<vmem>>) target(%dma_start3A_138 : memref<40x128xf32, #tpu.memory_space<vmem_shared>>) target_semaphore(%run_scoped3A : memref<!tpu.dma_semaphore, #tpu.memory_space<semaphore_mem>>)
        %dma_wait3A = arith.constant 0 : i32
        %dma_wait3A_139 = tpu.memref_slice %arg6[%add3A_63, %dma_wait3A] : memref<10016x128xf32, #tpu.memory_space<vmem_shared>> -> memref<40x128xf32, #tpu.memory_space<vmem_shared>>
        %dma_wait3A_140 = arith.constant 0 : i32
        %dma_wait3A_141 = tpu.memref_slice %arg6[%add3A_63, %dma_wait3A_140] : memref<10016x128xf32, #tpu.memory_space<vmem_shared>> -> memref<40x128xf32, #tpu.memory_space<vmem_shared>>
        tpu.wait_dma2 semaphore(%run_scoped3A : memref<!tpu.dma_semaphore, #tpu.memory_space<semaphore_mem>>) src(%arg10 : memref<40x128xf32, #tpu.memory_space<vmem>>) dst(%dma_wait3A_141 : memref<40x128xf32, #tpu.memory_space<vmem_shared>>)
        tpu.yield
      }) : () -> ()
      %mul3A_64 = arith.constant 1000 : i32
      %mul3A_65 = arith.muli %arg1, %mul3A_64 : i32
      %add3A_66 = arith.constant 280 : i32
      %add3A_67 = arith.addi %mul3A_65, %add3A_66 : i32
      "tpu.region"() ({
        %run_scoped3A = tpu.sem_alloc : memref<!tpu.dma_semaphore, #tpu.memory_space<semaphore_mem>>
        %dma_start3A = arith.constant 0 : i32
        %dma_start3A_136 = tpu.memref_slice %arg6[%add3A_67, %dma_start3A] : memref<10016x128xf32, #tpu.memory_space<vmem_shared>> -> memref<40x128xf32, #tpu.memory_space<vmem_shared>>
        %dma_start3A_137 = arith.constant 0 : i32
        %dma_start3A_138 = tpu.memref_slice %arg6[%add3A_67, %dma_start3A_137] : memref<10016x128xf32, #tpu.memory_space<vmem_shared>> -> memref<40x128xf32, #tpu.memory_space<vmem_shared>>
        tpu.enqueue_dma source(%arg10 : memref<40x128xf32, #tpu.memory_space<vmem>>) target(%dma_start3A_138 : memref<40x128xf32, #tpu.memory_space<vmem_shared>>) target_semaphore(%run_scoped3A : memref<!tpu.dma_semaphore, #tpu.memory_space<semaphore_mem>>)
        %dma_wait3A = arith.constant 0 : i32
        %dma_wait3A_139 = tpu.memref_slice %arg6[%add3A_67, %dma_wait3A] : memref<10016x128xf32, #tpu.memory_space<vmem_shared>> -> memref<40x128xf32, #tpu.memory_space<vmem_shared>>
        %dma_wait3A_140 = arith.constant 0 : i32
        %dma_wait3A_141 = tpu.memref_slice %arg6[%add3A_67, %dma_wait3A_140] : memref<10016x128xf32, #tpu.memory_space<vmem_shared>> -> memref<40x128xf32, #tpu.memory_space<vmem_shared>>
        tpu.wait_dma2 semaphore(%run_scoped3A : memref<!tpu.dma_semaphore, #tpu.memory_space<semaphore_mem>>) src(%arg10 : memref<40x128xf32, #tpu.memory_space<vmem>>) dst(%dma_wait3A_141 : memref<40x128xf32, #tpu.memory_space<vmem_shared>>)
        tpu.yield
      }) : () -> ()
      %mul3A_68 = arith.constant 1000 : i32
      %mul3A_69 = arith.muli %arg1, %mul3A_68 : i32
      %add3A_70 = arith.constant 320 : i32
      %add3A_71 = arith.addi %mul3A_69, %add3A_70 : i32
      "tpu.region"() ({
        %run_scoped3A = tpu.sem_alloc : memref<!tpu.dma_semaphore, #tpu.memory_space<semaphore_mem>>
        %dma_start3A = arith.constant 0 : i32
        %dma_start3A_136 = tpu.memref_slice %arg6[%add3A_71, %dma_start3A] : memref<10016x128xf32, #tpu.memory_space<vmem_shared>> -> memref<40x128xf32, #tpu.memory_space<vmem_shared>>
        %dma_start3A_137 = arith.constant 0 : i32
        %dma_start3A_138 = tpu.memref_slice %arg6[%add3A_71, %dma_start3A_137] : memref<10016x128xf32, #tpu.memory_space<vmem_shared>> -> memref<40x128xf32, #tpu.memory_space<vmem_shared>>
        tpu.enqueue_dma source(%arg10 : memref<40x128xf32, #tpu.memory_space<vmem>>) target(%dma_start3A_138 : memref<40x128xf32, #tpu.memory_space<vmem_shared>>) target_semaphore(%run_scoped3A : memref<!tpu.dma_semaphore, #tpu.memory_space<semaphore_mem>>)
        %dma_wait3A = arith.constant 0 : i32
        %dma_wait3A_139 = tpu.memref_slice %arg6[%add3A_71, %dma_wait3A] : memref<10016x128xf32, #tpu.memory_space<vmem_shared>> -> memref<40x128xf32, #tpu.memory_space<vmem_shared>>
        %dma_wait3A_140 = arith.constant 0 : i32
        %dma_wait3A_141 = tpu.memref_slice %arg6[%add3A_71, %dma_wait3A_140] : memref<10016x128xf32, #tpu.memory_space<vmem_shared>> -> memref<40x128xf32, #tpu.memory_space<vmem_shared>>
        tpu.wait_dma2 semaphore(%run_scoped3A : memref<!tpu.dma_semaphore, #tpu.memory_space<semaphore_mem>>) src(%arg10 : memref<40x128xf32, #tpu.memory_space<vmem>>) dst(%dma_wait3A_141 : memref<40x128xf32, #tpu.memory_space<vmem_shared>>)
        tpu.yield
      }) : () -> ()
      %mul3A_72 = arith.constant 1000 : i32
      %mul3A_73 = arith.muli %arg1, %mul3A_72 : i32
      %add3A_74 = arith.constant 360 : i32
      %add3A_75 = arith.addi %mul3A_73, %add3A_74 : i32
      "tpu.region"() ({
        %run_scoped3A = tpu.sem_alloc : memref<!tpu.dma_semaphore, #tpu.memory_space<semaphore_mem>>
        %dma_start3A = arith.constant 0 : i32
        %dma_start3A_136 = tpu.memref_slice %arg6[%add3A_75, %dma_start3A] : memref<10016x128xf32, #tpu.memory_space<vmem_shared>> -> memref<40x128xf32, #tpu.memory_space<vmem_shared>>
        %dma_start3A_137 = arith.constant 0 : i32
        %dma_start3A_138 = tpu.memref_slice %arg6[%add3A_75, %dma_start3A_137] : memref<10016x128xf32, #tpu.memory_space<vmem_shared>> -> memref<40x128xf32, #tpu.memory_space<vmem_shared>>
        tpu.enqueue_dma source(%arg10 : memref<40x128xf32, #tpu.memory_space<vmem>>) target(%dma_start3A_138 : memref<40x128xf32, #tpu.memory_space<vmem_shared>>) target_semaphore(%run_scoped3A : memref<!tpu.dma_semaphore, #tpu.memory_space<semaphore_mem>>)
        %dma_wait3A = arith.constant 0 : i32
        %dma_wait3A_139 = tpu.memref_slice %arg6[%add3A_75, %dma_wait3A] : memref<10016x128xf32, #tpu.memory_space<vmem_shared>> -> memref<40x128xf32, #tpu.memory_space<vmem_shared>>
        %dma_wait3A_140 = arith.constant 0 : i32
        %dma_wait3A_141 = tpu.memref_slice %arg6[%add3A_75, %dma_wait3A_140] : memref<10016x128xf32, #tpu.memory_space<vmem_shared>> -> memref<40x128xf32, #tpu.memory_space<vmem_shared>>
        tpu.wait_dma2 semaphore(%run_scoped3A : memref<!tpu.dma_semaphore, #tpu.memory_space<semaphore_mem>>) src(%arg10 : memref<40x128xf32, #tpu.memory_space<vmem>>) dst(%dma_wait3A_141 : memref<40x128xf32, #tpu.memory_space<vmem_shared>>)
        tpu.yield
      }) : () -> ()
      %mul3A_76 = arith.constant 1000 : i32
      %mul3A_77 = arith.muli %arg1, %mul3A_76 : i32
      %add3A_78 = arith.constant 400 : i32
      %add3A_79 = arith.addi %mul3A_77, %add3A_78 : i32
      "tpu.region"() ({
        %run_scoped3A = tpu.sem_alloc : memref<!tpu.dma_semaphore, #tpu.memory_space<semaphore_mem>>
        %dma_start3A = arith.constant 0 : i32
        %dma_start3A_136 = tpu.memref_slice %arg6[%add3A_79, %dma_start3A] : memref<10016x128xf32, #tpu.memory_space<vmem_shared>> -> memref<40x128xf32, #tpu.memory_space<vmem_shared>>
        %dma_start3A_137 = arith.constant 0 : i32
        %dma_start3A_138 = tpu.memref_slice %arg6[%add3A_79, %dma_start3A_137] : memref<10016x128xf32, #tpu.memory_space<vmem_shared>> -> memref<40x128xf32, #tpu.memory_space<vmem_shared>>
        tpu.enqueue_dma source(%arg10 : memref<40x128xf32, #tpu.memory_space<vmem>>) target(%dma_start3A_138 : memref<40x128xf32, #tpu.memory_space<vmem_shared>>) target_semaphore(%run_scoped3A : memref<!tpu.dma_semaphore, #tpu.memory_space<semaphore_mem>>)
        %dma_wait3A = arith.constant 0 : i32
        %dma_wait3A_139 = tpu.memref_slice %arg6[%add3A_79, %dma_wait3A] : memref<10016x128xf32, #tpu.memory_space<vmem_shared>> -> memref<40x128xf32, #tpu.memory_space<vmem_shared>>
        %dma_wait3A_140 = arith.constant 0 : i32
        %dma_wait3A_141 = tpu.memref_slice %arg6[%add3A_79, %dma_wait3A_140] : memref<10016x128xf32, #tpu.memory_space<vmem_shared>> -> memref<40x128xf32, #tpu.memory_space<vmem_shared>>
        tpu.wait_dma2 semaphore(%run_scoped3A : memref<!tpu.dma_semaphore, #tpu.memory_space<semaphore_mem>>) src(%arg10 : memref<40x128xf32, #tpu.memory_space<vmem>>) dst(%dma_wait3A_141 : memref<40x128xf32, #tpu.memory_space<vmem_shared>>)
        tpu.yield
      }) : () -> ()
      %mul3A_80 = arith.constant 1000 : i32
      %mul3A_81 = arith.muli %arg1, %mul3A_80 : i32
      %add3A_82 = arith.constant 440 : i32
      %add3A_83 = arith.addi %mul3A_81, %add3A_82 : i32
      "tpu.region"() ({
        %run_scoped3A = tpu.sem_alloc : memref<!tpu.dma_semaphore, #tpu.memory_space<semaphore_mem>>
        %dma_start3A = arith.constant 0 : i32
        %dma_start3A_136 = tpu.memref_slice %arg6[%add3A_83, %dma_start3A] : memref<10016x128xf32, #tpu.memory_space<vmem_shared>> -> memref<40x128xf32, #tpu.memory_space<vmem_shared>>
        %dma_start3A_137 = arith.constant 0 : i32
        %dma_start3A_138 = tpu.memref_slice %arg6[%add3A_83, %dma_start3A_137] : memref<10016x128xf32, #tpu.memory_space<vmem_shared>> -> memref<40x128xf32, #tpu.memory_space<vmem_shared>>
        tpu.enqueue_dma source(%arg10 : memref<40x128xf32, #tpu.memory_space<vmem>>) target(%dma_start3A_138 : memref<40x128xf32, #tpu.memory_space<vmem_shared>>) target_semaphore(%run_scoped3A : memref<!tpu.dma_semaphore, #tpu.memory_space<semaphore_mem>>)
        %dma_wait3A = arith.constant 0 : i32
        %dma_wait3A_139 = tpu.memref_slice %arg6[%add3A_83, %dma_wait3A] : memref<10016x128xf32, #tpu.memory_space<vmem_shared>> -> memref<40x128xf32, #tpu.memory_space<vmem_shared>>
        %dma_wait3A_140 = arith.constant 0 : i32
        %dma_wait3A_141 = tpu.memref_slice %arg6[%add3A_83, %dma_wait3A_140] : memref<10016x128xf32, #tpu.memory_space<vmem_shared>> -> memref<40x128xf32, #tpu.memory_space<vmem_shared>>
        tpu.wait_dma2 semaphore(%run_scoped3A : memref<!tpu.dma_semaphore, #tpu.memory_space<semaphore_mem>>) src(%arg10 : memref<40x128xf32, #tpu.memory_space<vmem>>) dst(%dma_wait3A_141 : memref<40x128xf32, #tpu.memory_space<vmem_shared>>)
        tpu.yield
      }) : () -> ()
      %mul3A_84 = arith.constant 1000 : i32
      %mul3A_85 = arith.muli %arg1, %mul3A_84 : i32
      %add3A_86 = arith.constant 480 : i32
      %add3A_87 = arith.addi %mul3A_85, %add3A_86 : i32
      "tpu.region"() ({
        %run_scoped3A = tpu.sem_alloc : memref<!tpu.dma_semaphore, #tpu.memory_space<semaphore_mem>>
        %dma_start3A = arith.constant 0 : i32
        %dma_start3A_136 = tpu.memref_slice %arg6[%add3A_87, %dma_start3A] : memref<10016x128xf32, #tpu.memory_space<vmem_shared>> -> memref<40x128xf32, #tpu.memory_space<vmem_shared>>
        %dma_start3A_137 = arith.constant 0 : i32
        %dma_start3A_138 = tpu.memref_slice %arg6[%add3A_87, %dma_start3A_137] : memref<10016x128xf32, #tpu.memory_space<vmem_shared>> -> memref<40x128xf32, #tpu.memory_space<vmem_shared>>
        tpu.enqueue_dma source(%arg10 : memref<40x128xf32, #tpu.memory_space<vmem>>) target(%dma_start3A_138 : memref<40x128xf32, #tpu.memory_space<vmem_shared>>) target_semaphore(%run_scoped3A : memref<!tpu.dma_semaphore, #tpu.memory_space<semaphore_mem>>)
        %dma_wait3A = arith.constant 0 : i32
        %dma_wait3A_139 = tpu.memref_slice %arg6[%add3A_87, %dma_wait3A] : memref<10016x128xf32, #tpu.memory_space<vmem_shared>> -> memref<40x128xf32, #tpu.memory_space<vmem_shared>>
        %dma_wait3A_140 = arith.constant 0 : i32
        %dma_wait3A_141 = tpu.memref_slice %arg6[%add3A_87, %dma_wait3A_140] : memref<10016x128xf32, #tpu.memory_space<vmem_shared>> -> memref<40x128xf32, #tpu.memory_space<vmem_shared>>
        tpu.wait_dma2 semaphore(%run_scoped3A : memref<!tpu.dma_semaphore, #tpu.memory_space<semaphore_mem>>) src(%arg10 : memref<40x128xf32, #tpu.memory_space<vmem>>) dst(%dma_wait3A_141 : memref<40x128xf32, #tpu.memory_space<vmem_shared>>)
        tpu.yield
      }) : () -> ()
      %mul3A_88 = arith.constant 1000 : i32
      %mul3A_89 = arith.muli %arg1, %mul3A_88 : i32
      %add3A_90 = arith.constant 520 : i32
      %add3A_91 = arith.addi %mul3A_89, %add3A_90 : i32
      "tpu.region"() ({
        %run_scoped3A = tpu.sem_alloc : memref<!tpu.dma_semaphore, #tpu.memory_space<semaphore_mem>>
        %dma_start3A = arith.constant 0 : i32
        %dma_start3A_136 = tpu.memref_slice %arg6[%add3A_91, %dma_start3A] : memref<10016x128xf32, #tpu.memory_space<vmem_shared>> -> memref<40x128xf32, #tpu.memory_space<vmem_shared>>
        %dma_start3A_137 = arith.constant 0 : i32
        %dma_start3A_138 = tpu.memref_slice %arg6[%add3A_91, %dma_start3A_137] : memref<10016x128xf32, #tpu.memory_space<vmem_shared>> -> memref<40x128xf32, #tpu.memory_space<vmem_shared>>
        tpu.enqueue_dma source(%arg10 : memref<40x128xf32, #tpu.memory_space<vmem>>) target(%dma_start3A_138 : memref<40x128xf32, #tpu.memory_space<vmem_shared>>) target_semaphore(%run_scoped3A : memref<!tpu.dma_semaphore, #tpu.memory_space<semaphore_mem>>)
        %dma_wait3A = arith.constant 0 : i32
        %dma_wait3A_139 = tpu.memref_slice %arg6[%add3A_91, %dma_wait3A] : memref<10016x128xf32, #tpu.memory_space<vmem_shared>> -> memref<40x128xf32, #tpu.memory_space<vmem_shared>>
        %dma_wait3A_140 = arith.constant 0 : i32
        %dma_wait3A_141 = tpu.memref_slice %arg6[%add3A_91, %dma_wait3A_140] : memref<10016x128xf32, #tpu.memory_space<vmem_shared>> -> memref<40x128xf32, #tpu.memory_space<vmem_shared>>
        tpu.wait_dma2 semaphore(%run_scoped3A : memref<!tpu.dma_semaphore, #tpu.memory_space<semaphore_mem>>) src(%arg10 : memref<40x128xf32, #tpu.memory_space<vmem>>) dst(%dma_wait3A_141 : memref<40x128xf32, #tpu.memory_space<vmem_shared>>)
        tpu.yield
      }) : () -> ()
      %mul3A_92 = arith.constant 1000 : i32
      %mul3A_93 = arith.muli %arg1, %mul3A_92 : i32
      %add3A_94 = arith.constant 560 : i32
      %add3A_95 = arith.addi %mul3A_93, %add3A_94 : i32
      "tpu.region"() ({
        %run_scoped3A = tpu.sem_alloc : memref<!tpu.dma_semaphore, #tpu.memory_space<semaphore_mem>>
        %dma_start3A = arith.constant 0 : i32
        %dma_start3A_136 = tpu.memref_slice %arg6[%add3A_95, %dma_start3A] : memref<10016x128xf32, #tpu.memory_space<vmem_shared>> -> memref<40x128xf32, #tpu.memory_space<vmem_shared>>
        %dma_start3A_137 = arith.constant 0 : i32
        %dma_start3A_138 = tpu.memref_slice %arg6[%add3A_95, %dma_start3A_137] : memref<10016x128xf32, #tpu.memory_space<vmem_shared>> -> memref<40x128xf32, #tpu.memory_space<vmem_shared>>
        tpu.enqueue_dma source(%arg10 : memref<40x128xf32, #tpu.memory_space<vmem>>) target(%dma_start3A_138 : memref<40x128xf32, #tpu.memory_space<vmem_shared>>) target_semaphore(%run_scoped3A : memref<!tpu.dma_semaphore, #tpu.memory_space<semaphore_mem>>)
        %dma_wait3A = arith.constant 0 : i32
        %dma_wait3A_139 = tpu.memref_slice %arg6[%add3A_95, %dma_wait3A] : memref<10016x128xf32, #tpu.memory_space<vmem_shared>> -> memref<40x128xf32, #tpu.memory_space<vmem_shared>>
        %dma_wait3A_140 = arith.constant 0 : i32
        %dma_wait3A_141 = tpu.memref_slice %arg6[%add3A_95, %dma_wait3A_140] : memref<10016x128xf32, #tpu.memory_space<vmem_shared>> -> memref<40x128xf32, #tpu.memory_space<vmem_shared>>
        tpu.wait_dma2 semaphore(%run_scoped3A : memref<!tpu.dma_semaphore, #tpu.memory_space<semaphore_mem>>) src(%arg10 : memref<40x128xf32, #tpu.memory_space<vmem>>) dst(%dma_wait3A_141 : memref<40x128xf32, #tpu.memory_space<vmem_shared>>)
        tpu.yield
      }) : () -> ()
      %mul3A_96 = arith.constant 1000 : i32
      %mul3A_97 = arith.muli %arg1, %mul3A_96 : i32
      %add3A_98 = arith.constant 600 : i32
      %add3A_99 = arith.addi %mul3A_97, %add3A_98 : i32
      "tpu.region"() ({
        %run_scoped3A = tpu.sem_alloc : memref<!tpu.dma_semaphore, #tpu.memory_space<semaphore_mem>>
        %dma_start3A = arith.constant 0 : i32
        %dma_start3A_136 = tpu.memref_slice %arg6[%add3A_99, %dma_start3A] : memref<10016x128xf32, #tpu.memory_space<vmem_shared>> -> memref<40x128xf32, #tpu.memory_space<vmem_shared>>
        %dma_start3A_137 = arith.constant 0 : i32
        %dma_start3A_138 = tpu.memref_slice %arg6[%add3A_99, %dma_start3A_137] : memref<10016x128xf32, #tpu.memory_space<vmem_shared>> -> memref<40x128xf32, #tpu.memory_space<vmem_shared>>
        tpu.enqueue_dma source(%arg10 : memref<40x128xf32, #tpu.memory_space<vmem>>) target(%dma_start3A_138 : memref<40x128xf32, #tpu.memory_space<vmem_shared>>) target_semaphore(%run_scoped3A : memref<!tpu.dma_semaphore, #tpu.memory_space<semaphore_mem>>)
        %dma_wait3A = arith.constant 0 : i32
        %dma_wait3A_139 = tpu.memref_slice %arg6[%add3A_99, %dma_wait3A] : memref<10016x128xf32, #tpu.memory_space<vmem_shared>> -> memref<40x128xf32, #tpu.memory_space<vmem_shared>>
        %dma_wait3A_140 = arith.constant 0 : i32
        %dma_wait3A_141 = tpu.memref_slice %arg6[%add3A_99, %dma_wait3A_140] : memref<10016x128xf32, #tpu.memory_space<vmem_shared>> -> memref<40x128xf32, #tpu.memory_space<vmem_shared>>
        tpu.wait_dma2 semaphore(%run_scoped3A : memref<!tpu.dma_semaphore, #tpu.memory_space<semaphore_mem>>) src(%arg10 : memref<40x128xf32, #tpu.memory_space<vmem>>) dst(%dma_wait3A_141 : memref<40x128xf32, #tpu.memory_space<vmem_shared>>)
        tpu.yield
      }) : () -> ()
      %mul3A_100 = arith.constant 1000 : i32
      %mul3A_101 = arith.muli %arg1, %mul3A_100 : i32
      %add3A_102 = arith.constant 640 : i32
      %add3A_103 = arith.addi %mul3A_101, %add3A_102 : i32
      "tpu.region"() ({
        %run_scoped3A = tpu.sem_alloc : memref<!tpu.dma_semaphore, #tpu.memory_space<semaphore_mem>>
        %dma_start3A = arith.constant 0 : i32
        %dma_start3A_136 = tpu.memref_slice %arg6[%add3A_103, %dma_start3A] : memref<10016x128xf32, #tpu.memory_space<vmem_shared>> -> memref<40x128xf32, #tpu.memory_space<vmem_shared>>
        %dma_start3A_137 = arith.constant 0 : i32
        %dma_start3A_138 = tpu.memref_slice %arg6[%add3A_103, %dma_start3A_137] : memref<10016x128xf32, #tpu.memory_space<vmem_shared>> -> memref<40x128xf32, #tpu.memory_space<vmem_shared>>
        tpu.enqueue_dma source(%arg10 : memref<40x128xf32, #tpu.memory_space<vmem>>) target(%dma_start3A_138 : memref<40x128xf32, #tpu.memory_space<vmem_shared>>) target_semaphore(%run_scoped3A : memref<!tpu.dma_semaphore, #tpu.memory_space<semaphore_mem>>)
        %dma_wait3A = arith.constant 0 : i32
        %dma_wait3A_139 = tpu.memref_slice %arg6[%add3A_103, %dma_wait3A] : memref<10016x128xf32, #tpu.memory_space<vmem_shared>> -> memref<40x128xf32, #tpu.memory_space<vmem_shared>>
        %dma_wait3A_140 = arith.constant 0 : i32
        %dma_wait3A_141 = tpu.memref_slice %arg6[%add3A_103, %dma_wait3A_140] : memref<10016x128xf32, #tpu.memory_space<vmem_shared>> -> memref<40x128xf32, #tpu.memory_space<vmem_shared>>
        tpu.wait_dma2 semaphore(%run_scoped3A : memref<!tpu.dma_semaphore, #tpu.memory_space<semaphore_mem>>) src(%arg10 : memref<40x128xf32, #tpu.memory_space<vmem>>) dst(%dma_wait3A_141 : memref<40x128xf32, #tpu.memory_space<vmem_shared>>)
        tpu.yield
      }) : () -> ()
      %mul3A_104 = arith.constant 1000 : i32
      %mul3A_105 = arith.muli %arg1, %mul3A_104 : i32
      %add3A_106 = arith.constant 680 : i32
      %add3A_107 = arith.addi %mul3A_105, %add3A_106 : i32
      "tpu.region"() ({
        %run_scoped3A = tpu.sem_alloc : memref<!tpu.dma_semaphore, #tpu.memory_space<semaphore_mem>>
        %dma_start3A = arith.constant 0 : i32
        %dma_start3A_136 = tpu.memref_slice %arg6[%add3A_107, %dma_start3A] : memref<10016x128xf32, #tpu.memory_space<vmem_shared>> -> memref<40x128xf32, #tpu.memory_space<vmem_shared>>
        %dma_start3A_137 = arith.constant 0 : i32
        %dma_start3A_138 = tpu.memref_slice %arg6[%add3A_107, %dma_start3A_137] : memref<10016x128xf32, #tpu.memory_space<vmem_shared>> -> memref<40x128xf32, #tpu.memory_space<vmem_shared>>
        tpu.enqueue_dma source(%arg10 : memref<40x128xf32, #tpu.memory_space<vmem>>) target(%dma_start3A_138 : memref<40x128xf32, #tpu.memory_space<vmem_shared>>) target_semaphore(%run_scoped3A : memref<!tpu.dma_semaphore, #tpu.memory_space<semaphore_mem>>)
        %dma_wait3A = arith.constant 0 : i32
        %dma_wait3A_139 = tpu.memref_slice %arg6[%add3A_107, %dma_wait3A] : memref<10016x128xf32, #tpu.memory_space<vmem_shared>> -> memref<40x128xf32, #tpu.memory_space<vmem_shared>>
        %dma_wait3A_140 = arith.constant 0 : i32
        %dma_wait3A_141 = tpu.memref_slice %arg6[%add3A_107, %dma_wait3A_140] : memref<10016x128xf32, #tpu.memory_space<vmem_shared>> -> memref<40x128xf32, #tpu.memory_space<vmem_shared>>
        tpu.wait_dma2 semaphore(%run_scoped3A : memref<!tpu.dma_semaphore, #tpu.memory_space<semaphore_mem>>) src(%arg10 : memref<40x128xf32, #tpu.memory_space<vmem>>) dst(%dma_wait3A_141 : memref<40x128xf32, #tpu.memory_space<vmem_shared>>)
        tpu.yield
      }) : () -> ()
      %mul3A_108 = arith.constant 1000 : i32
      %mul3A_109 = arith.muli %arg1, %mul3A_108 : i32
      %add3A_110 = arith.constant 720 : i32
      %add3A_111 = arith.addi %mul3A_109, %add3A_110 : i32
      "tpu.region"() ({
        %run_scoped3A = tpu.sem_alloc : memref<!tpu.dma_semaphore, #tpu.memory_space<semaphore_mem>>
        %dma_start3A = arith.constant 0 : i32
        %dma_start3A_136 = tpu.memref_slice %arg6[%add3A_111, %dma_start3A] : memref<10016x128xf32, #tpu.memory_space<vmem_shared>> -> memref<40x128xf32, #tpu.memory_space<vmem_shared>>
        %dma_start3A_137 = arith.constant 0 : i32
        %dma_start3A_138 = tpu.memref_slice %arg6[%add3A_111, %dma_start3A_137] : memref<10016x128xf32, #tpu.memory_space<vmem_shared>> -> memref<40x128xf32, #tpu.memory_space<vmem_shared>>
        tpu.enqueue_dma source(%arg10 : memref<40x128xf32, #tpu.memory_space<vmem>>) target(%dma_start3A_138 : memref<40x128xf32, #tpu.memory_space<vmem_shared>>) target_semaphore(%run_scoped3A : memref<!tpu.dma_semaphore, #tpu.memory_space<semaphore_mem>>)
        %dma_wait3A = arith.constant 0 : i32
        %dma_wait3A_139 = tpu.memref_slice %arg6[%add3A_111, %dma_wait3A] : memref<10016x128xf32, #tpu.memory_space<vmem_shared>> -> memref<40x128xf32, #tpu.memory_space<vmem_shared>>
        %dma_wait3A_140 = arith.constant 0 : i32
        %dma_wait3A_141 = tpu.memref_slice %arg6[%add3A_111, %dma_wait3A_140] : memref<10016x128xf32, #tpu.memory_space<vmem_shared>> -> memref<40x128xf32, #tpu.memory_space<vmem_shared>>
        tpu.wait_dma2 semaphore(%run_scoped3A : memref<!tpu.dma_semaphore, #tpu.memory_space<semaphore_mem>>) src(%arg10 : memref<40x128xf32, #tpu.memory_space<vmem>>) dst(%dma_wait3A_141 : memref<40x128xf32, #tpu.memory_space<vmem_shared>>)
        tpu.yield
      }) : () -> ()
      %mul3A_112 = arith.constant 1000 : i32
      %mul3A_113 = arith.muli %arg1, %mul3A_112 : i32
      %add3A_114 = arith.constant 760 : i32
      %add3A_115 = arith.addi %mul3A_113, %add3A_114 : i32
      "tpu.region"() ({
        %run_scoped3A = tpu.sem_alloc : memref<!tpu.dma_semaphore, #tpu.memory_space<semaphore_mem>>
        %dma_start3A = arith.constant 0 : i32
        %dma_start3A_136 = tpu.memref_slice %arg6[%add3A_115, %dma_start3A] : memref<10016x128xf32, #tpu.memory_space<vmem_shared>> -> memref<40x128xf32, #tpu.memory_space<vmem_shared>>
        %dma_start3A_137 = arith.constant 0 : i32
        %dma_start3A_138 = tpu.memref_slice %arg6[%add3A_115, %dma_start3A_137] : memref<10016x128xf32, #tpu.memory_space<vmem_shared>> -> memref<40x128xf32, #tpu.memory_space<vmem_shared>>
        tpu.enqueue_dma source(%arg10 : memref<40x128xf32, #tpu.memory_space<vmem>>) target(%dma_start3A_138 : memref<40x128xf32, #tpu.memory_space<vmem_shared>>) target_semaphore(%run_scoped3A : memref<!tpu.dma_semaphore, #tpu.memory_space<semaphore_mem>>)
        %dma_wait3A = arith.constant 0 : i32
        %dma_wait3A_139 = tpu.memref_slice %arg6[%add3A_115, %dma_wait3A] : memref<10016x128xf32, #tpu.memory_space<vmem_shared>> -> memref<40x128xf32, #tpu.memory_space<vmem_shared>>
        %dma_wait3A_140 = arith.constant 0 : i32
        %dma_wait3A_141 = tpu.memref_slice %arg6[%add3A_115, %dma_wait3A_140] : memref<10016x128xf32, #tpu.memory_space<vmem_shared>> -> memref<40x128xf32, #tpu.memory_space<vmem_shared>>
        tpu.wait_dma2 semaphore(%run_scoped3A : memref<!tpu.dma_semaphore, #tpu.memory_space<semaphore_mem>>) src(%arg10 : memref<40x128xf32, #tpu.memory_space<vmem>>) dst(%dma_wait3A_141 : memref<40x128xf32, #tpu.memory_space<vmem_shared>>)
        tpu.yield
      }) : () -> ()
      %mul3A_116 = arith.constant 1000 : i32
      %mul3A_117 = arith.muli %arg1, %mul3A_116 : i32
      %add3A_118 = arith.constant 800 : i32
      %add3A_119 = arith.addi %mul3A_117, %add3A_118 : i32
      "tpu.region"() ({
        %run_scoped3A = tpu.sem_alloc : memref<!tpu.dma_semaphore, #tpu.memory_space<semaphore_mem>>
        %dma_start3A = arith.constant 0 : i32
        %dma_start3A_136 = tpu.memref_slice %arg6[%add3A_119, %dma_start3A] : memref<10016x128xf32, #tpu.memory_space<vmem_shared>> -> memref<40x128xf32, #tpu.memory_space<vmem_shared>>
        %dma_start3A_137 = arith.constant 0 : i32
        %dma_start3A_138 = tpu.memref_slice %arg6[%add3A_119, %dma_start3A_137] : memref<10016x128xf32, #tpu.memory_space<vmem_shared>> -> memref<40x128xf32, #tpu.memory_space<vmem_shared>>
        tpu.enqueue_dma source(%arg10 : memref<40x128xf32, #tpu.memory_space<vmem>>) target(%dma_start3A_138 : memref<40x128xf32, #tpu.memory_space<vmem_shared>>) target_semaphore(%run_scoped3A : memref<!tpu.dma_semaphore, #tpu.memory_space<semaphore_mem>>)
        %dma_wait3A = arith.constant 0 : i32
        %dma_wait3A_139 = tpu.memref_slice %arg6[%add3A_119, %dma_wait3A] : memref<10016x128xf32, #tpu.memory_space<vmem_shared>> -> memref<40x128xf32, #tpu.memory_space<vmem_shared>>
        %dma_wait3A_140 = arith.constant 0 : i32
        %dma_wait3A_141 = tpu.memref_slice %arg6[%add3A_119, %dma_wait3A_140] : memref<10016x128xf32, #tpu.memory_space<vmem_shared>> -> memref<40x128xf32, #tpu.memory_space<vmem_shared>>
        tpu.wait_dma2 semaphore(%run_scoped3A : memref<!tpu.dma_semaphore, #tpu.memory_space<semaphore_mem>>) src(%arg10 : memref<40x128xf32, #tpu.memory_space<vmem>>) dst(%dma_wait3A_141 : memref<40x128xf32, #tpu.memory_space<vmem_shared>>)
        tpu.yield
      }) : () -> ()
      %mul3A_120 = arith.constant 1000 : i32
      %mul3A_121 = arith.muli %arg1, %mul3A_120 : i32
      %add3A_122 = arith.constant 840 : i32
      %add3A_123 = arith.addi %mul3A_121, %add3A_122 : i32
      "tpu.region"() ({
        %run_scoped3A = tpu.sem_alloc : memref<!tpu.dma_semaphore, #tpu.memory_space<semaphore_mem>>
        %dma_start3A = arith.constant 0 : i32
        %dma_start3A_136 = tpu.memref_slice %arg6[%add3A_123, %dma_start3A] : memref<10016x128xf32, #tpu.memory_space<vmem_shared>> -> memref<40x128xf32, #tpu.memory_space<vmem_shared>>
        %dma_start3A_137 = arith.constant 0 : i32
        %dma_start3A_138 = tpu.memref_slice %arg6[%add3A_123, %dma_start3A_137] : memref<10016x128xf32, #tpu.memory_space<vmem_shared>> -> memref<40x128xf32, #tpu.memory_space<vmem_shared>>
        tpu.enqueue_dma source(%arg10 : memref<40x128xf32, #tpu.memory_space<vmem>>) target(%dma_start3A_138 : memref<40x128xf32, #tpu.memory_space<vmem_shared>>) target_semaphore(%run_scoped3A : memref<!tpu.dma_semaphore, #tpu.memory_space<semaphore_mem>>)
        %dma_wait3A = arith.constant 0 : i32
        %dma_wait3A_139 = tpu.memref_slice %arg6[%add3A_123, %dma_wait3A] : memref<10016x128xf32, #tpu.memory_space<vmem_shared>> -> memref<40x128xf32, #tpu.memory_space<vmem_shared>>
        %dma_wait3A_140 = arith.constant 0 : i32
        %dma_wait3A_141 = tpu.memref_slice %arg6[%add3A_123, %dma_wait3A_140] : memref<10016x128xf32, #tpu.memory_space<vmem_shared>> -> memref<40x128xf32, #tpu.memory_space<vmem_shared>>
        tpu.wait_dma2 semaphore(%run_scoped3A : memref<!tpu.dma_semaphore, #tpu.memory_space<semaphore_mem>>) src(%arg10 : memref<40x128xf32, #tpu.memory_space<vmem>>) dst(%dma_wait3A_141 : memref<40x128xf32, #tpu.memory_space<vmem_shared>>)
        tpu.yield
      }) : () -> ()
      %mul3A_124 = arith.constant 1000 : i32
      %mul3A_125 = arith.muli %arg1, %mul3A_124 : i32
      %add3A_126 = arith.constant 880 : i32
      %add3A_127 = arith.addi %mul3A_125, %add3A_126 : i32
      "tpu.region"() ({
        %run_scoped3A = tpu.sem_alloc : memref<!tpu.dma_semaphore, #tpu.memory_space<semaphore_mem>>
        %dma_start3A = arith.constant 0 : i32
        %dma_start3A_136 = tpu.memref_slice %arg6[%add3A_127, %dma_start3A] : memref<10016x128xf32, #tpu.memory_space<vmem_shared>> -> memref<40x128xf32, #tpu.memory_space<vmem_shared>>
        %dma_start3A_137 = arith.constant 0 : i32
        %dma_start3A_138 = tpu.memref_slice %arg6[%add3A_127, %dma_start3A_137] : memref<10016x128xf32, #tpu.memory_space<vmem_shared>> -> memref<40x128xf32, #tpu.memory_space<vmem_shared>>
        tpu.enqueue_dma source(%arg10 : memref<40x128xf32, #tpu.memory_space<vmem>>) target(%dma_start3A_138 : memref<40x128xf32, #tpu.memory_space<vmem_shared>>) target_semaphore(%run_scoped3A : memref<!tpu.dma_semaphore, #tpu.memory_space<semaphore_mem>>)
        %dma_wait3A = arith.constant 0 : i32
        %dma_wait3A_139 = tpu.memref_slice %arg6[%add3A_127, %dma_wait3A] : memref<10016x128xf32, #tpu.memory_space<vmem_shared>> -> memref<40x128xf32, #tpu.memory_space<vmem_shared>>
        %dma_wait3A_140 = arith.constant 0 : i32
        %dma_wait3A_141 = tpu.memref_slice %arg6[%add3A_127, %dma_wait3A_140] : memref<10016x128xf32, #tpu.memory_space<vmem_shared>> -> memref<40x128xf32, #tpu.memory_space<vmem_shared>>
        tpu.wait_dma2 semaphore(%run_scoped3A : memref<!tpu.dma_semaphore, #tpu.memory_space<semaphore_mem>>) src(%arg10 : memref<40x128xf32, #tpu.memory_space<vmem>>) dst(%dma_wait3A_141 : memref<40x128xf32, #tpu.memory_space<vmem_shared>>)
        tpu.yield
      }) : () -> ()
      %mul3A_128 = arith.constant 1000 : i32
      %mul3A_129 = arith.muli %arg1, %mul3A_128 : i32
      %add3A_130 = arith.constant 920 : i32
      %add3A_131 = arith.addi %mul3A_129, %add3A_130 : i32
      "tpu.region"() ({
        %run_scoped3A = tpu.sem_alloc : memref<!tpu.dma_semaphore, #tpu.memory_space<semaphore_mem>>
        %dma_start3A = arith.constant 0 : i32
        %dma_start3A_136 = tpu.memref_slice %arg6[%add3A_131, %dma_start3A] : memref<10016x128xf32, #tpu.memory_space<vmem_shared>> -> memref<40x128xf32, #tpu.memory_space<vmem_shared>>
        %dma_start3A_137 = arith.constant 0 : i32
        %dma_start3A_138 = tpu.memref_slice %arg6[%add3A_131, %dma_start3A_137] : memref<10016x128xf32, #tpu.memory_space<vmem_shared>> -> memref<40x128xf32, #tpu.memory_space<vmem_shared>>
        tpu.enqueue_dma source(%arg10 : memref<40x128xf32, #tpu.memory_space<vmem>>) target(%dma_start3A_138 : memref<40x128xf32, #tpu.memory_space<vmem_shared>>) target_semaphore(%run_scoped3A : memref<!tpu.dma_semaphore, #tpu.memory_space<semaphore_mem>>)
        %dma_wait3A = arith.constant 0 : i32
        %dma_wait3A_139 = tpu.memref_slice %arg6[%add3A_131, %dma_wait3A] : memref<10016x128xf32, #tpu.memory_space<vmem_shared>> -> memref<40x128xf32, #tpu.memory_space<vmem_shared>>
        %dma_wait3A_140 = arith.constant 0 : i32
        %dma_wait3A_141 = tpu.memref_slice %arg6[%add3A_131, %dma_wait3A_140] : memref<10016x128xf32, #tpu.memory_space<vmem_shared>> -> memref<40x128xf32, #tpu.memory_space<vmem_shared>>
        tpu.wait_dma2 semaphore(%run_scoped3A : memref<!tpu.dma_semaphore, #tpu.memory_space<semaphore_mem>>) src(%arg10 : memref<40x128xf32, #tpu.memory_space<vmem>>) dst(%dma_wait3A_141 : memref<40x128xf32, #tpu.memory_space<vmem_shared>>)
        tpu.yield
      }) : () -> ()
      %mul3A_132 = arith.constant 1000 : i32
      %mul3A_133 = arith.muli %arg1, %mul3A_132 : i32
      %add3A_134 = arith.constant 960 : i32
      %add3A_135 = arith.addi %mul3A_133, %add3A_134 : i32
      "tpu.region"() ({
        %run_scoped3A = tpu.sem_alloc : memref<!tpu.dma_semaphore, #tpu.memory_space<semaphore_mem>>
        %dma_start3A = arith.constant 0 : i32
        %dma_start3A_136 = tpu.memref_slice %arg6[%add3A_135, %dma_start3A] : memref<10016x128xf32, #tpu.memory_space<vmem_shared>> -> memref<40x128xf32, #tpu.memory_space<vmem_shared>>
        %dma_start3A_137 = arith.constant 0 : i32
        %dma_start3A_138 = tpu.memref_slice %arg6[%add3A_135, %dma_start3A_137] : memref<10016x128xf32, #tpu.memory_space<vmem_shared>> -> memref<40x128xf32, #tpu.memory_space<vmem_shared>>
        tpu.enqueue_dma source(%arg10 : memref<40x128xf32, #tpu.memory_space<vmem>>) target(%dma_start3A_138 : memref<40x128xf32, #tpu.memory_space<vmem_shared>>) target_semaphore(%run_scoped3A : memref<!tpu.dma_semaphore, #tpu.memory_space<semaphore_mem>>)
        %dma_wait3A = arith.constant 0 : i32
        %dma_wait3A_139 = tpu.memref_slice %arg6[%add3A_135, %dma_wait3A] : memref<10016x128xf32, #tpu.memory_space<vmem_shared>> -> memref<40x128xf32, #tpu.memory_space<vmem_shared>>
        %dma_wait3A_140 = arith.constant 0 : i32
        %dma_wait3A_141 = tpu.memref_slice %arg6[%add3A_135, %dma_wait3A_140] : memref<10016x128xf32, #tpu.memory_space<vmem_shared>> -> memref<40x128xf32, #tpu.memory_space<vmem_shared>>
        tpu.wait_dma2 semaphore(%run_scoped3A : memref<!tpu.dma_semaphore, #tpu.memory_space<semaphore_mem>>) src(%arg10 : memref<40x128xf32, #tpu.memory_space<vmem>>) dst(%dma_wait3A_141 : memref<40x128xf32, #tpu.memory_space<vmem_shared>>)
        tpu.yield
      }) : () -> ()
    } else {
    }
    %eq3A = arith.constant 10 : i32
    %eq3A_8 = arith.cmpi eq, %arg1, %eq3A : i32
    %convert_element_type3A_9 = arith.extui %eq3A_8 : i1 to i32
    %cond3A_10 = arith.constant 0 : i32
    %cond3A_11 = arith.cmpi ne, %convert_element_type3A_9, %cond3A_10 : i32
    scf.if %cond3A_11 {
      "tpu.region"() ({
        %run_scoped3A = tpu.sem_alloc : memref<!tpu.dma_semaphore, #tpu.memory_space<semaphore_mem>>
        %dma_start3A = arith.constant 0 : i32
        %dma_start3A_37 = arith.constant 0 : i32
        %dma_start3A_38 = tpu.memref_slice %arg10[%dma_start3A, %dma_start3A_37] : memref<40x128xf32, #tpu.memory_space<vmem>> -> memref<16x128xf32, #tpu.memory_space<vmem>>
        %dma_start3A_39 = arith.constant 10000 : i32
        %dma_start3A_40 = arith.constant 0 : i32
        %dma_start3A_41 = tpu.memref_slice %arg6[%dma_start3A_39, %dma_start3A_40] : memref<10016x128xf32, #tpu.memory_space<vmem_shared>> -> memref<16x128xf32, #tpu.memory_space<vmem_shared>>
        %dma_start3A_42 = arith.constant 10000 : i32
        %dma_start3A_43 = arith.constant 0 : i32
        %dma_start3A_44 = tpu.memref_slice %arg6[%dma_start3A_42, %dma_start3A_43] : memref<10016x128xf32, #tpu.memory_space<vmem_shared>> -> memref<16x128xf32, #tpu.memory_space<vmem_shared>>
        %dma_start3A_45 = arith.constant 0 : i32
        %dma_start3A_46 = arith.constant 0 : i32
        %dma_start3A_47 = tpu.memref_slice %arg10[%dma_start3A_45, %dma_start3A_46] : memref<40x128xf32, #tpu.memory_space<vmem>> -> memref<16x128xf32, #tpu.memory_space<vmem>>
        tpu.enqueue_dma source(%dma_start3A_47 : memref<16x128xf32, #tpu.memory_space<vmem>>) target(%dma_start3A_44 : memref<16x128xf32, #tpu.memory_space<vmem_shared>>) target_semaphore(%run_scoped3A : memref<!tpu.dma_semaphore, #tpu.memory_space<semaphore_mem>>)
        %dma_wait3A = arith.constant 0 : i32
        %dma_wait3A_48 = arith.constant 0 : i32
        %dma_wait3A_49 = tpu.memref_slice %arg10[%dma_wait3A, %dma_wait3A_48] : memref<40x128xf32, #tpu.memory_space<vmem>> -> memref<16x128xf32, #tpu.memory_space<vmem>>
        %dma_wait3A_50 = arith.constant 10000 : i32
        %dma_wait3A_51 = arith.constant 0 : i32
        %dma_wait3A_52 = tpu.memref_slice %arg6[%dma_wait3A_50, %dma_wait3A_51] : memref<10016x128xf32, #tpu.memory_space<vmem_shared>> -> memref<16x128xf32, #tpu.memory_space<vmem_shared>>
        %dma_wait3A_53 = arith.constant 10000 : i32
        %dma_wait3A_54 = arith.constant 0 : i32
        %dma_wait3A_55 = tpu.memref_slice %arg6[%dma_wait3A_53, %dma_wait3A_54] : memref<10016x128xf32, #tpu.memory_space<vmem_shared>> -> memref<16x128xf32, #tpu.memory_space<vmem_shared>>
        %dma_wait3A_56 = arith.constant 0 : i32
        %dma_wait3A_57 = arith.constant 0 : i32
        %dma_wait3A_58 = tpu.memref_slice %arg10[%dma_wait3A_56, %dma_wait3A_57] : memref<40x128xf32, #tpu.memory_space<vmem>> -> memref<16x128xf32, #tpu.memory_space<vmem>>
        tpu.wait_dma2 semaphore(%run_scoped3A : memref<!tpu.dma_semaphore, #tpu.memory_space<semaphore_mem>>) src(%dma_wait3A_58 : memref<16x128xf32, #tpu.memory_space<vmem>>) dst(%dma_wait3A_55 : memref<16x128xf32, #tpu.memory_space<vmem_shared>>)
        tpu.yield
      }) : () -> ()
    } else {
    }
    %mul3A = arith.constant 80 : i32
    %mul3A_12 = arith.muli %arg1, %mul3A : i32
    "tpu.region"() ({
      %run_scoped3A = tpu.sem_alloc : memref<!tpu.dma_semaphore, #tpu.memory_space<semaphore_mem>>
      %dma_start3A = arith.constant 0 : i32
      %dma_start3A_37 = tpu.memref_slice %arg3[%mul3A_12, %dma_start3A] : memref<1280x128xi32, #tpu.memory_space<hbm>> -> memref<80x128xi32, #tpu.memory_space<hbm>>
      %dma_start3A_38 = arith.constant 0 : i32
      %dma_start3A_39 = tpu.memref_slice %arg3[%mul3A_12, %dma_start3A_38] : memref<1280x128xi32, #tpu.memory_space<hbm>> -> memref<80x128xi32, #tpu.memory_space<hbm>>
      tpu.enqueue_dma source(%dma_start3A_39 : memref<80x128xi32, #tpu.memory_space<hbm>>) target(%arg7 : memref<80x128xi32, #tpu.memory_space<vmem>>) target_semaphore(%run_scoped3A : memref<!tpu.dma_semaphore, #tpu.memory_space<semaphore_mem>>)
      %dma_wait3A = arith.constant 0 : i32
      %dma_wait3A_40 = tpu.memref_slice %arg3[%mul3A_12, %dma_wait3A] : memref<1280x128xi32, #tpu.memory_space<hbm>> -> memref<80x128xi32, #tpu.memory_space<hbm>>
      %dma_wait3A_41 = arith.constant 0 : i32
      %dma_wait3A_42 = tpu.memref_slice %arg3[%mul3A_12, %dma_wait3A_41] : memref<1280x128xi32, #tpu.memory_space<hbm>> -> memref<80x128xi32, #tpu.memory_space<hbm>>
      tpu.wait_dma2 semaphore(%run_scoped3A : memref<!tpu.dma_semaphore, #tpu.memory_space<semaphore_mem>>) src(%dma_wait3A_42 : memref<80x128xi32, #tpu.memory_space<hbm>>) dst(%arg7 : memref<80x128xi32, #tpu.memory_space<vmem>>)
      tpu.yield
    }) : () -> ()
    %mul3A_13 = arith.constant 80 : i32
    %mul3A_14 = arith.muli %arg1, %mul3A_13 : i32
    "tpu.region"() ({
      %run_scoped3A = tpu.sem_alloc : memref<!tpu.dma_semaphore, #tpu.memory_space<semaphore_mem>>
      %dma_start3A = arith.constant 0 : i32
      %dma_start3A_37 = tpu.memref_slice %arg4[%mul3A_14, %dma_start3A] : memref<1280x128xi32, #tpu.memory_space<hbm>> -> memref<80x128xi32, #tpu.memory_space<hbm>>
      %dma_start3A_38 = arith.constant 0 : i32
      %dma_start3A_39 = tpu.memref_slice %arg4[%mul3A_14, %dma_start3A_38] : memref<1280x128xi32, #tpu.memory_space<hbm>> -> memref<80x128xi32, #tpu.memory_space<hbm>>
      tpu.enqueue_dma source(%dma_start3A_39 : memref<80x128xi32, #tpu.memory_space<hbm>>) target(%arg8 : memref<80x128xi32, #tpu.memory_space<vmem>>) target_semaphore(%run_scoped3A : memref<!tpu.dma_semaphore, #tpu.memory_space<semaphore_mem>>)
      %dma_wait3A = arith.constant 0 : i32
      %dma_wait3A_40 = tpu.memref_slice %arg4[%mul3A_14, %dma_wait3A] : memref<1280x128xi32, #tpu.memory_space<hbm>> -> memref<80x128xi32, #tpu.memory_space<hbm>>
      %dma_wait3A_41 = arith.constant 0 : i32
      %dma_wait3A_42 = tpu.memref_slice %arg4[%mul3A_14, %dma_wait3A_41] : memref<1280x128xi32, #tpu.memory_space<hbm>> -> memref<80x128xi32, #tpu.memory_space<hbm>>
      tpu.wait_dma2 semaphore(%run_scoped3A : memref<!tpu.dma_semaphore, #tpu.memory_space<semaphore_mem>>) src(%dma_wait3A_42 : memref<80x128xi32, #tpu.memory_space<hbm>>) dst(%arg8 : memref<80x128xi32, #tpu.memory_space<vmem>>)
      tpu.yield
    }) : () -> ()
    %mul3A_15 = arith.constant 80000 : i32
    %mul3A_16 = arith.muli %arg0, %mul3A_15 : i32
    %scan3A_17 = arith.constant 0 : i32
    %scan3A_18 = arith.constant 0 : i32
    %scan3A_19 = arith.constant 80 : i32
    %scan3A_20 = arith.addi %scan3A_18, %scan3A_19 : i32
    %scan3A_21 = arith.constant 1 : i32
    %scan3A_22 = scf.for %scan3A_37 = %scan3A_18 to %scan3A_20 step %scan3A_21 iter_args(%scan3A_38 = %scan3A_17) -> (i32)  : i32 {
      %scan3A_39 = arith.constant 0 : i32
      %scan3A_40 = arith.constant 0 : i32
      %scan3A_41 = arith.constant 8 : i32
      %scan3A_42 = arith.addi %scan3A_40, %scan3A_41 : i32
      %scan3A_43 = arith.constant 1 : i32
      %scan3A_44 = scf.for %scan3A_47 = %scan3A_40 to %scan3A_42 step %scan3A_43 iter_args(%scan3A_48 = %scan3A_39) -> (i32)  : i32 {
        %mul3A_49 = arith.constant 16 : i32
        %mul3A_50 = arith.muli %scan3A_47, %mul3A_49 : i32
        %get3A = arith.index_cast %scan3A_37 : i32 to index
        %get3A_51 = arith.index_cast %mul3A_50 : i32 to index
        %get3A_52 = tpu.vector_load %arg7[%get3A, %get3A_51] {strides = array<i32>} : memref<80x128xi32, #tpu.memory_space<vmem>>, vector<1x16xi32>,
        %get3A_53 = vector.shape_cast %get3A_52 : vector<1x16xi32> to vector<16xi32>
        %add3A = vector.broadcast %mul3A_16 : i32 to vector<16xi32>
        %add3A_54 = arith.addi %get3A_53, %add3A : vector<16xi32>
        %mul3A_55 = arith.constant 16 : i32
        %mul3A_56 = arith.muli %scan3A_47, %mul3A_55 : i32
        %swap3A = arith.index_cast %scan3A_37 : i32 to index
        %swap3A_57 = arith.index_cast %mul3A_56 : i32 to index
        %swap3A_58 = tpu.vector_load %arg7[%swap3A, %swap3A_57] {strides = array<i32>} : memref<80x128xi32, #tpu.memory_space<vmem>>, vector<1x16xi32>,
        %swap3A_59 = vector.shape_cast %swap3A_58 : vector<1x16xi32> to vector<16xi32>
        %swap3A_60 = vector.shape_cast %add3A_54 : vector<16xi32> to vector<1x16xi32>
        tpu.vector_store %arg7[%swap3A, %swap3A_57], %swap3A_60 {strides = array<i32>} : memref<80x128xi32, #tpu.memory_space<vmem>>, vector<1x16xi32>,
        %scan3A_61 = arith.constant 0 : i32
        scf.yield %scan3A_61 : i32
      }
      %scan3A_45 = arith.constant 8 : i32
      %scan3A_46 = arith.constant 0 : i32
      scf.yield %scan3A_46 : i32
    }
    %scan3A_23 = arith.constant 80 : i32
    %barrier3A = arith.constant 0 : index
    tpu.barrier barrier_id(%barrier3A)
    %scan3A_24 = arith.constant 0 : i32
    %scan3A_25 = arith.constant 0 : i32
    %scan3A_26 = arith.constant 80 : i32
    %scan3A_27 = arith.addi %scan3A_25, %scan3A_26 : i32
    %scan3A_28 = arith.constant 1 : i32
    %scan3A_29 = scf.for %scan3A_37 = %scan3A_25 to %scan3A_27 step %scan3A_28 iter_args(%scan3A_38 = %scan3A_24) -> (i32)  : i32 {
      %dma_start3A = arith.constant 0 : i32
      %dma_start3A_39 = tpu.memref_slice %arg7[%scan3A_37, %dma_start3A] : memref<80x128xi32, #tpu.memory_space<vmem>> -> memref<1x128xi32, #tpu.memory_space<vmem>>
      %dma_start3A_40 = tpu.memref_squeeze %dma_start3A_39 : memref<1x128xi32, #tpu.memory_space<vmem>> -> memref<128xi32, #tpu.memory_space<vmem>>
      %dma_start3A_41 = arith.constant 0 : i32
      %dma_start3A_42 = arith.constant 0 : i32
      %dma_start3A_43 = tpu.memref_slice %arg2[%dma_start3A_41, %dma_start3A_42] : memref<160000x128xf32, #tpu.memory_space<hbm>> -> memref<160000x128xf32, #tpu.memory_space<hbm>>
      tpu.enqueue_indirect_dma source(%dma_start3A_43 : memref<160000x128xf32, #tpu.memory_space<hbm>>) target(%arg9 : memref<128x128xf32, #tpu.memory_space<vmem>>) offsets(%dma_start3A_40 : memref<128xi32, #tpu.memory_space<vmem>>) semaphore(%arg11 : memref<!tpu.dma_semaphore, #tpu.memory_space<semaphore_mem>>)
      %dma_wait3A = arith.constant 0 : i32
      %dma_wait3A_44 = tpu.memref_slice %arg7[%scan3A_37, %dma_wait3A] : memref<80x128xi32, #tpu.memory_space<vmem>> -> memref<1x128xi32, #tpu.memory_space<vmem>>
      %dma_wait3A_45 = tpu.memref_squeeze %dma_wait3A_44 : memref<1x128xi32, #tpu.memory_space<vmem>> -> memref<128xi32, #tpu.memory_space<vmem>>
      %dma_wait3A_46 = arith.constant 0 : i32
      %dma_wait3A_47 = arith.constant 0 : i32
      %dma_wait3A_48 = tpu.memref_slice %arg2[%dma_wait3A_46, %dma_wait3A_47] : memref<160000x128xf32, #tpu.memory_space<hbm>> -> memref<160000x128xf32, #tpu.memory_space<hbm>>
      tpu.wait_indirect_dma semaphore(%arg11 : memref<!tpu.dma_semaphore, #tpu.memory_space<semaphore_mem>>) src(%dma_wait3A_48 : memref<160000x128xf32, #tpu.memory_space<hbm>>) dst(%arg9 : memref<128x128xf32, #tpu.memory_space<vmem>>)
      "tpu.region"() ({
        %run_scoped3A = tpu.sem_alloc : memref<!tpu.dma_semaphore, #tpu.memory_space<semaphore_mem>>
        %dma_start3A_50 = arith.constant 0 : i32
        %dma_start3A_51 = tpu.memref_slice %arg8[%scan3A_37, %dma_start3A_50] : memref<80x128xi32, #tpu.memory_space<vmem>> -> memref<1x128xi32, #tpu.memory_space<vmem>>
        %dma_start3A_52 = tpu.memref_squeeze %dma_start3A_51 : memref<1x128xi32, #tpu.memory_space<vmem>> -> memref<128xi32, #tpu.memory_space<vmem>>
        %dma_start3A_53 = arith.constant 0 : i32
        %dma_start3A_54 = arith.constant 0 : i32
        %dma_start3A_55 = tpu.memref_slice %arg6[%dma_start3A_53, %dma_start3A_54] : memref<10016x128xf32, #tpu.memory_space<vmem_shared>> -> memref<10016x128xf32, #tpu.memory_space<vmem_shared>>
        tpu.enqueue_indirect_dma source(%arg9 : memref<128x128xf32, #tpu.memory_space<vmem>>) target(%dma_start3A_55 : memref<10016x128xf32, #tpu.memory_space<vmem_shared>>) offsets(%dma_start3A_52 : memref<128xi32, #tpu.memory_space<vmem>>) semaphore(%run_scoped3A : memref<!tpu.dma_semaphore, #tpu.memory_space<semaphore_mem>>) {add = true}
        %dma_wait3A_56 = arith.constant 0 : i32
        %dma_wait3A_57 = tpu.memref_slice %arg8[%scan3A_37, %dma_wait3A_56] : memref<80x128xi32, #tpu.memory_space<vmem>> -> memref<1x128xi32, #tpu.memory_space<vmem>>
        %dma_wait3A_58 = tpu.memref_squeeze %dma_wait3A_57 : memref<1x128xi32, #tpu.memory_space<vmem>> -> memref<128xi32, #tpu.memory_space<vmem>>
        %dma_wait3A_59 = arith.constant 0 : i32
        %dma_wait3A_60 = arith.constant 0 : i32
        %dma_wait3A_61 = tpu.memref_slice %arg6[%dma_wait3A_59, %dma_wait3A_60] : memref<10016x128xf32, #tpu.memory_space<vmem_shared>> -> memref<10016x128xf32, #tpu.memory_space<vmem_shared>>
        tpu.wait_indirect_dma semaphore(%run_scoped3A : memref<!tpu.dma_semaphore, #tpu.memory_space<semaphore_mem>>) src(%arg9 : memref<128x128xf32, #tpu.memory_space<vmem>>) dst(%dma_wait3A_61 : memref<10016x128xf32, #tpu.memory_space<vmem_shared>>)
        tpu.yield
      }) : () -> ()
      %scan3A_49 = arith.constant 0 : i32
      scf.yield %scan3A_49 : i32
    }
    %scan3A_30 = arith.constant 80 : i32
    %barrier3A_31 = arith.constant 0 : index
    tpu.barrier barrier_id(%barrier3A_31)
    %lt3A_32 = arith.constant 10 : i32
    %lt3A_33 = arith.cmpi slt, %arg1, %lt3A_32 : i32
    %convert_element_type3A_34 = arith.extui %lt3A_33 : i1 to i32
    %cond3A_35 = arith.constant 0 : i32
    %cond3A_36 = arith.cmpi ne, %convert_element_type3A_34, %cond3A_35 : i32
    scf.if %cond3A_36 {
      %mul3A_37 = arith.constant 1000 : i32
      %mul3A_38 = arith.muli %arg1, %mul3A_37 : i32
      %mul3A_39 = arith.constant 1000 : i32
      %mul3A_40 = arith.muli %arg1, %mul3A_39 : i32
      "tpu.region"() ({
        %run_scoped3A = tpu.sem_alloc : memref<!tpu.dma_semaphore, #tpu.memory_space<semaphore_mem>>
        %dma_start3A = arith.constant 0 : i32
        %dma_start3A_41 = tpu.memref_slice %arg5[%arg0, %mul3A_40, %dma_start3A] : memref<2x10000x128xf32, #tpu.memory_space<hbm>> -> memref<1x1000x128xf32, #tpu.memory_space<hbm>>
        %dma_start3A_42 = tpu.memref_squeeze %dma_start3A_41 : memref<1x1000x128xf32, #tpu.memory_space<hbm>> -> memref<1000x128xf32, #tpu.memory_space<hbm>>
        %dma_start3A_43 = arith.constant 0 : i32
        %dma_start3A_44 = tpu.memref_slice %arg6[%mul3A_38, %dma_start3A_43] : memref<10016x128xf32, #tpu.memory_space<vmem_shared>> -> memref<1000x128xf32, #tpu.memory_space<vmem_shared>>
        tpu.enqueue_dma source(%dma_start3A_44 : memref<1000x128xf32, #tpu.memory_space<vmem_shared>>) target(%dma_start3A_42 : memref<1000x128xf32, #tpu.memory_space<hbm>>) target_semaphore(%run_scoped3A : memref<!tpu.dma_semaphore, #tpu.memory_space<semaphore_mem>>)
        %dma_wait3A = arith.constant 0 : i32
        %dma_wait3A_45 = tpu.memref_slice %arg5[%arg0, %mul3A_40, %dma_wait3A] : memref<2x10000x128xf32, #tpu.memory_space<hbm>> -> memref<1x1000x128xf32, #tpu.memory_space<hbm>>
        %dma_wait3A_46 = tpu.memref_squeeze %dma_wait3A_45 : memref<1x1000x128xf32, #tpu.memory_space<hbm>> -> memref<1000x128xf32, #tpu.memory_space<hbm>>
        %dma_wait3A_47 = arith.constant 0 : i32
        %dma_wait3A_48 = tpu.memref_slice %arg6[%mul3A_38, %dma_wait3A_47] : memref<10016x128xf32, #tpu.memory_space<vmem_shared>> -> memref<1000x128xf32, #tpu.memory_space<vmem_shared>>
        tpu.wait_dma2 semaphore(%run_scoped3A : memref<!tpu.dma_semaphore, #tpu.memory_space<semaphore_mem>>) src(%dma_wait3A_48 : memref<1000x128xf32, #tpu.memory_space<vmem_shared>>) dst(%dma_wait3A_46 : memref<1000x128xf32, #tpu.memory_space<hbm>>)
        tpu.yield
      }) : () -> ()
    } else {
    }
    return
  }
}

module attributes {stable_mosaic.version = 14 : i64} {
  func.func @_build1_body(%arg0: i32, %arg1: memref<1x1x1000xi32, #tpu.memory_space<vmem>>, %arg2: memref<32x256xf32, #tpu.memory_space<vmem>>, %arg3: memref<256x256xf32, #tpu.memory_space<vmem>>, %arg4: memref<8x256xf32, #tpu.memory_space<vmem>>, %arg5: memref<2x8000x128xf32, #tpu.memory_space<vmem>>) attributes {dimension_semantics = [#tpu.dimension_semantics<arbitrary>], iteration_bounds = array<i64: 10>, scalar_prefetch = 0 : i64, scratch_operands = 0 : i64, tpu.core_type = #tpu.core_type<tc>, window_params = [{transform_indices = @transform_0, window_bounds = array<i64: 1, 1, 1000>}, {pipeline_mode = #tpu.pipeline_mode<synchronous>, transform_indices = @transform_1, window_bounds = array<i64: 32, 256>}, {pipeline_mode = #tpu.pipeline_mode<synchronous>, transform_indices = @transform_2, window_bounds = array<i64: 256, 256>}, {pipeline_mode = #tpu.pipeline_mode<synchronous>, transform_indices = @transform_3, window_bounds = array<i64: 8, 256>}, {transform_indices = @transform_4, window_bounds = array<i64: 2, 8000, 128>}]} {
    %get3A = arith.constant 0 : index
    %get3A_0 = arith.constant 0 : index
    %get3A_1 = vector.load %arg2[%get3A, %get3A_0] : memref<32x256xf32, #tpu.memory_space<vmem>>, vector<32x256xf32>
    %get3A_2 = arith.constant 0 : index
    %get3A_3 = arith.constant 0 : index
    %get3A_4 = vector.load %arg3[%get3A_2, %get3A_3] : memref<256x256xf32, #tpu.memory_space<vmem>>, vector<256x256xf32>
    %dot_general3A = arith.constant dense<0.000000e+00> : vector<32x256xf32>
    %dot_general3A_5 = tpu.matmul %get3A_1, %get3A_4, %dot_general3A {dimension_numbers = #tpu.dot_dimension_numbers<[1], [0], [0], [1], [0, 0, 1, 1], [], []>, precision = #tpu.contract_precision<fp32>, transpose_lhs_hint = false} : vector<32x256xf32>, vector<256x256xf32>, vector<32x256xf32> -> vector<32x256xf32>
    %get3A_6 = arith.constant 0 : index
    %get3A_7 = arith.constant 0 : index
    %get3A_8 = arith.constant 0 : index
    %get3A_9 = vector.load %arg1[%get3A_6, %get3A_7, %get3A_8] : memref<1x1x1000xi32, #tpu.memory_space<vmem>>, vector<1x1x1000xi32>
    %get3A_10 = vector.shape_cast %get3A_9 : vector<1x1x1000xi32> to vector<1000xi32>
    %broadcast_in_dim3A = vector.shape_cast %get3A_10 : vector<1000xi32> to vector<1000x1xi32>
    %iota3A = tpu.iota {dimensions = array<i32: 1>} : vector<1000x32xi32>
    %eq3A = vector.broadcast %broadcast_in_dim3A : vector<1000x1xi32> to vector<1000x32xi32>
    %eq3A_11 = arith.cmpi eq, %eq3A, %iota3A : vector<1000x32xi32>
    %convert_element_type3A = arith.extui %eq3A_11 : vector<1000x32xi1> to vector<1000x32xi32>
    %convert_element_type3A_12 = arith.sitofp %convert_element_type3A : vector<1000x32xi32> to vector<1000x32xf32>
    %dot_general3A_13 = arith.constant dense<0.000000e+00> : vector<1000x256xf32>
    %dot_general3A_14 = tpu.matmul %convert_element_type3A_12, %dot_general3A_5, %dot_general3A_13 {dimension_numbers = #tpu.dot_dimension_numbers<[1], [0], [0], [1], [0, 0, 1, 1], [], []>, precision = #tpu.contract_precision<fp32>, transpose_lhs_hint = false} : vector<1000x32xf32>, vector<32x256xf32>, vector<1000x256xf32> -> vector<1000x256xf32>
    %broadcast_in_dim3A_15 = vector.shape_cast %dot_general3A_14 : vector<1000x256xf32> to vector<1000x1x256xf32>
    %get3A_16 = arith.constant 0 : index
    %get3A_17 = arith.constant 0 : index
    %get3A_18 = vector.load %arg4[%get3A_16, %get3A_17] : memref<8x256xf32, #tpu.memory_space<vmem>>, vector<8x256xf32>
    %broadcast_in_dim3A_19 = vector.shape_cast %get3A_18 : vector<8x256xf32> to vector<1x8x256xf32>
    %add3A = vector.broadcast %broadcast_in_dim3A_15 : vector<1000x1x256xf32> to vector<1000x8x256xf32>
    %add3A_20 = vector.broadcast %broadcast_in_dim3A_19 : vector<1x8x256xf32> to vector<1000x8x256xf32>
    %add3A_21 = arith.addf %add3A, %add3A_20 : vector<1000x8x256xf32>
    %max3A = arith.constant 0.000000e+00 : f32
    %max3A_22 = vector.broadcast %max3A : f32 to vector<1000x8x256xf32>
    %max3A_23 = arith.maximumf %add3A_21, %max3A_22 : vector<1000x8x256xf32>
    %reshape3A = vector.shape_cast %max3A_23 : vector<1000x8x256xf32> to vector<8000x256xf32>
    %slice3A = vector.extract_strided_slice %reshape3A {offsets = [0, 0], sizes = [8000, 128], strides = [1, 1]} : vector<8000x256xf32> to vector<8000x128xf32>
    %swap3A = arith.constant 0 : index
    %swap3A_24 = arith.constant 0 : index
    %swap3A_25 = arith.constant 0 : index
    %swap3A_26 = vector.load %arg5[%swap3A, %swap3A_24, %swap3A_25] : memref<2x8000x128xf32, #tpu.memory_space<vmem>>, vector<1x8000x128xf32>
    %swap3A_27 = vector.shape_cast %swap3A_26 : vector<1x8000x128xf32> to vector<8000x128xf32>
    %swap3A_28 = vector.shape_cast %slice3A : vector<8000x128xf32> to vector<1x8000x128xf32>
    tpu.vector_store %arg5[%swap3A, %swap3A_24, %swap3A_25], %swap3A_28 {strides = array<i32>} : memref<2x8000x128xf32, #tpu.memory_space<vmem>>, vector<1x8000x128xf32>,
    %slice3A_29 = vector.extract_strided_slice %reshape3A {offsets = [0, 128], sizes = [8000, 128], strides = [1, 1]} : vector<8000x256xf32> to vector<8000x128xf32>
    %swap3A_30 = arith.constant 1 : index
    %swap3A_31 = arith.constant 0 : index
    %swap3A_32 = arith.constant 0 : index
    %swap3A_33 = vector.load %arg5[%swap3A_30, %swap3A_31, %swap3A_32] : memref<2x8000x128xf32, #tpu.memory_space<vmem>>, vector<1x8000x128xf32>
    %swap3A_34 = vector.shape_cast %swap3A_33 : vector<1x8000x128xf32> to vector<8000x128xf32>
    %swap3A_35 = vector.shape_cast %slice3A_29 : vector<8000x128xf32> to vector<1x8000x128xf32>
    tpu.vector_store %arg5[%swap3A_30, %swap3A_31, %swap3A_32], %swap3A_35 {strides = array<i32>} : memref<2x8000x128xf32, #tpu.memory_space<vmem>>, vector<1x8000x128xf32>,
    return
  }
  func.func @transform_0(%arg0: i32) -> (i32, i32, i32) {
    %c0_i32 = arith.constant 0 : i32
    %c0_i32_0 = arith.constant 0 : i32
    %c0_i32_1 = arith.constant 0 : i32
    return %arg0, %c0_i32, %c0_i32_0 : i32, i32, i32
  }
  func.func @transform_1(%arg0: i32) -> (i32, i32) {
    %c0_i32 = arith.constant 0 : i32
    %c0_i32_0 = arith.constant 0 : i32
    %c0_i32_1 = arith.constant 0 : i32
    return %c0_i32, %c0_i32_0 : i32, i32
  }
  func.func @transform_2(%arg0: i32) -> (i32, i32) {
    %c0_i32 = arith.constant 0 : i32
    %c0_i32_0 = arith.constant 0 : i32
    %c0_i32_1 = arith.constant 0 : i32
    return %c0_i32, %c0_i32_0 : i32, i32
  }
  func.func @transform_3(%arg0: i32) -> (i32, i32) {
    %c0_i32 = arith.constant 0 : i32
    %c0_i32_0 = arith.constant 0 : i32
    %c0_i32_1 = arith.constant 0 : i32
    return %c0_i32, %c0_i32_0 : i32, i32
  }
  func.func @transform_4(%arg0: i32) -> (i32, i32, i32) {
    %c0_i32 = arith.constant 0 : i32
    %c0_i32_0 = arith.constant 0 : i32
    %c0_i32_1 = arith.constant 0 : i32
    return %c0_i32, %arg0, %c0_i32_0 : i32, i32, i32
  }
}

module attributes {stable_mosaic.version = 14 : i64} {
  func.func @_dense1_body(%arg0: i32, %arg1: memref<1x1x1000xi32, #tpu.memory_space<vmem>>, %arg2: memref<2x1000x128xf32, #tpu.memory_space<vmem>>, %arg3: memref<32x256xf32, #tpu.memory_space<vmem>>, %arg4: memref<256x256xf32, #tpu.memory_space<vmem>>, %arg5: memref<256x256xf32, #tpu.memory_space<vmem>>, %arg6: memref<256x256xf32, #tpu.memory_space<vmem>>, %arg7: memref<8x256xf32, #tpu.memory_space<vmem>>, %arg8: memref<1000x256xf32, #tpu.memory_space<vmem>>, %arg9: memref<2x8000x128xf32, #tpu.memory_space<vmem>>) attributes {dimension_semantics = [#tpu.dimension_semantics<arbitrary>], iteration_bounds = array<i64: 10>, scalar_prefetch = 0 : i64, scratch_operands = 0 : i64, tpu.core_type = #tpu.core_type<tc>, window_params = [{transform_indices = @transform_0, window_bounds = array<i64: 1, 1, 1000>}, {transform_indices = @transform_1, window_bounds = array<i64: 2, 1000, 128>}, {pipeline_mode = #tpu.pipeline_mode<synchronous>, transform_indices = @transform_2, window_bounds = array<i64: 32, 256>}, {pipeline_mode = #tpu.pipeline_mode<synchronous>, transform_indices = @transform_3, window_bounds = array<i64: 256, 256>}, {pipeline_mode = #tpu.pipeline_mode<synchronous>, transform_indices = @transform_4, window_bounds = array<i64: 256, 256>}, {pipeline_mode = #tpu.pipeline_mode<synchronous>, transform_indices = @transform_5, window_bounds = array<i64: 256, 256>}, {pipeline_mode = #tpu.pipeline_mode<synchronous>, transform_indices = @transform_6, window_bounds = array<i64: 8, 256>}, {transform_indices = @transform_7, window_bounds = array<i64: 1000, 256>}, {transform_indices = @transform_8, window_bounds = array<i64: 2, 8000, 128>}]} {
    %get3A = arith.constant 0 : index
    %get3A_0 = arith.constant 0 : index
    %get3A_1 = vector.load %arg3[%get3A, %get3A_0] : memref<32x256xf32, #tpu.memory_space<vmem>>, vector<32x256xf32>
    %get3A_2 = arith.constant 0 : index
    %get3A_3 = arith.constant 0 : index
    %get3A_4 = vector.load %arg4[%get3A_2, %get3A_3] : memref<256x256xf32, #tpu.memory_space<vmem>>, vector<256x256xf32>
    %dot_general3A = arith.constant dense<0.000000e+00> : vector<32x256xf32>
    %dot_general3A_5 = tpu.matmul %get3A_1, %get3A_4, %dot_general3A {dimension_numbers = #tpu.dot_dimension_numbers<[1], [0], [0], [1], [0, 0, 1, 1], [], []>, precision = #tpu.contract_precision<fp32>, transpose_lhs_hint = false} : vector<32x256xf32>, vector<256x256xf32>, vector<32x256xf32> -> vector<32x256xf32>
    %get3A_6 = arith.constant 0 : index
    %get3A_7 = arith.constant 0 : index
    %get3A_8 = arith.constant 0 : index
    %get3A_9 = vector.load %arg1[%get3A_6, %get3A_7, %get3A_8] : memref<1x1x1000xi32, #tpu.memory_space<vmem>>, vector<1x1x1000xi32>
    %get3A_10 = vector.shape_cast %get3A_9 : vector<1x1x1000xi32> to vector<1000xi32>
    %broadcast_in_dim3A = vector.shape_cast %get3A_10 : vector<1000xi32> to vector<1000x1xi32>
    %iota3A = tpu.iota {dimensions = array<i32: 1>} : vector<1000x32xi32>
    %eq3A = vector.broadcast %broadcast_in_dim3A : vector<1000x1xi32> to vector<1000x32xi32>
    %eq3A_11 = arith.cmpi eq, %eq3A, %iota3A : vector<1000x32xi32>
    %convert_element_type3A = arith.extui %eq3A_11 : vector<1000x32xi1> to vector<1000x32xi32>
    %convert_element_type3A_12 = arith.sitofp %convert_element_type3A : vector<1000x32xi32> to vector<1000x32xf32>
    %dot_general3A_13 = arith.constant dense<0.000000e+00> : vector<1000x256xf32>
    %dot_general3A_14 = tpu.matmul %convert_element_type3A_12, %dot_general3A_5, %dot_general3A_13 {dimension_numbers = #tpu.dot_dimension_numbers<[1], [0], [0], [1], [0, 0, 1, 1], [], []>, precision = #tpu.contract_precision<fp32>, transpose_lhs_hint = false} : vector<1000x32xf32>, vector<32x256xf32>, vector<1000x256xf32> -> vector<1000x256xf32>
    %get3A_15 = arith.constant 0 : index
    %get3A_16 = arith.constant 0 : index
    %get3A_17 = arith.constant 0 : index
    %get3A_18 = vector.load %arg2[%get3A_15, %get3A_16, %get3A_17] : memref<2x1000x128xf32, #tpu.memory_space<vmem>>, vector<2x1000x128xf32>
    %get3A_19 = arith.constant 0 : index
    %get3A_20 = arith.constant 0 : index
    %get3A_21 = vector.load %arg5[%get3A_19, %get3A_20] : memref<256x256xf32, #tpu.memory_space<vmem>>, vector<256x256xf32>
    %slice3A = vector.extract_strided_slice %get3A_18 {offsets = [0, 0, 0], sizes = [1, 1000, 128], strides = [1, 1, 1]} : vector<2x1000x128xf32> to vector<1x1000x128xf32>
    %squeeze3A = vector.shape_cast %slice3A : vector<1x1000x128xf32> to vector<1000x128xf32>
    %slice3A_22 = vector.extract_strided_slice %get3A_21 {offsets = [0, 0], sizes = [128, 256], strides = [1, 1]} : vector<256x256xf32> to vector<128x256xf32>
    %dot_general3A_23 = arith.constant dense<0.000000e+00> : vector<1000x256xf32>
    %dot_general3A_24 = tpu.matmul %squeeze3A, %slice3A_22, %dot_general3A_23 {dimension_numbers = #tpu.dot_dimension_numbers<[1], [0], [0], [1], [0, 0, 1, 1], [], []>, precision = #tpu.contract_precision<fp32>, transpose_lhs_hint = false} : vector<1000x128xf32>, vector<128x256xf32>, vector<1000x256xf32> -> vector<1000x256xf32>
    %slice3A_25 = vector.extract_strided_slice %get3A_18 {offsets = [1, 0, 0], sizes = [1, 1000, 128], strides = [1, 1, 1]} : vector<2x1000x128xf32> to vector<1x1000x128xf32>
    %squeeze3A_26 = vector.shape_cast %slice3A_25 : vector<1x1000x128xf32> to vector<1000x128xf32>
    %slice3A_27 = vector.extract_strided_slice %get3A_21 {offsets = [128, 0], sizes = [128, 256], strides = [1, 1]} : vector<256x256xf32> to vector<128x256xf32>
    %dot_general3A_28 = arith.constant dense<0.000000e+00> : vector<1000x256xf32>
    %dot_general3A_29 = tpu.matmul %squeeze3A_26, %slice3A_27, %dot_general3A_28 {dimension_numbers = #tpu.dot_dimension_numbers<[1], [0], [0], [1], [0, 0, 1, 1], [], []>, precision = #tpu.contract_precision<fp32>, transpose_lhs_hint = false} : vector<1000x128xf32>, vector<128x256xf32>, vector<1000x256xf32> -> vector<1000x256xf32>
    %add3A = arith.addf %dot_general3A_24, %dot_general3A_29 : vector<1000x256xf32>
    %add3A_30 = arith.addf %dot_general3A_14, %add3A : vector<1000x256xf32>
    %max3A = arith.constant 0.000000e+00 : f32
    %max3A_31 = vector.broadcast %max3A : f32 to vector<1000x256xf32>
    %max3A_32 = arith.maximumf %add3A_30, %max3A_31 : vector<1000x256xf32>
    %swap3A = arith.constant 0 : index
    %swap3A_33 = arith.constant 0 : index
    %swap3A_34 = vector.load %arg8[%swap3A, %swap3A_33] : memref<1000x256xf32, #tpu.memory_space<vmem>>, vector<1000x256xf32>
    tpu.vector_store %arg8[%swap3A, %swap3A_33], %max3A_32 {strides = array<i32>} : memref<1000x256xf32, #tpu.memory_space<vmem>>, vector<1000x256xf32>,
    %get3A_35 = arith.constant 0 : index
    %get3A_36 = arith.constant 0 : index
    %get3A_37 = vector.load %arg6[%get3A_35, %get3A_36] : memref<256x256xf32, #tpu.memory_space<vmem>>, vector<256x256xf32>
    %dot_general3A_38 = arith.constant dense<0.000000e+00> : vector<1000x256xf32>
    %dot_general3A_39 = tpu.matmul %max3A_32, %get3A_37, %dot_general3A_38 {dimension_numbers = #tpu.dot_dimension_numbers<[1], [0], [0], [1], [0, 0, 1, 1], [], []>, precision = #tpu.contract_precision<fp32>, transpose_lhs_hint = false} : vector<1000x256xf32>, vector<256x256xf32>, vector<1000x256xf32> -> vector<1000x256xf32>
    %broadcast_in_dim3A_40 = vector.shape_cast %dot_general3A_39 : vector<1000x256xf32> to vector<1000x1x256xf32>
    %get3A_41 = arith.constant 0 : index
    %get3A_42 = arith.constant 0 : index
    %get3A_43 = vector.load %arg7[%get3A_41, %get3A_42] : memref<8x256xf32, #tpu.memory_space<vmem>>, vector<8x256xf32>
    %broadcast_in_dim3A_44 = vector.shape_cast %get3A_43 : vector<8x256xf32> to vector<1x8x256xf32>
    %add3A_45 = vector.broadcast %broadcast_in_dim3A_40 : vector<1000x1x256xf32> to vector<1000x8x256xf32>
    %add3A_46 = vector.broadcast %broadcast_in_dim3A_44 : vector<1x8x256xf32> to vector<1000x8x256xf32>
    %add3A_47 = arith.addf %add3A_45, %add3A_46 : vector<1000x8x256xf32>
    %max3A_48 = arith.constant 0.000000e+00 : f32
    %max3A_49 = vector.broadcast %max3A_48 : f32 to vector<1000x8x256xf32>
    %max3A_50 = arith.maximumf %add3A_47, %max3A_49 : vector<1000x8x256xf32>
    %reshape3A = vector.shape_cast %max3A_50 : vector<1000x8x256xf32> to vector<8000x256xf32>
    %slice3A_51 = vector.extract_strided_slice %reshape3A {offsets = [0, 0], sizes = [8000, 128], strides = [1, 1]} : vector<8000x256xf32> to vector<8000x128xf32>
    %swap3A_52 = arith.constant 0 : index
    %swap3A_53 = arith.constant 0 : index
    %swap3A_54 = arith.constant 0 : index
    %swap3A_55 = vector.load %arg9[%swap3A_52, %swap3A_53, %swap3A_54] : memref<2x8000x128xf32, #tpu.memory_space<vmem>>, vector<1x8000x128xf32>
    %swap3A_56 = vector.shape_cast %swap3A_55 : vector<1x8000x128xf32> to vector<8000x128xf32>
    %swap3A_57 = vector.shape_cast %slice3A_51 : vector<8000x128xf32> to vector<1x8000x128xf32>
    tpu.vector_store %arg9[%swap3A_52, %swap3A_53, %swap3A_54], %swap3A_57 {strides = array<i32>} : memref<2x8000x128xf32, #tpu.memory_space<vmem>>, vector<1x8000x128xf32>,
    %slice3A_58 = vector.extract_strided_slice %reshape3A {offsets = [0, 128], sizes = [8000, 128], strides = [1, 1]} : vector<8000x256xf32> to vector<8000x128xf32>
    %swap3A_59 = arith.constant 1 : index
    %swap3A_60 = arith.constant 0 : index
    %swap3A_61 = arith.constant 0 : index
    %swap3A_62 = vector.load %arg9[%swap3A_59, %swap3A_60, %swap3A_61] : memref<2x8000x128xf32, #tpu.memory_space<vmem>>, vector<1x8000x128xf32>
    %swap3A_63 = vector.shape_cast %swap3A_62 : vector<1x8000x128xf32> to vector<8000x128xf32>
    %swap3A_64 = vector.shape_cast %slice3A_58 : vector<8000x128xf32> to vector<1x8000x128xf32>
    tpu.vector_store %arg9[%swap3A_59, %swap3A_60, %swap3A_61], %swap3A_64 {strides = array<i32>} : memref<2x8000x128xf32, #tpu.memory_space<vmem>>, vector<1x8000x128xf32>,
    return
  }
  func.func @transform_0(%arg0: i32) -> (i32, i32, i32) {
    %c0_i32 = arith.constant 0 : i32
    %c0_i32_0 = arith.constant 0 : i32
    %c0_i32_1 = arith.constant 0 : i32
    return %arg0, %c0_i32, %c0_i32_0 : i32, i32, i32
  }
  func.func @transform_1(%arg0: i32) -> (i32, i32, i32) {
    %c0_i32 = arith.constant 0 : i32
    %c0_i32_0 = arith.constant 0 : i32
    %c0_i32_1 = arith.constant 0 : i32
    return %c0_i32, %arg0, %c0_i32_0 : i32, i32, i32
  }
  func.func @transform_2(%arg0: i32) -> (i32, i32) {
    %c0_i32 = arith.constant 0 : i32
    %c0_i32_0 = arith.constant 0 : i32
    %c0_i32_1 = arith.constant 0 : i32
    return %c0_i32, %c0_i32_0 : i32, i32
  }
  func.func @transform_3(%arg0: i32) -> (i32, i32) {
    %c0_i32 = arith.constant 0 : i32
    %c0_i32_0 = arith.constant 0 : i32
    %c0_i32_1 = arith.constant 0 : i32
    return %c0_i32, %c0_i32_0 : i32, i32
  }
  func.func @transform_4(%arg0: i32) -> (i32, i32) {
    %c0_i32 = arith.constant 0 : i32
    %c0_i32_0 = arith.constant 0 : i32
    %c0_i32_1 = arith.constant 0 : i32
    return %c0_i32, %c0_i32_0 : i32, i32
  }
  func.func @transform_5(%arg0: i32) -> (i32, i32) {
    %c0_i32 = arith.constant 0 : i32
    %c0_i32_0 = arith.constant 0 : i32
    %c0_i32_1 = arith.constant 0 : i32
    return %c0_i32, %c0_i32_0 : i32, i32
  }
  func.func @transform_6(%arg0: i32) -> (i32, i32) {
    %c0_i32 = arith.constant 0 : i32
    %c0_i32_0 = arith.constant 0 : i32
    %c0_i32_1 = arith.constant 0 : i32
    return %c0_i32, %c0_i32_0 : i32, i32
  }
  func.func @transform_7(%arg0: i32) -> (i32, i32) {
    %c0_i32 = arith.constant 0 : i32
    %c0_i32_0 = arith.constant 0 : i32
    return %arg0, %c0_i32 : i32, i32
  }
  func.func @transform_8(%arg0: i32) -> (i32, i32, i32) {
    %c0_i32 = arith.constant 0 : i32
    %c0_i32_0 = arith.constant 0 : i32
    %c0_i32_1 = arith.constant 0 : i32
    return %c0_i32, %arg0, %c0_i32_0 : i32, i32, i32
  }
}

module attributes {stable_mosaic.version = 14 : i64} {
  func.func @_dense2_body(%arg0: i32, %arg1: memref<1000x256xf32, #tpu.memory_space<vmem>>, %arg2: memref<2x1000x128xf32, #tpu.memory_space<vmem>>, %arg3: memref<256x256xf32, #tpu.memory_space<vmem>>, %arg4: memref<256x256xf32, #tpu.memory_space<vmem>>, %arg5: memref<256x1xf32, #tpu.memory_space<vmem>>, %arg6: memref<1x1xf32, #tpu.memory_space<vmem>>, %arg7: memref<8x8xi32, #tpu.memory_space<vmem>>, %arg8: memref<8x8xf32, #tpu.memory_space<vmem>>, %arg9: memref<1x1xf32, #tpu.memory_space<vmem>>, %arg10: memref<64x1xf32, #tpu.memory_space<vmem>>) attributes {dimension_semantics = [#tpu.dimension_semantics<arbitrary>], iteration_bounds = array<i64: 10>, scalar_prefetch = 0 : i64, scratch_operands = 1 : i64, tpu.core_type = #tpu.core_type<tc>, window_params = [{transform_indices = @transform_0, window_bounds = array<i64: 1000, 256>}, {transform_indices = @transform_1, window_bounds = array<i64: 2, 1000, 128>}, {pipeline_mode = #tpu.pipeline_mode<synchronous>, transform_indices = @transform_2, window_bounds = array<i64: 256, 256>}, {pipeline_mode = #tpu.pipeline_mode<synchronous>, transform_indices = @transform_3, window_bounds = array<i64: 256, 256>}, {pipeline_mode = #tpu.pipeline_mode<synchronous>, transform_indices = @transform_4, window_bounds = array<i64: 256, 1>}, {pipeline_mode = #tpu.pipeline_mode<synchronous>, transform_indices = @transform_5, window_bounds = array<i64: 1, 1>}, {pipeline_mode = #tpu.pipeline_mode<synchronous>, transform_indices = @transform_6, window_bounds = array<i64: 8, 8>}, {pipeline_mode = #tpu.pipeline_mode<synchronous>, transform_indices = @transform_7, window_bounds = array<i64: 8, 8>}, {pipeline_mode = #tpu.pipeline_mode<synchronous>, transform_indices = @transform_8, window_bounds = array<i64: 1, 1>}]} {
    %get3A = arith.constant 0 : index
    %get3A_0 = arith.constant 0 : index
    %get3A_1 = vector.load %arg1[%get3A, %get3A_0] : memref<1000x256xf32, #tpu.memory_space<vmem>>, vector<1000x256xf32>
    %get3A_2 = arith.constant 0 : index
    %get3A_3 = arith.constant 0 : index
    %get3A_4 = arith.constant 0 : index
    %get3A_5 = vector.load %arg2[%get3A_2, %get3A_3, %get3A_4] : memref<2x1000x128xf32, #tpu.memory_space<vmem>>, vector<2x1000x128xf32>
    %get3A_6 = arith.constant 0 : index
    %get3A_7 = arith.constant 0 : index
    %get3A_8 = vector.load %arg4[%get3A_6, %get3A_7] : memref<256x256xf32, #tpu.memory_space<vmem>>, vector<256x256xf32>
    %get3A_9 = arith.constant 0 : index
    %get3A_10 = arith.constant 0 : index
    %get3A_11 = vector.load %arg3[%get3A_9, %get3A_10] : memref<256x256xf32, #tpu.memory_space<vmem>>, vector<256x256xf32>
    %dot_general3A = arith.constant dense<0.000000e+00> : vector<1000x256xf32>
    %dot_general3A_12 = tpu.matmul %get3A_1, %get3A_11, %dot_general3A {dimension_numbers = #tpu.dot_dimension_numbers<[1], [0], [0], [1], [0, 0, 1, 1], [], []>, precision = #tpu.contract_precision<fp32>, transpose_lhs_hint = false} : vector<1000x256xf32>, vector<256x256xf32>, vector<1000x256xf32> -> vector<1000x256xf32>
    %slice3A = vector.extract_strided_slice %get3A_5 {offsets = [0, 0, 0], sizes = [1, 1000, 128], strides = [1, 1, 1]} : vector<2x1000x128xf32> to vector<1x1000x128xf32>
    %squeeze3A = vector.shape_cast %slice3A : vector<1x1000x128xf32> to vector<1000x128xf32>
    %slice3A_13 = vector.extract_strided_slice %get3A_8 {offsets = [0, 0], sizes = [128, 256], strides = [1, 1]} : vector<256x256xf32> to vector<128x256xf32>
    %dot_general3A_14 = arith.constant dense<0.000000e+00> : vector<1000x256xf32>
    %dot_general3A_15 = tpu.matmul %squeeze3A, %slice3A_13, %dot_general3A_14 {dimension_numbers = #tpu.dot_dimension_numbers<[1], [0], [0], [1], [0, 0, 1, 1], [], []>, precision = #tpu.contract_precision<fp32>, transpose_lhs_hint = false} : vector<1000x128xf32>, vector<128x256xf32>, vector<1000x256xf32> -> vector<1000x256xf32>
    %add3A = arith.addf %dot_general3A_12, %dot_general3A_15 : vector<1000x256xf32>
    %slice3A_16 = vector.extract_strided_slice %get3A_5 {offsets = [1, 0, 0], sizes = [1, 1000, 128], strides = [1, 1, 1]} : vector<2x1000x128xf32> to vector<1x1000x128xf32>
    %squeeze3A_17 = vector.shape_cast %slice3A_16 : vector<1x1000x128xf32> to vector<1000x128xf32>
    %slice3A_18 = vector.extract_strided_slice %get3A_8 {offsets = [128, 0], sizes = [128, 256], strides = [1, 1]} : vector<256x256xf32> to vector<128x256xf32>
    %dot_general3A_19 = arith.constant dense<0.000000e+00> : vector<1000x256xf32>
    %dot_general3A_20 = tpu.matmul %squeeze3A_17, %slice3A_18, %dot_general3A_19 {dimension_numbers = #tpu.dot_dimension_numbers<[1], [0], [0], [1], [0, 0, 1, 1], [], []>, precision = #tpu.contract_precision<fp32>, transpose_lhs_hint = false} : vector<1000x128xf32>, vector<128x256xf32>, vector<1000x256xf32> -> vector<1000x256xf32>
    %add3A_21 = arith.addf %add3A, %dot_general3A_20 : vector<1000x256xf32>
    %max3A = arith.constant 0.000000e+00 : f32
    %max3A_22 = vector.broadcast %max3A : f32 to vector<1000x256xf32>
    %max3A_23 = arith.maximumf %add3A_21, %max3A_22 : vector<1000x256xf32>
    %get3A_24 = arith.constant 0 : index
    %get3A_25 = arith.constant 0 : index
    %get3A_26 = vector.load %arg5[%get3A_24, %get3A_25] : memref<256x1xf32, #tpu.memory_space<vmem>>, vector<256x1xf32>
    %dot_general3A_27 = arith.constant dense<0.000000e+00> : vector<1000x1xf32>
    %dot_general3A_28 = tpu.matmul %max3A_23, %get3A_26, %dot_general3A_27 {dimension_numbers = #tpu.dot_dimension_numbers<[1], [0], [0], [1], [0, 0, 1, 1], [], []>, precision = #tpu.contract_precision<fp32>, transpose_lhs_hint = false} : vector<1000x256xf32>, vector<256x1xf32>, vector<1000x1xf32> -> vector<1000x1xf32>
    %iota3A = tpu.iota {dimensions = array<i32: 0>} : vector<64x8xi32>
    %iota3A_29 = tpu.iota {dimensions = array<i32: 1>} : vector<64x8xi32>
    %jit3A = arith.constant 8 : i32
    %div3A = vector.broadcast %jit3A : i32 to vector<64x8xi32>
    %div3A_30 = arith.divsi %iota3A, %div3A : vector<64x8xi32>
    %sign3A = arith.constant 0 : i32
    %sign3A_31 = vector.broadcast %sign3A : i32 to vector<64x8xi32>
    %sign3A_32 = arith.cmpi sgt, %iota3A, %sign3A_31 : vector<64x8xi32>
    %sign3A_33 = arith.extui %sign3A_32 : vector<64x8xi1> to vector<64x8xi32>
    %sign3A_34 = arith.constant 0 : i32
    %sign3A_35 = vector.broadcast %sign3A_34 : i32 to vector<64x8xi32>
    %sign3A_36 = arith.cmpi slt, %iota3A, %sign3A_35 : vector<64x8xi32>
    %sign3A_37 = arith.extui %sign3A_36 : vector<64x8xi1> to vector<64x8xi32>
    %sign3A_38 = arith.subi %sign3A_33, %sign3A_37 : vector<64x8xi32>
    %sign3A_39 = arith.constant 0 : i32
    %sign3A_40 = arith.cmpi sgt, %jit3A, %sign3A_39 : i32
    %sign3A_41 = arith.extui %sign3A_40 : i1 to i32
    %sign3A_42 = arith.constant 0 : i32
    %sign3A_43 = arith.cmpi slt, %jit3A, %sign3A_42 : i32
    %sign3A_44 = arith.extui %sign3A_43 : i1 to i32
    %sign3A_45 = arith.subi %sign3A_41, %sign3A_44 : i32
    %ne3A = vector.broadcast %sign3A_45 : i32 to vector<64x8xi32>
    %ne3A_46 = arith.cmpi ne, %sign3A_38, %ne3A : vector<64x8xi32>
    %rem3A = vector.broadcast %jit3A : i32 to vector<64x8xi32>
    %rem3A_47 = arith.remsi %iota3A, %rem3A : vector<64x8xi32>
    %ne3A_48 = arith.constant 0 : i32
    %ne3A_49 = vector.broadcast %ne3A_48 : i32 to vector<64x8xi32>
    %ne3A_50 = arith.cmpi ne, %rem3A_47, %ne3A_49 : vector<64x8xi32>
    %and3A = arith.andi %ne3A_46, %ne3A_50 : vector<64x8xi1>
    %sub3A = arith.constant 1 : i32
    %sub3A_51 = vector.broadcast %sub3A : i32 to vector<64x8xi32>
    %sub3A_52 = arith.subi %div3A_30, %sub3A_51 : vector<64x8xi32>
    %select_n3A = arith.select %and3A, %sub3A_52, %div3A_30 : vector<64x8xi1>, vector<64x8xi32>
    %eq3A = arith.cmpi eq, %select_n3A, %iota3A_29 : vector<64x8xi32>
    %convert_element_type3A = arith.extui %eq3A : vector<64x8xi1> to vector<64x8xi32>
    %convert_element_type3A_53 = arith.sitofp %convert_element_type3A : vector<64x8xi32> to vector<64x8xf32>
    %jit3A_54 = arith.constant 8 : i32
    %eq3A_55 = arith.constant 0 : i32
    %eq3A_56 = arith.cmpi eq, %jit3A_54, %eq3A_55 : i32
    %jit3A_57 = arith.constant 1 : i32
    %select_n3A_58 = arith.select %eq3A_56, %jit3A_57, %jit3A_54 : i32
    %rem3A_59 = vector.broadcast %select_n3A_58 : i32 to vector<64x8xi32>
    %rem3A_60 = arith.remsi %iota3A, %rem3A_59 : vector<64x8xi32>
    %ne3A_61 = arith.constant 0 : i32
    %ne3A_62 = vector.broadcast %ne3A_61 : i32 to vector<64x8xi32>
    %ne3A_63 = arith.cmpi ne, %rem3A_60, %ne3A_62 : vector<64x8xi32>
    %lt3A = arith.constant 0 : i32
    %lt3A_64 = vector.broadcast %lt3A : i32 to vector<64x8xi32>
    %lt3A_65 = arith.cmpi slt, %rem3A_60, %lt3A_64 : vector<64x8xi32>
    %lt3A_66 = arith.constant 0 : i32
    %lt3A_67 = arith.cmpi slt, %select_n3A_58, %lt3A_66 : i32
    %ne3A_68 = vector.broadcast %lt3A_67 : i1 to vector<64x8xi1>
    %ne3A_69 = vector.broadcast %ne3A_68 : vector<64x8xi1> to vector<64x8xi1>
    %ne3A_70 = arith.xori %lt3A_65, %ne3A_69 : vector<64x8xi1>
    %and3A_71 = arith.andi %ne3A_70, %ne3A_63 : vector<64x8xi1>
    %add3A_72 = vector.broadcast %select_n3A_58 : i32 to vector<64x8xi32>
    %add3A_73 = arith.addi %rem3A_60, %add3A_72 : vector<64x8xi32>
    %select_n3A_74 = arith.select %and3A_71, %add3A_73, %rem3A_60 : vector<64x8xi1>, vector<64x8xi32>
    %eq3A_75 = arith.cmpi eq, %select_n3A_74, %iota3A_29 : vector<64x8xi32>
    %convert_element_type3A_76 = arith.extui %eq3A_75 : vector<64x8xi1> to vector<64x8xi32>
    %convert_element_type3A_77 = arith.sitofp %convert_element_type3A_76 : vector<64x8xi32> to vector<64x8xf32>
    %get3A_78 = arith.constant 0 : index
    %get3A_79 = arith.constant 0 : index
    %get3A_80 = vector.load %arg7[%get3A_78, %get3A_79] : memref<8x8xi32, #tpu.memory_space<vmem>>, vector<8x8xi32>
    %convert_element_type3A_81 = arith.sitofp %get3A_80 : vector<8x8xi32> to vector<8x8xf32>
    %dot_general3A_82 = arith.constant dense<0.000000e+00> : vector<64x8xf32>
    %dot_general3A_83 = tpu.matmul %convert_element_type3A_53, %convert_element_type3A_81, %dot_general3A_82 {dimension_numbers = #tpu.dot_dimension_numbers<[1], [0], [0], [1], [0, 0, 1, 1], [], []>, precision = #tpu.contract_precision<fp32>, transpose_lhs_hint = false} : vector<64x8xf32>, vector<8x8xf32>, vector<64x8xf32> -> vector<64x8xf32>
    %mul3A = arith.mulf %dot_general3A_83, %convert_element_type3A_77 : vector<64x8xf32>
    %reduce_sum3A = arith.constant dense<0.000000e+00> : vector<64xf32>
    %reduce_sum3A_84 = vector.multi_reduction <add>, %mul3A, %reduce_sum3A [1] : vector<64x8xf32> to vector<64xf32>
    %broadcast_in_dim3A = vector.shape_cast %reduce_sum3A_84 : vector<64xf32> to vector<64x1xf32>
    %convert_element_type3A_85 = arith.fptosi %broadcast_in_dim3A : vector<64x1xf32> to vector<64x1xi32>
    %mul3A_86 = arith.constant 1000 : i32
    %mul3A_87 = arith.muli %arg0, %mul3A_86 : i32
    %sub3A_88 = vector.broadcast %mul3A_87 : i32 to vector<64x1xi32>
    %sub3A_89 = arith.subi %convert_element_type3A_85, %sub3A_88 : vector<64x1xi32>
    %iota3A_90 = tpu.iota {dimensions = array<i32: 1>} : vector<64x1000xi32>
    %eq3A_91 = vector.broadcast %sub3A_89 : vector<64x1xi32> to vector<64x1000xi32>
    %eq3A_92 = arith.cmpi eq, %eq3A_91, %iota3A_90 : vector<64x1000xi32>
    %convert_element_type3A_93 = arith.extui %eq3A_92 : vector<64x1000xi1> to vector<64x1000xi32>
    %convert_element_type3A_94 = arith.sitofp %convert_element_type3A_93 : vector<64x1000xi32> to vector<64x1000xf32>
    %dot_general3A_95 = arith.constant dense<0.000000e+00> : vector<64x1xf32>
    %dot_general3A_96 = tpu.matmul %convert_element_type3A_94, %dot_general3A_28, %dot_general3A_95 {dimension_numbers = #tpu.dot_dimension_numbers<[1], [0], [0], [1], [0, 0, 1, 1], [], []>, precision = #tpu.contract_precision<fp32>, transpose_lhs_hint = false} : vector<64x1000xf32>, vector<1000x1xf32>, vector<64x1xf32> -> vector<64x1xf32>
    %eq3A_97 = arith.constant 0 : i32
    %eq3A_98 = arith.cmpi eq, %arg0, %eq3A_97 : i32
    %convert_element_type3A_99 = arith.extui %eq3A_98 : i1 to i32
    %cond3A = arith.constant 0 : i32
    %cond3A_100 = arith.cmpi ne, %convert_element_type3A_99, %cond3A : i32
    scf.if %cond3A_100 {
      %broadcast_in_dim3A_112 = arith.constant 0.000000e+00 : f32
      %broadcast_in_dim3A_113 = vector.broadcast %broadcast_in_dim3A_112 : f32 to vector<64x1xf32>
      %swap3A_114 = arith.constant 0 : index
      %swap3A_115 = arith.constant 0 : index
      %swap3A_116 = vector.load %arg10[%swap3A_114, %swap3A_115] : memref<64x1xf32, #tpu.memory_space<vmem>>, vector<64x1xf32>
      tpu.vector_store %arg10[%swap3A_114, %swap3A_115], %broadcast_in_dim3A_113 {strides = array<i32>} : memref<64x1xf32, #tpu.memory_space<vmem>>, vector<64x1xf32>,
    } else {
    }
    %get3A_101 = arith.constant 0 : index
    %get3A_102 = arith.constant 0 : index
    %get3A_103 = vector.load %arg10[%get3A_101, %get3A_102] : memref<64x1xf32, #tpu.memory_space<vmem>>, vector<64x1xf32>
    %add3A_104 = arith.addf %get3A_103, %dot_general3A_96 : vector<64x1xf32>
    %swap3A = arith.constant 0 : index
    %swap3A_105 = arith.constant 0 : index
    %swap3A_106 = vector.load %arg10[%swap3A, %swap3A_105] : memref<64x1xf32, #tpu.memory_space<vmem>>, vector<64x1xf32>
    tpu.vector_store %arg10[%swap3A, %swap3A_105], %add3A_104 {strides = array<i32>} : memref<64x1xf32, #tpu.memory_space<vmem>>, vector<64x1xf32>,
    %eq3A_107 = arith.constant 9 : i32
    %eq3A_108 = arith.cmpi eq, %arg0, %eq3A_107 : i32
    %convert_element_type3A_109 = arith.extui %eq3A_108 : i1 to i32
    %cond3A_110 = arith.constant 0 : i32
    %cond3A_111 = arith.cmpi ne, %convert_element_type3A_109, %cond3A_110 : i32
    scf.if %cond3A_111 {
      %get3A_112 = arith.constant 0 : index
      %get3A_113 = arith.constant 0 : index
      %get3A_114 = vector.load %arg8[%get3A_112, %get3A_113] : memref<8x8xf32, #tpu.memory_space<vmem>>, vector<8x8xf32>
      %dot_general3A_115 = arith.constant dense<0.000000e+00> : vector<64x8xf32>
      %dot_general3A_116 = tpu.matmul %convert_element_type3A_53, %get3A_114, %dot_general3A_115 {dimension_numbers = #tpu.dot_dimension_numbers<[1], [0], [0], [1], [0, 0, 1, 1], [], []>, precision = #tpu.contract_precision<fp32>, transpose_lhs_hint = false} : vector<64x8xf32>, vector<8x8xf32>, vector<64x8xf32> -> vector<64x8xf32>
      %mul3A_117 = arith.mulf %dot_general3A_116, %convert_element_type3A_77 : vector<64x8xf32>
      %reduce_sum3A_118 = arith.constant dense<0.000000e+00> : vector<64xf32>
      %reduce_sum3A_119 = vector.multi_reduction <add>, %mul3A_117, %reduce_sum3A_118 [1] : vector<64x8xf32> to vector<64xf32>
      %broadcast_in_dim3A_120 = vector.shape_cast %reduce_sum3A_119 : vector<64xf32> to vector<64x1xf32>
      %get3A_121 = arith.constant 0 : index
      %get3A_122 = arith.constant 0 : index
      %get3A_123 = vector.load %arg10[%get3A_121, %get3A_122] : memref<64x1xf32, #tpu.memory_space<vmem>>, vector<64x1xf32>
      %get3A_124 = arith.constant 0 : index
      %get3A_125 = arith.constant 0 : index
      %get3A_126 = vector.load %arg6[%get3A_124, %get3A_125] : memref<1x1xf32, #tpu.memory_space<vmem>>, vector<1x1xf32>
      %add3A_127 = vector.broadcast %get3A_126 : vector<1x1xf32> to vector<64x1xf32>
      %add3A_128 = arith.addf %get3A_123, %add3A_127 : vector<64x1xf32>
      %logistic3A = arith.negf %add3A_128 : vector<64x1xf32>
      %logistic3A_129 = math.exp %logistic3A : vector<64x1xf32>
      %logistic3A_130 = arith.constant 1.000000e+00 : f32
      %logistic3A_131 = vector.broadcast %logistic3A_130 : f32 to vector<64x1xf32>
      %logistic3A_132 = arith.addf %logistic3A_131, %logistic3A_129 : vector<64x1xf32>
      %logistic3A_133 = arith.divf %logistic3A_131, %logistic3A_132 : vector<64x1xf32>
      %neg3A = arith.constant 0.000000e+00 : f32
      %neg3A_134 = vector.broadcast %neg3A : f32 to vector<64x1xf32>
      %neg3A_135 = arith.subf %neg3A_134, %broadcast_in_dim3A_120 : vector<64x1xf32>
      %add3A_136 = arith.constant 1.000000e-18 : f32
      %add3A_137 = vector.broadcast %add3A_136 : f32 to vector<64x1xf32>
      %add3A_138 = arith.addf %logistic3A_133, %add3A_137 : vector<64x1xf32>
      %log3A = math.log %add3A_138 : vector<64x1xf32>
      %mul3A_139 = arith.mulf %neg3A_135, %log3A : vector<64x1xf32>
      %sub3A_140 = arith.constant 1.000000e+00 : f32
      %sub3A_141 = vector.broadcast %sub3A_140 : f32 to vector<64x1xf32>
      %sub3A_142 = arith.subf %sub3A_141, %broadcast_in_dim3A_120 : vector<64x1xf32>
      %sub3A_143 = arith.constant 1.000000e+00 : f32
      %sub3A_144 = vector.broadcast %sub3A_143 : f32 to vector<64x1xf32>
      %sub3A_145 = arith.subf %sub3A_144, %logistic3A_133 : vector<64x1xf32>
      %add3A_146 = arith.constant 1.000000e-18 : f32
      %add3A_147 = vector.broadcast %add3A_146 : f32 to vector<64x1xf32>
      %add3A_148 = arith.addf %sub3A_145, %add3A_147 : vector<64x1xf32>
      %log3A_149 = math.log %add3A_148 : vector<64x1xf32>
      %mul3A_150 = arith.mulf %sub3A_142, %log3A_149 : vector<64x1xf32>
      %sub3A_151 = arith.subf %mul3A_139, %mul3A_150 : vector<64x1xf32>
      %reduce_sum3A_152 = vector.shape_cast %sub3A_151 : vector<64x1xf32> to vector<1x64x1xf32>
      %reduce_sum3A_153 = arith.constant dense<0.000000e+00> : vector<1xf32>
      %reduce_sum3A_154 = vector.multi_reduction <add>, %reduce_sum3A_152, %reduce_sum3A_153 [1, 2] : vector<1x64x1xf32> to vector<1xf32>
      %reduce_sum3A_155 = vector.shape_cast %reduce_sum3A_154 : vector<1xf32> to vector<1x1x1xf32>
      %reduce_sum3A_156 = vector.extract %reduce_sum3A_155[0, 0, 0] : f32 from vector<1x1x1xf32>
      %div3A_157 = arith.constant 6.400000e+01 : f32
      %div3A_158 = arith.divf %reduce_sum3A_156, %div3A_157 : f32
      %reshape3A = vector.broadcast %div3A_158 : f32 to vector<1x1xf32>
      %swap3A_159 = arith.constant 0 : index
      %swap3A_160 = arith.constant 0 : index
      %swap3A_161 = vector.load %arg9[%swap3A_159, %swap3A_160] : memref<1x1xf32, #tpu.memory_space<vmem>>, vector<1x1xf32>
      tpu.vector_store %arg9[%swap3A_159, %swap3A_160], %reshape3A {strides = array<i32>} : memref<1x1xf32, #tpu.memory_space<vmem>>, vector<1x1xf32>,
    } else {
    }
    return
  }
  func.func @transform_0(%arg0: i32) -> (i32, i32) {
    %c0_i32 = arith.constant 0 : i32
    %c0_i32_0 = arith.constant 0 : i32
    return %arg0, %c0_i32 : i32, i32
  }
  func.func @transform_1(%arg0: i32) -> (i32, i32, i32) {
    %c0_i32 = arith.constant 0 : i32
    %c0_i32_0 = arith.constant 0 : i32
    %c0_i32_1 = arith.constant 0 : i32
    return %c0_i32, %arg0, %c0_i32_0 : i32, i32, i32
  }
  func.func @transform_2(%arg0: i32) -> (i32, i32) {
    %c0_i32 = arith.constant 0 : i32
    %c0_i32_0 = arith.constant 0 : i32
    %c0_i32_1 = arith.constant 0 : i32
    return %c0_i32, %c0_i32_0 : i32, i32
  }
  func.func @transform_3(%arg0: i32) -> (i32, i32) {
    %c0_i32 = arith.constant 0 : i32
    %c0_i32_0 = arith.constant 0 : i32
    %c0_i32_1 = arith.constant 0 : i32
    return %c0_i32, %c0_i32_0 : i32, i32
  }
  func.func @transform_4(%arg0: i32) -> (i32, i32) {
    %c0_i32 = arith.constant 0 : i32
    %c0_i32_0 = arith.constant 0 : i32
    %c0_i32_1 = arith.constant 0 : i32
    return %c0_i32, %c0_i32_0 : i32, i32
  }
  func.func @transform_5(%arg0: i32) -> (i32, i32) {
    %c0_i32 = arith.constant 0 : i32
    %c0_i32_0 = arith.constant 0 : i32
    %c0_i32_1 = arith.constant 0 : i32
    return %c0_i32, %c0_i32_0 : i32, i32
  }
  func.func @transform_6(%arg0: i32) -> (i32, i32) {
    %c0_i32 = arith.constant 0 : i32
    %c0_i32_0 = arith.constant 0 : i32
    %c0_i32_1 = arith.constant 0 : i32
    return %c0_i32, %c0_i32_0 : i32, i32
  }
  func.func @transform_7(%arg0: i32) -> (i32, i32) {
    %c0_i32 = arith.constant 0 : i32
    %c0_i32_0 = arith.constant 0 : i32
    %c0_i32_1 = arith.constant 0 : i32
    return %c0_i32, %c0_i32_0 : i32, i32
  }
  func.func @transform_8(%arg0: i32) -> (i32, i32) {
    %c0_i32 = arith.constant 0 : i32
    %c0_i32_0 = arith.constant 0 : i32
    %c0_i32_1 = arith.constant 0 : i32
    return %c0_i32, %c0_i32_0 : i32, i32
  }
}

</mosaic_0001>

<sc_bundles>
// kernel: kernel.11.cloned.1.call-start
scs
__scs_entry_jumppad:
0x0: {  	(pc) =	sbr.rel $0x88, $3  }
0x1: {  	(tag) =	ssettag $0x0;
	lr =	simm.s32 $0x1  }
0x2: {  	[smem:$0x3F92] =	sst lr;
	_ =	strace $0xD0000000  }
0x3: {  	_ = 	snop  }
0x4: {  	_ = 	snop  }
0x5: {  	_ = 	snop  }
0x6: {  	_ = 	snop  }
0x7: {  	_ = 	snop  }
__scs_overlays_trampoline_lowered:
0x8: {  	[smem:$0x3FA1] =	sst s0  }
0x9: {  	[smem:$0x3FA2] =	sst s1  }
0xa: {  	[smem:$0x3FA3] =	sst s2  }
0xb: {  	[smem:$0x3FA4] =	sst s3  }
0xc: {  	[smem:$0x3FA5] =	sst s4  }
0xd: {  	[smem:$0x3FA6] =	sst s5  }
0xe: {  	[smem:$0x3FA7] =	sst s6  }
0xf: {  	[smem:$0x3FA8] =	sst s7  }
0x10: {  	[smem:$0x3FA9] =	sst s8  }
0x11: {  	[smem:$0x3FAA] =	sst s9;
	s0 =	simm.s32 @!p0 $0x0  }
0x12: {  	s1 =	sld [smem:$0x3F90];
	s0 =	simm.s32 @p0 $0x1  }
0x13: {  	[smem:$0x3FAB] =	sst s0;
	s0 =	simm.s32 @!p1 $0x0  }
0x14: {  	s2 =	sld [smem:$0x3F8F];
	s0 =	simm.s32 @p1 $0x1  }
0x15: {  	[smem:$0x3FAC] =	sst s0;
	s0 =	simm.s32 @!p2 $0x0  }
0x16: {  	s3 =	sld [smem:$0x3FDB];
	s0 =	simm.s32 @p2 $0x1  }
0x17: {  	s4 =	simm.s32 $0x1BF5;
	[smem:$0x3FAE] =	sst s0  }
0x18: {  	s0 =	sld [smem:$0x3F91];
	_ =	swait.ge [sflag:s4], $0x0  }
0x19: {  	s7 =	sld [smem:$0x3F92]  }
0x1a: {  	s8 =	sadd.s32 $0xFFFFE003, lr  }
0x1b: {  	s9 =	sadd.s32 $0xFFFFFEF7, lr;
	s5 =	simm.s32 $0xFFFFFFFF;
	p2 =	slt.u32 s8, $0xFFFFF086  }
0x1c: {  	p1 =	slt.u32 s9, $0xF7A;
	s5 =	simm.s32 @!p2 $0x0  }
0x1d: {  	s5 =	simm.s32 @p1 $0x1;
	p0 =	seq.s32 s7, s2  }
0x1e: {  	s7 =	smul.u32 @!p0 $0xF7A, s2;
	p2 =	seq.s32 @!p0 s5, $0x0  }
0x1f: {  	s9 =	smul.u32 $0xF7A, s1;
	s8 =	simm.s32 @!p0 $0x1BF5;
	p2 =	por !p2, p0  }
0x20: {  	[sflag:s8] =	ssyncset.s32 @!p0 $0xFFFFF086;
	s6 =	sadd.s32 @!p0 s3, s7;
	s7 =	simm.s32 @!p0 $0x108  }
0x21: {  	s3 =	sadd.s32 s3, s9;
	s6 =	sadd.s32 @!p0 $0x88, s6;
	s7 =	simm.s32 @p2 $0x1082  }
0x22: {  	[simem:s7], [sflag:s8] =	dma.local @!p0 [hbm:s6], $0xF7A  }
0x23: {  	s9 =	sor.u32 $0xD0000000, s2;
	s6 =	simm.s32 $0x108;
	_ =	swait.ge @!p0 [sflag:s8], $0x0  }
0x24: {  	s3 =	sadd.s32 $0x88, s3;
	s6 =	simm.s32 @!p1 $0x1082;
	[sflag:s4] =	ssyncset.s32 $0xFFFFF086  }
0x25: {  	[simem:s6], [sflag:s4] =	dma.local [hbm:s3], $0xF7A  }
0x26: {  	[smem:$0x3F92] =	sst s1;
	(tag) =	ssettag s2;
	_ =	strace s9  }
0x27: {  	s1 =	sld [smem:$0x3FA2]  }
0x28: {  	s2 =	sld [smem:$0x3FA3]  }
0x29: {  	s4 =	sld [smem:$0x3FA5]  }
0x2a: {  	p0 =	seq.s32 s5, $0x0;
	s5 =	sld [smem:$0x3FA6]  }
0x2b: {  	s6 =	sld [smem:$0x3FA7]  }
0x2c: {  	s7 =	sld [smem:$0x3FA8]  }
0x2d: {  	s3 =	simm.s32 $0x108;
	s8 =	sld [smem:$0x3FA9]  }
0x2e: {  	s3 =	simm.s32 @!p0 $0x1082;
	s9 =	sld [smem:$0x3FAA]  }
0x2f: {  	lr =	sadd.s32 s0, s3;
	s0 =	sld [smem:$0x3FA1]  }
0x30: {  	s3 =	sld [smem:$0x3FA4]  }
0x31: {  	[smem:$0x3FAD] =	sst s10  }
0x32: {  	s10 =	sld [smem:$0x3FAB];
	_ =	sdelay $0x3  }
0x33: {  	p0 =	seq.s32 s10, $0x1;
	s10 =	sld [smem:$0x3FAD];
	_ =	sdelay $0x3  }
0x34: {  	[smem:$0x3FAD] =	sst s10  }
0x35: {  	s10 =	sld [smem:$0x3FAC];
	_ =	sdelay $0x3  }
0x36: {  	p1 =	seq.s32 s10, $0x1;
	s10 =	sld [smem:$0x3FAD];
	_ =	sdelay $0x3  }
0x37: {  	[smem:$0x3FAD] =	sst s10  }
0x38: {  	s10 =	sld [smem:$0x3FAE]  }
0x39: {  	_ = 	snop;
	(pc) =	sbr.ind lr, $3  }
0x3a: {  	_ = 	snop  }
0x3b: {  	_ = 	snop  }
0x3c: {  	p2 =	seq.s32 s10, $0x1;
	s10 =	sld [smem:$0x3FAD]  }
0x3d: {  	_ =	shalt  }
0x3e: {  	_ =	shalt  }
0x3f: {  	_ =	shalt  }
0x40: {  	_ =	shalt  }
0x41: {  	_ =	shalt  }
0x42: {  	_ =	shalt  }
0x43: {  	_ =	shalt  }
0x44: {  	_ =	shalt  }
0x45: {  	_ =	shalt  }
0x46: {  	_ =	shalt  }
0x47: {  	_ =	shalt  }
0x48: {  	_ =	shalt  }
0x49: {  	_ =	shalt  }
0x4a: {  	_ =	shalt  }
0x4b: {  	_ =	shalt  }
0x4c: {  	_ =	shalt  }
0x4d: {  	_ =	shalt  }
0x4e: {  	_ =	shalt  }
0x4f: {  	_ =	shalt  }
0x50: {  	_ =	shalt  }
0x51: {  	_ =	shalt  }
0x52: {  	_ =	shalt  }
0x53: {  	_ =	shalt  }
0x54: {  	_ =	shalt  }
0x55: {  	_ =	shalt  }
0x56: {  	_ =	shalt  }
0x57: {  	_ =	shalt  }
0x58: {  	_ =	shalt  }
0x59: {  	_ =	shalt  }
0x5a: {  	_ =	shalt  }
0x5b: {  	_ =	shalt  }
0x5c: {  	_ =	shalt  }
0x5d: {  	_ =	shalt  }
0x5e: {  	_ =	shalt  }
0x5f: {  	_ =	shalt  }
0x60: {  	_ =	shalt  }
0x61: {  	_ =	shalt  }
0x62: {  	_ =	shalt  }
0x63: {  	_ =	shalt  }
0x64: {  	_ =	shalt  }
0x65: {  	_ =	shalt  }
0x66: {  	_ =	shalt  }
0x67: {  	_ =	shalt  }
0x68: {  	_ =	shalt  }
0x69: {  	_ =	shalt  }
0x6a: {  	_ =	shalt  }
0x6b: {  	_ =	shalt  }
0x6c: {  	_ =	shalt  }
0x6d: {  	_ =	shalt  }
0x6e: {  	_ =	shalt  }
0x6f: {  	_ =	shalt  }
0x70: {  	_ =	shalt  }
0x71: {  	_ =	shalt  }
0x72: {  	_ =	shalt  }
0x73: {  	_ =	shalt  }
0x74: {  	_ =	shalt  }
0x75: {  	_ =	shalt  }
0x76: {  	_ =	shalt  }
0x77: {  	_ =	shalt  }
0x78: {  	_ =	shalt  }
0x79: {  	_ =	shalt  }
0x7a: {  	_ =	shalt  }
0x7b: {  	_ =	shalt  }
0x7c: {  	_ =	shalt  }
0x7d: {  	_ =	shalt  }
0x7e: {  	_ =	shalt  }
0x7f: {  	_ =	shalt  }
0x80: {  	_ =	shalt  }
0x81: {  	_ =	shalt  }
0x82: {  	_ =	shalt  }
0x83: {  	_ =	shalt  }
0x84: {  	_ =	shalt  }
0x85: {  	_ =	shalt  }
0x86: {  	_ =	shalt  }
0x87: {  	_ =	shalt  }
.Lfunc_end0:
.L_simem_size_0:
called_computation.1_lowered:
.L_overlay_start_0:
0x88: {  	s2 =	sld [smem:$0x3FD9]  }
0x89: {  	s3 =	sld [smem:$0x3FFE];
	_ =	sdelay $0x1  }
0x8a: {  	s1 =	srdreg.scid  }
0x8b: {  	s0 =	sand.u32 $0x1, s1  }
0x8c: {  	s16 =	sshll.u32 s0, $0xA;
	s2 =	sadd.s32 s3, s2  }
0x8d: {  	s2 =	sadd.s32 s2, s16  }
0x8e: {  	[smem:$0x3FB9] =	sst s2  }
0x8f: {  	_ = 	snop  }
0x90: {  	(tm) =	ssettm $0x1  }
0x91: {  	s17 =	sld [smem:$0x3FFB];
	_ =	sdelay $0x3  }
0x92: {  	_ =	strace s17  }
0x93: {  	s2 =	sld [smem:$0x3FFC];
	_ =	sdelay $0x3  }
0x94: {  	_ =	strace s2  }
0x95: {  	s2 =	sld [smem:$0x3FFD];
	_ =	sdelay $0x3  }
0x96: {  	_ =	strace s2  }
0x97: {  	_ =	strace $0x8FFFFFFF  }
0x98: {  	s18 =	sld [smem:$0x3FDB];
	_ =	sdelay $0x1  }
0x99: {  	s19 =	simm.s32 $_scs_section_size  }
0x9a: {  	s4 =	simm.s32 $_size__tile_overlayer_lowered;
	s5 =	simm.s32 $_tile_overlayer_lowered  }
0x9b: {  	s22 =	simm.s32 $0x1BFF;
	s21 =	sshll.u32 s5, $0x1;
	s2 =	sadd.s32 s19, s18  }
0x9c: {  	s6 =	simm.s32 $0x0;
	s20 =	sshll.u32 s4, $0x1;
	s4 =	sadd.s32 s21, s2  }
0x9d: {  	[timem:s6], [sflag:s22] =	dma.local [hbm:s4], s20  }
0x9e: {  	_ =	swait.ge [sflag:s22], s20  }
0x9f: {  	s3 =	ssub.s32 $0x0, s20;
	[sflag:s22] =	ssyncset.done $0x0  }
0xa0: {  	[sflag:s22] =	ssyncadd.s32 s3;
	_ =	sdelay $0x1  }
0xa1: {  	s23 =	simm.s32 $0x1B8B  }
0xa2: {  	_ =	swait.ge [sflag:s23], $0x1  }
0xa3: {  	[sflag:s23] =	ssyncset.done $0x0  }
0xa4: {  	s25 =	simm.s32 $0x1B8E;
	s24 =	sld [smem:$0x3FFE];
	[sflag:s23] =	ssyncadd.s32 $0xFFFFFFFF  }
0xa5: {  	s26 =	simm.s32 $execute0_lowered;
	[smem:$0x3FD2] =	sst s25  }
0xa6: {  	s4 =	sshll.u32 s26, $0x1;
	_ =	strace $0x80000049;
	[dreg:$0x1] =	wrdreg $0xFFFFFFFF  }
0xa7: {  	s28 =	simm.s32 $_size_execute0_lowered;
	s2 =	sadd.s32 s2, s4;
	[dreg:$0x0] =	wrdreg $0x0  }
0xa8: {  	s4 =	sshll.u32 s28, $0x1;
	[dreg:$0x2] =	wrdreg s2  }
0xa9: {  	[dreg:$0x3] =	wrdreg s4  }
0xaa: {  	[dreg:$0x4] =	wrdreg $0xC0  }
0xab: {  	_ =	task [dreg:s6], $0x5FFFF  }
0xac: {  	[dreg:$0x1] =	wrdreg $0xFFFFFFFF  }
0xad: {  	[dreg:$0x0] =	wrdreg $0x60  }
0xae: {  	[dreg:$0x2] =	wrdreg s24  }
0xaf: {  	[dreg:$0x3] =	wrdreg $0x0  }
0xb0: {  	[dreg:$0x4] =	wrdreg $0x9  }
0xb1: {  	_ =	task.clear_ibuf [dreg:s6], $0x5FFFF;
	_ =	strace $0x90000049  }
0xb2: {  	s29 =	simm.s32 $0x9;
	_ =	strace $0x8000004B  }
0xb3: {  	_ =	swait.ge [sflag:s29], $0x1  }
0xb4: {  	[sflag:s29] =	ssyncadd.s32 $0xFFFFFFFF  }
0xb5: {  	_ =	strace $0x9000004B  }
0xb6: {  	_ =	sfence  }
0xb7: {  	s30 =	sld [smem:$0x0];
	_ =	sdelay $0x2  }
0xb8: {  	s31 =	sshll.u32 s1, $0xD;
	s1 =	sshrl.u32 s1, $0x2  }
0xb9: {  	s3 =	sand.u32 $0x4000, s31;
	s1 =	sadd.s32 s1, s30  }
0xba: {  	s0 =	sor.u32 s3, s0;
	s1 =	sshll.u32 s1, $0x11  }
0xbb: {  	s0 =	sor.u32 s1, s0  }
0xbc: {  	s0 =	sadd.s32 $0x8F2B, s0  }
0xbd: {  	[sflag:s0] =	ssyncadd.remote.s32 $0x1  }
0xbe: {  	_ =	sfence.sel $0xFFFF  }
0xbf: {  	[dreg:$0x0] =	wrdreg $0xFFFFFFFF;
	(pc) =	sbr.abs _section_cstart, $3  }
0xc0: {  	[dreg:$0x1] =	wrdreg $0xFFFFFFFF  }
0xc1: {  	_ =	task.clear_ibuf [dreg:s6], $0x2FFFF;
	_ =	strace $0x9FFFFFFF  }
0xc2: {  	(tm) =	ssettm $0x7FFFFFFF  }
0xc3: {  	_ =	shalt  }
tec
execute0_lowered:
.L_overlay_start_1:
0x0: {  	(tag) =	ssettag $0x1  }
0x1: {  	s2 =	srdreg.scid  }
0x2: {  	s0 =	rddreg [dreg:$0x0];
	s5 =	sand.u32 $0x1, s2  }
0x3: {  	s2 =	stileid.u32;
	s6 =	smul.u32 $0x138800, s5  }
0x4: {  	s1 =	rddreg [dreg:$0x1];
	s3 =	simm.s32 $0x0;
	s7 =	smul.u32 $0x1F400, s2  }
0x5: {  	[smem:$0x7FF] =	sst s3;
	s10 =	smul.u32 $0x7D000, s2  }
0x6: {  	s4 =	sadd.s32 $0x11200, s0;
	s8 =	smul.u32 $0x500, s2;
	s6 =	sadd.s32 s7, s6  }
0x7: {  	s12 =	sadd.s32 $0x138800, s1;
	s7 =	sshrl.u32 s10, $0x2;
	s6 =	sshrl.u32 s6, $0x3  }
0x8: {  	s8 =	sadd.s32 s8, s0;
	s0 =	sadd.s32 s6, s0;
	s6 =	sadd.s32 s7, s1  }
0x9: {  	_ =	strace $0x8000004A;
	[dreg:$0x3] =	wrdreg s12;
	s7 =	sadd.s32 $0x1400, s6  }
0xa: {  	s13 =	sadd.s32 $0x2800, s6;
	[dreg:$0x4] =	wrdreg s7  }
0xb: {  	s9 =	ssub.s32 $0x2, s5;
	s14 =	sadd.s32 $0x3C00, s6;
	[dreg:$0x5] =	wrdreg s13  }
0xc: {  	p0 =	sgt.u32 s2, $0x9;
	s15 =	sadd.s32 $0x5000, s6;
	[dreg:$0x6] =	wrdreg s14  }
0xd: {  	p1 =	sne.s32 s2, $0xA;
	s16 =	sadd.s32 $0x6400, s6;
	[dreg:$0x7] =	wrdreg s15  }
0xe: {  	s12 =	simm.s32 $0x16100;
	s17 =	sadd.s32 $0x7800, s6;
	[dreg:$0x8] =	wrdreg s16  }
0xf: {  	s11 =	sshrl.u32 s9, $0x1;
	s18 =	sadd.s32 $0x8C00, s6;
	[dreg:$0x9] =	wrdreg s17  }
0x10: {  	s9 =	ssub.s32 s9, s11;
	s19 =	sadd.s32 $0xA000, s6;
	[dreg:$0xa] =	wrdreg s18  }
0x11: {  	s10 =	simm.s32 $0x2;
	s20 =	sadd.s32 $0xB400, s6;
	[dreg:$0xb] =	wrdreg s19  }
0x12: {  	s11 =	simm.s32 $0x13900;
	s21 =	sadd.s32 $0xC800, s6;
	[dreg:$0xc] =	wrdreg s20  }
0x13: {  	s22 =	sadd.s32 $0xDC00, s6;
	s23 =	sadd.s32 $0xF000, s6;
	[dreg:$0xd] =	wrdreg s21  }
0x14: {  	s24 =	sadd.s32 $0x10400, s6;
	s25 =	sadd.s32 $0x11800, s6;
	[dreg:$0xe] =	wrdreg s22  }
0x15: {  	s26 =	sadd.s32 $0x12C00, s6;
	s28 =	sadd.s32 $0x15400, s6;
	[dreg:$0xf] =	wrdreg s23  }
0x16: {  	s29 =	sadd.s32 $0x16800, s6;
	s30 =	sadd.s32 $0x17C00, s6;
	[dreg:$0x10] =	wrdreg s24  }
0x17: {  	s31 =	sadd.s32 $0x19000, s6;
	[dreg:$0x11] =	wrdreg s25;
	s21 =	sadd.s32 $0x282200, s8  }
0x18: {  	s22 =	sadd.s32 $0xC200, s8;
	s14 =	smul.u32 $0x13880, s5;
	s23 =	sadd.s32 $0x287200, s0  }
0x19: {  	s24 =	smax.u32 s9, $0x1;
	[dreg:$0x12] =	wrdreg s26;
	s26 =	sadd.s32 $0x14000, s6  }
0x1a: {  	s0 =	sadd.s32 $0x1A400, s6;
	s5 =	sadd.s32 $0x1B800, s6;
	s7 =	sadd.s32 $0x1CC00, s6  }
0x1b: {  	s8 =	sadd.s32 $0x1E000, s6;
	s9 =	simm.s32 $0x1C900;
	s13 =	simm.s32 $0x80  }
0x1c: {  	v1 =	vimm.f32 $0.0e+00;
	s15 =	simm.s32 $0x1;
	s16 =	simm.s32 $0x0;
	v0 =	vmov s14;
	s14 =	simm.s32 $0x18900  }
.LBB2_1:
0x1d: {  	s17 =	simm.s32 $0x70;
	s18 =	simm.s32 $0x3C0  }
.LBB2_2:
0x1e: {  	p2 =	sne.s32 s18, $0x4FC0;
	[tilespmem:s17+$0x1C900] =	vst v1  }
0x1f: {  	[tilespmem:s17+$0x1C890] =	vst v1  }
0x20: {  	[tilespmem:s17+$0x1C8A0] =	vst v1  }
.Ltmp0:
0x21: {  	[tilespmem:s17+$0x1C8B0] =	vst v1;
	(pc) =	sbr.rel @p2 .LBB2_2-.Ltmp0, $4  }
0x22: {  	[tilespmem:s17+$0x1C8C0] =	vst v1  }
0x23: {  	[tilespmem:s17+$0x1C8D0] =	vst v1  }
0x24: {  	[tilespmem:s17+$0x1C8E0] =	vst v1  }
0x25: {  	[tilespmem:s17+$0x1C8F0] =	vst v1;
	s17 =	sshra.s32 s18, $0x2;
	s18 =	sadd.s32 $0x200, s18  }
0x26: {  	[tilespmem:s17+$0x1C900] =	vst v1  }
0x27: {  	[tilespmem:s17+$0x1C890] =	vst v1  }
0x28: {  	[tilespmem:s17+$0x1C8A0] =	vst v1  }
.Ltmp1:
0x29: {  	[tilespmem:s17+$0x1C8B0] =	vst v1;
	(pc) =	sbr.rel @p0 .LBB2_5-.Ltmp1, $4  }
0x2a: {  	[tilespmem:s17+$0x1C8C0] =	vst v1  }
0x2b: {  	[tilespmem:s17+$0x1C8D0] =	vst v1  }
0x2c: {  	[tilespmem:s17+$0x1C8E0] =	vst v1  }
0x2d: {  	[tilespmem:s17+$0x1C8F0] =	vst v1  }
0x2e: {  	[spmem:s6] =	stream.linear.scatter [tilespmem:s9], [sflag:$0x2], $0x1400, $0x38;
	[tilespmem:$0x1DD00] =	vst v63  }
0x2f: {  	_ =	swait.ge [sflag:s10], $0x1400  }
0x30: {  	[sflag:s10] =	ssyncset.done $0x0  }
0x31: {  	s17 =	rddreg [dreg:$0x4];
	[sflag:s10] =	ssyncadd.s32 $0xFFFFEC00  }
0x32: {  	[spmem:s17] =	stream.linear.scatter [tilespmem:s9], [sflag:$0x2], $0x1400, $0x38;
	[tilespmem:$0x1DD00] =	vst v63  }
0x33: {  	_ =	swait.ge [sflag:s10], $0x1400  }
0x34: {  	[sflag:s10] =	ssyncset.done $0x0  }
0x35: {  	s20 =	rddreg [dreg:$0x5];
	[sflag:s10] =	ssyncadd.s32 $0xFFFFEC00  }
0x36: {  	[spmem:s20] =	stream.linear.scatter [tilespmem:s9], [sflag:$0x2], $0x1400, $0x38;
	[tilespmem:$0x1DD00] =	vst v63  }
0x37: {  	_ =	swait.ge [sflag:s10], $0x1400  }
0x38: {  	[sflag:s10] =	ssyncset.done $0x0  }
0x39: {  	s25 =	rddreg [dreg:$0x6];
	[sflag:s10] =	ssyncadd.s32 $0xFFFFEC00  }
0x3a: {  	[spmem:s25] =	stream.linear.scatter [tilespmem:s9], [sflag:$0x2], $0x1400, $0x38;
	[tilespmem:$0x1DD00] =	vst v63  }
0x3b: {  	_ =	swait.ge [sflag:s10], $0x1400  }
0x3c: {  	[sflag:s10] =	ssyncset.done $0x0  }
0x3d: {  	s18 =	rddreg [dreg:$0x7];
	[sflag:s10] =	ssyncadd.s32 $0xFFFFEC00  }
0x3e: {  	[spmem:s18] =	stream.linear.scatter [tilespmem:s9], [sflag:$0x2], $0x1400, $0x38;
	[tilespmem:$0x1DD00] =	vst v63  }
0x3f: {  	_ =	swait.ge [sflag:s10], $0x1400  }
0x40: {  	[sflag:s10] =	ssyncset.done $0x0  }
0x41: {  	s19 =	rddreg [dreg:$0x8];
	[sflag:s10] =	ssyncadd.s32 $0xFFFFEC00  }
0x42: {  	[spmem:s19] =	stream.linear.scatter [tilespmem:s9], [sflag:$0x2], $0x1400, $0x38;
	[tilespmem:$0x1DD00] =	vst v63  }
0x43: {  	_ =	swait.ge [sflag:s10], $0x1400  }
0x44: {  	[sflag:s10] =	ssyncset.done $0x0  }
0x45: {  	s20 =	rddreg [dreg:$0x9];
	[sflag:s10] =	ssyncadd.s32 $0xFFFFEC00  }
0x46: {  	[spmem:s20] =	stream.linear.scatter [tilespmem:s9], [sflag:$0x2], $0x1400, $0x38;
	[tilespmem:$0x1DD00] =	vst v63  }
0x47: {  	_ =	swait.ge [sflag:s10], $0x1400  }
0x48: {  	[sflag:s10] =	ssyncset.done $0x0  }
0x49: {  	s25 =	rddreg [dreg:$0xa];
	[sflag:s10] =	ssyncadd.s32 $0xFFFFEC00  }
0x4a: {  	[spmem:s25] =	stream.linear.scatter [tilespmem:s9], [sflag:$0x2], $0x1400, $0x38;
	[tilespmem:$0x1DD00] =	vst v63  }
0x4b: {  	_ =	swait.ge [sflag:s10], $0x1400  }
0x4c: {  	[sflag:s10] =	ssyncset.done $0x0  }
0x4d: {  	s18 =	rddreg [dreg:$0xb];
	[sflag:s10] =	ssyncadd.s32 $0xFFFFEC00  }
0x4e: {  	[spmem:s18] =	stream.linear.scatter [tilespmem:s9], [sflag:$0x2], $0x1400, $0x38;
	[tilespmem:$0x1DD00] =	vst v63  }
0x4f: {  	_ =	swait.ge [sflag:s10], $0x1400  }
0x50: {  	[sflag:s10] =	ssyncset.done $0x0  }
0x51: {  	s19 =	rddreg [dreg:$0xc];
	[sflag:s10] =	ssyncadd.s32 $0xFFFFEC00  }
0x52: {  	[spmem:s19] =	stream.linear.scatter [tilespmem:s9], [sflag:$0x2], $0x1400, $0x38;
	[tilespmem:$0x1DD00] =	vst v63  }
0x53: {  	_ =	swait.ge [sflag:s10], $0x1400  }
0x54: {  	[sflag:s10] =	ssyncset.done $0x0  }
0x55: {  	s20 =	rddreg [dreg:$0xd];
	[sflag:s10] =	ssyncadd.s32 $0xFFFFEC00  }
0x56: {  	[spmem:s20] =	stream.linear.scatter [tilespmem:s9], [sflag:$0x2], $0x1400, $0x38;
	[tilespmem:$0x1DD00] =	vst v63  }
0x57: {  	_ =	swait.ge [sflag:s10], $0x1400  }
0x58: {  	[sflag:s10] =	ssyncset.done $0x0  }
0x59: {  	s25 =	rddreg [dreg:$0xe];
	[sflag:s10] =	ssyncadd.s32 $0xFFFFEC00  }
0x5a: {  	[spmem:s25] =	stream.linear.scatter [tilespmem:s9], [sflag:$0x2], $0x1400, $0x38;
	[tilespmem:$0x1DD00] =	vst v63  }
0x5b: {  	_ =	swait.ge [sflag:s10], $0x1400  }
0x5c: {  	[sflag:s10] =	ssyncset.done $0x0  }
0x5d: {  	s18 =	rddreg [dreg:$0xf];
	[sflag:s10] =	ssyncadd.s32 $0xFFFFEC00  }
0x5e: {  	[spmem:s18] =	stream.linear.scatter [tilespmem:s9], [sflag:$0x2], $0x1400, $0x38;
	[tilespmem:$0x1DD00] =	vst v63  }
0x5f: {  	_ =	swait.ge [sflag:s10], $0x1400  }
0x60: {  	[sflag:s10] =	ssyncset.done $0x0  }
0x61: {  	s19 =	rddreg [dreg:$0x10];
	[sflag:s10] =	ssyncadd.s32 $0xFFFFEC00  }
0x62: {  	[spmem:s19] =	stream.linear.scatter [tilespmem:s9], [sflag:$0x2], $0x1400, $0x38;
	[tilespmem:$0x1DD00] =	vst v63  }
0x63: {  	_ =	swait.ge [sflag:s10], $0x1400  }
0x64: {  	[sflag:s10] =	ssyncset.done $0x0  }
0x65: {  	s20 =	rddreg [dreg:$0x11];
	[sflag:s10] =	ssyncadd.s32 $0xFFFFEC00  }
0x66: {  	[spmem:s20] =	stream.linear.scatter [tilespmem:s9], [sflag:$0x2], $0x1400, $0x38;
	[tilespmem:$0x1DD00] =	vst v63  }
0x67: {  	_ =	swait.ge [sflag:s10], $0x1400  }
0x68: {  	[sflag:s10] =	ssyncset.done $0x0  }
0x69: {  	s25 =	rddreg [dreg:$0x12];
	[sflag:s10] =	ssyncadd.s32 $0xFFFFEC00  }
0x6a: {  	[spmem:s25] =	stream.linear.scatter [tilespmem:s9], [sflag:$0x2], $0x1400, $0x38;
	[tilespmem:$0x1DD00] =	vst v63  }
0x6b: {  	_ =	swait.ge [sflag:s10], $0x1400  }
0x6c: {  	[sflag:s10] =	ssyncset.done $0x0  }
0x6d: {  	[sflag:s10] =	ssyncadd.s32 $0xFFFFEC00  }
0x6e: {  	[spmem:s26] =	stream.linear.scatter [tilespmem:s9], [sflag:$0x2], $0x1400, $0x38;
	[tilespmem:$0x1DD00] =	vst v63  }
0x6f: {  	_ =	swait.ge [sflag:s10], $0x1400  }
0x70: {  	[sflag:s10] =	ssyncset.done $0x0  }
0x71: {  	[sflag:s10] =	ssyncadd.s32 $0xFFFFEC00  }
0x72: {  	[spmem:s28] =	stream.linear.scatter [tilespmem:s9], [sflag:$0x2], $0x1400, $0x38;
	[tilespmem:$0x1DD00] =	vst v63  }
0x73: {  	_ =	swait.ge [sflag:s10], $0x1400  }
0x74: {  	[sflag:s10] =	ssyncset.done $0x0  }
0x75: {  	[sflag:s10] =	ssyncadd.s32 $0xFFFFEC00  }
0x76: {  	[spmem:s29] =	stream.linear.scatter [tilespmem:s9], [sflag:$0x2], $0x1400, $0x38;
	[tilespmem:$0x1DD00] =	vst v63  }
0x77: {  	_ =	swait.ge [sflag:s10], $0x1400  }
0x78: {  	[sflag:s10] =	ssyncset.done $0x0  }
0x79: {  	[sflag:s10] =	ssyncadd.s32 $0xFFFFEC00  }
0x7a: {  	[spmem:s30] =	stream.linear.scatter [tilespmem:s9], [sflag:$0x2], $0x1400, $0x38;
	[tilespmem:$0x1DD00] =	vst v63  }
0x7b: {  	_ =	swait.ge [sflag:s10], $0x1400  }
0x7c: {  	[sflag:s10] =	ssyncset.done $0x0  }
0x7d: {  	[sflag:s10] =	ssyncadd.s32 $0xFFFFEC00  }
0x7e: {  	[spmem:s31] =	stream.linear.scatter [tilespmem:s9], [sflag:$0x2], $0x1400, $0x38;
	[tilespmem:$0x1DD00] =	vst v63  }
0x7f: {  	_ =	swait.ge [sflag:s10], $0x1400  }
0x80: {  	[sflag:s10] =	ssyncset.done $0x0  }
0x81: {  	[sflag:s10] =	ssyncadd.s32 $0xFFFFEC00  }
0x82: {  	[spmem:s0] =	stream.linear.scatter [tilespmem:s9], [sflag:$0x2], $0x1400, $0x38;
	[tilespmem:$0x1DD00] =	vst v63  }
0x83: {  	_ =	swait.ge [sflag:s10], $0x1400  }
0x84: {  	[sflag:s10] =	ssyncset.done $0x0  }
0x85: {  	[sflag:s10] =	ssyncadd.s32 $0xFFFFEC00  }
0x86: {  	[spmem:s5] =	stream.linear.scatter [tilespmem:s9], [sflag:$0x2], $0x1400, $0x38;
	[tilespmem:$0x1DD00] =	vst v63  }
0x87: {  	_ =	swait.ge [sflag:s10], $0x1400  }
0x88: {  	[sflag:s10] =	ssyncset.done $0x0  }
0x89: {  	[sflag:s10] =	ssyncadd.s32 $0xFFFFEC00  }
0x8a: {  	[spmem:s7] =	stream.linear.scatter [tilespmem:s9], [sflag:$0x2], $0x1400, $0x38;
	[tilespmem:$0x1DD00] =	vst v63  }
0x8b: {  	_ =	swait.ge [sflag:s10], $0x1400  }
0x8c: {  	[sflag:s10] =	ssyncset.done $0x0  }
.Ltmp2:
0x8d: {  	[sflag:s10] =	ssyncadd.s32 $0xFFFFEC00;
	(pc) =	sbr.rel .LBB2_6-.Ltmp2, $4  }
0x8e: {  	[spmem:s8] =	stream.linear.scatter [tilespmem:s9], [sflag:$0x2], $0x1400, $0x38;
	[tilespmem:$0x1DD00] =	vst v63  }
0x8f: {  	_ =	swait.ge [sflag:s10], $0x1400  }
0x90: {  	[sflag:s10] =	ssyncset.done $0x0  }
0x91: {  	[sflag:s10] =	ssyncadd.s32 $0xFFFFEC00  }
.LBB2_5:
0x92: {  	s17 =	simm.s32 @!p1 $0x1C900;
	s18 =	rddreg [dreg:$0x3]  }
0x93: {  	[spmem:s18] =	stream.linear.scatter @!p1 [tilespmem:s17], [sflag:$0x2], $0x800, $0x38;
	[tilespmem:$0x1DD00] =	vst v63  }
0x94: {  	s17 =	simm.s32 @!p1 $0x2  }
0x95: {  	_ =	swait.ge @!p1 [sflag:s17], $0x800  }
0x96: {  	[sflag:s17] =	ssyncset.done @!p1 $0x0  }
0x97: {  	[sflag:s17] =	ssyncadd.s32 @!p1 $0xFFFFF800  }
.LBB2_6:
0x98: {  	[tilespmem:s11], [sflag:$0x2] =	stream.linear.gather [hbm4b:s22+s3], $0x2800, $0x38;
	[tilespmem:$0x1DD00] =	vst v63  }
0x99: {  	_ =	swait.ge [sflag:s10], $0x2800  }
0x9a: {  	[sflag:s10] =	ssyncset.done $0x0  }
0x9b: {  	[sflag:s10] =	ssyncadd.s32 $0xFFFFD800  }
0x9c: {  	[tilespmem:s12], [sflag:$0x2] =	stream.linear.gather [hbm4b:s21+s3], $0x2800, $0x38;
	[tilespmem:$0x1DD00] =	vst v63  }
0x9d: {  	_ =	swait.ge [sflag:s10], $0x2800  }
0x9e: {  	[sflag:s10] =	ssyncset.done $0x0  }
0x9f: {  	s17 =	simm.s32 $0x70;
	[sflag:s10] =	ssyncadd.s32 $0xFFFFD800  }
0xa0: {  	v4 =	vld [tilespmem:s17+$0x13890]  }
0xa1: {  	v6 =	vld [tilespmem:s17+$0x138A0]  }
0xa2: {  	v5 =	vld [tilespmem:s17+$0x138B0]  }
0xa3: {  	v3 =	vld [tilespmem:s17+$0x138C0]  }
0xa4: {  	v2 =	vld [tilespmem:s17+$0x138D0]  }
0xa5: {  	v7 =	vadd.s32 v0, v4;
	v4 =	vld [tilespmem:s17+$0x138E0]  }
0xa6: {  	s18 =	simm.s32 $0x3C0;
	[tilespmem:s17+$0x13890] =	vst v7;
	v7 =	vadd.s32 v0, v6;
	v6 =	vld [tilespmem:s17+$0x138F0]  }
.LBB2_7:
0xa7: {  	s19 =	sshra.s32 s18, $0x2;
	p2 =	sne.s32 s18, $0x9FC0;
	[tilespmem:s17+$0x138A0] =	vst v7;
	v5 =	vadd.s32 v0, v5;
	v7 =	vld [tilespmem:s17+$0x13900]  }
0xa8: {  	v8 =	vld [tilespmem:s19+$0x13890];
	[tilespmem:s17+$0x138B0] =	vst v5;
	v3 =	vadd.s32 v0, v3  }
0xa9: {  	v9 =	vld [tilespmem:s19+$0x138A0];
	[tilespmem:s17+$0x138C0] =	vst v3;
	v2 =	vadd.s32 v0, v2  }
.Ltmp3:
0xaa: {  	v5 =	vld [tilespmem:s19+$0x138B0];
	[tilespmem:s17+$0x138D0] =	vst v2;
	v2 =	vadd.s32 v0, v4;
	(pc) =	sbr.rel @p2 .LBB2_7-.Ltmp3, $4  }
0xab: {  	v3 =	vld [tilespmem:s19+$0x138C0];
	[tilespmem:s17+$0x138E0] =	vst v2;
	v4 =	vadd.s32 v0, v6  }
0xac: {  	v2 =	vld [tilespmem:s19+$0x138D0];
	[tilespmem:s17+$0x138F0] =	vst v4;
	v6 =	vadd.s32 v0, v7  }
0xad: {  	v7 =	vadd.s32 v0, v8;
	v4 =	vld [tilespmem:s19+$0x138E0];
	[tilespmem:s17+$0x13900] =	vst v6;
	s17 =	smov.u32 s19  }
0xae: {  	s18 =	sadd.s32 $0x200, s18;
	[tilespmem:s17+$0x13890] =	vst v7;
	v7 =	vadd.s32 v0, v9;
	v6 =	vld [tilespmem:s17+$0x138F0]  }
0xaf: {  	[tilespmem:s17+$0x138A0] =	vst v7;
	v5 =	vadd.s32 v0, v5;
	v63 =	vld [tilespmem:s17+$0x13900]  }
0xb0: {  	[tilespmem:s17+$0x138B0] =	vst v5;
	v3 =	vadd.s32 v0, v3  }
0xb1: {  	[tilespmem:s17+$0x138C0] =	vst v3;
	v2 =	vadd.s32 v0, v2  }
0xb2: {  	[tilespmem:s17+$0x138D0] =	vst v2;
	v2 =	vadd.s32 v0, v4  }
0xb3: {  	[tilespmem:s17+$0x138E0] =	vst v2;
	v2 =	vadd.s32 v0, v6  }
0xb4: {  	[tilespmem:s17+$0x138F0] =	vst v2;
	v2 =	vadd.s32 v0, v63  }
0xb5: {  	[tilespmem:s17+$0x13900] =	vst v2  }
0xb6: {  	s20 =	simm.s32 $0x13900;
	[bflag:$0x0] =	sbarrier.arrive $0xFFFF  }
0xb7: {  	[tilespmem:s14], [sflag:$0x1] =	stream.indirect.gather [hbm4b:s4+s13], $0x80, s20, s13, $0xb8;
	[tilespmem:$0x1DD00] =	vst v63  }
0xb8: {  	_ =	swait.ge [sflag:s15], $0x4000  }
0xb9: {  	[sflag:s15] =	ssyncset.done $0x0  }
0xba: {  	s25 =	simm.s32 $0x16100;
	[sflag:s15] =	ssyncadd.s32 $0xFFFFC000  }
0xbb: {  	[spmem:s1] =	stream.indirect.scatter.add.f32 [tilespmem:s14], [sflag:$0x2], $0x80, s25, s13, $0xb8;
	[tilespmem:$0x1DD00] =	vst v63  }
0xbc: {  	_ =	swait.ge [sflag:s10], $0x4000  }
0xbd: {  	s18 =	simm.s32 $0x400;
	s17 =	simm.s32 $0x80;
	[sflag:s10] =	ssyncset.done $0x0  }
.LBB2_9:
0xbe: {  	s19 =	sadd.s32 $0x13900, s17  }
0xbf: {  	[sflag:s10] =	ssyncadd.s32 $0xFFFFC000;
	s20 =	smov.u32 s18;
	s25 =	sadd.s32 $0x200, s18  }
0xc0: {  	[tilespmem:s14], [sflag:$0x1] =	stream.indirect.gather [hbm4b:s4+s13], $0x80, s19, s13, $0xb8;
	[tilespmem:$0x1DD00] =	vst v63  }
0xc1: {  	p2 =	sne.s32 s18, $0x9E00;
	_ =	swait.ge [sflag:s15], $0x4000  }
.Ltmp4:
0xc2: {  	[sflag:s15] =	ssyncset.done $0x0;
	(pc) =	sbr.rel @p2 .LBB2_9-.Ltmp4, $4  }
0xc3: {  	s17 =	sadd.s32 $0x16100, s17;
	[sflag:s15] =	ssyncadd.s32 $0xFFFFC000  }
0xc4: {  	[spmem:s1] =	stream.indirect.scatter.add.f32 [tilespmem:s14], [sflag:$0x2], $0x80, s17, s13, $0xb8;
	[tilespmem:$0x1DD00] =	vst v63  }
0xc5: {  	_ =	swait.ge [sflag:s10], $0x4000  }
0xc6: {  	s18 =	smov.u32 s25;
	s17 =	sshra.s32 s20, $0x2;
	[sflag:s10] =	ssyncset.done $0x0  }
0xc7: {  	s18 =	sadd.s32 $0x13900, s17;
	[sflag:s10] =	ssyncadd.s32 $0xFFFFC000  }
0xc8: {  	[tilespmem:s14], [sflag:$0x1] =	stream.indirect.gather [hbm4b:s4+s13], $0x80, s18, s13, $0xb8;
	[tilespmem:$0x1DD00] =	vst v63  }
0xc9: {  	_ =	swait.ge [sflag:s15], $0x4000  }
0xca: {  	[sflag:s15] =	ssyncset.done $0x0  }
0xcb: {  	s25 =	sadd.s32 $0x16100, s17;
	[sflag:s15] =	ssyncadd.s32 $0xFFFFC000  }
0xcc: {  	[spmem:s1] =	stream.indirect.scatter.add.f32 [tilespmem:s14], [sflag:$0x2], $0x80, s25, s13, $0xb8;
	[tilespmem:$0x1DD00] =	vst v63  }
0xcd: {  	_ =	swait.ge [sflag:s10], $0x4000  }
0xce: {  	s17 =	sshll.u32 @!p0 s2, $0x6;
	[sflag:s10] =	ssyncset.done $0x0  }
0xcf: {  	s16 =	sadd.s32 $0x1, s16;
	s17 =	sor.u32 @!p0 $0x1C02, s17;
	[sflag:s10] =	ssyncadd.s32 $0xFFFFC000  }
0xd0: {  	s18 =	sshrl.u32 @!p0 s6, $0x3;
	p2 =	sne.s32 s16, s24;
	[bflag:$0x0] =	sbarrier.arrive $0xFFFF  }
0xd1: {  	[hbm:s23], [sflag:s17] =	dma.local @!p0 [spmem:s18], $0x3E80  }
.Ltmp5:
0xd2: {  	_ = 	snop;
	(pc) =	sbr.rel @p2 .LBB2_1-.Ltmp5, $4  }
0xd3: {  	s17 =	simm.s32 @!p0 $0x2  }
0xd4: {  	_ =	swait.ge @!p0 [sflag:s17], $0x3E80  }
0xd5: {  	[sflag:s17] =	ssyncset.done @!p0 $0x0  }
0xd6: {  	[sflag:s17] =	ssyncadd.s32 @!p0 $0xFFFFC180  }
0xd7: {  	_ =	sfence.sel $0x180000  }
0xd8: {  	[bflag:$0x0] =	sbarrier.arrive $0xFFFF  }
0xd9: {  	_ =	strace $0x9000004A  }
0xda: {  	[bflag:$0x2] =	sbarrier.arrive $0xFFFF  }
0xdb: {  	p0 =	sne.s32 s2, $0x0;
	s0 =	rddreg [dreg:$0x2]  }
0xdc: {  	s0 =	sadd.s32 @!p0 $0x100000, s0  }
0xdd: {  	[sflag:s0] =	ssyncadd.tile.s32 @!p0 $0x1;
	_ =	shalt  }
.Lfunc_end2:
_tile_overlayer_lowered:
.L_overlay_start_2:
0xde: {  	(tag) =	ssettag $0x2  }
0xdf: {  	s0 =	rddreg [dreg:$0x0];
	s2 =	stileid.u32  }
0xe0: {  	s1 =	rddreg [dreg:$0x1];
	p0 =	sne.s32 s2, $0x0  }
0xe1: {  	s3 =	rddreg [dreg:$0x2];
	[bflag:$0x3] =	sbarrier.arrive $0xFFFF;
	s2 =	simm.s32 @!p0 $0x1C02  }
0xe2: {  	[timem:s3], [sflag:s2] =	dma.local @!p0 [hbm:s0], s1  }
0xe3: {  	s0 =	simm.s32 @!p0 $0x2  }
0xe4: {  	_ =	swait.ge @!p0 [sflag:s0], s1  }
0xe5: {  	s1 =	ssub.s32 @!p0 $0x0, s1;
	[sflag:s0] =	ssyncset.done @!p0 $0x0  }
0xe6: {  	[sflag:s0] =	ssyncadd.s32 @!p0 s1  }
0xe7: {  	[bflag:$0x3] =	sbarrier.arrive $0xFFFF  }
0xe8: {  	_ =	shalt  }

// kernel: kernel.14.cloned.1.call-start
scs
__scs_entry_jumppad:
0x0: {  	(pc) =	sbr.rel $0x88, $3  }
0x1: {  	(tag) =	ssettag $0x0;
	lr =	simm.s32 $0x1  }
0x2: {  	[smem:$0x3F92] =	sst lr;
	_ =	strace $0xD0000000  }
0x3: {  	_ = 	snop  }
0x4: {  	_ = 	snop  }
0x5: {  	_ = 	snop  }
0x6: {  	_ = 	snop  }
0x7: {  	_ = 	snop  }
__scs_overlays_trampoline_lowered:
0x8: {  	[smem:$0x3FA1] =	sst s0  }
0x9: {  	[smem:$0x3FA2] =	sst s1  }
0xa: {  	[smem:$0x3FA3] =	sst s2  }
0xb: {  	[smem:$0x3FA4] =	sst s3  }
0xc: {  	[smem:$0x3FA5] =	sst s4  }
0xd: {  	[smem:$0x3FA6] =	sst s5  }
0xe: {  	[smem:$0x3FA7] =	sst s6  }
0xf: {  	[smem:$0x3FA8] =	sst s7  }
0x10: {  	[smem:$0x3FA9] =	sst s8  }
0x11: {  	[smem:$0x3FAA] =	sst s9;
	s0 =	simm.s32 @!p0 $0x0  }
0x12: {  	s1 =	sld [smem:$0x3F90];
	s0 =	simm.s32 @p0 $0x1  }
0x13: {  	[smem:$0x3FAB] =	sst s0;
	s0 =	simm.s32 @!p1 $0x0  }
0x14: {  	s2 =	sld [smem:$0x3F8F];
	s0 =	simm.s32 @p1 $0x1  }
0x15: {  	[smem:$0x3FAC] =	sst s0;
	s0 =	simm.s32 @!p2 $0x0  }
0x16: {  	s3 =	sld [smem:$0x3FDB];
	s0 =	simm.s32 @p2 $0x1  }
0x17: {  	s4 =	simm.s32 $0x1BF5;
	[smem:$0x3FAE] =	sst s0  }
0x18: {  	s0 =	sld [smem:$0x3F91];
	_ =	swait.ge [sflag:s4], $0x0  }
0x19: {  	s7 =	sld [smem:$0x3F92]  }
0x1a: {  	s8 =	sadd.s32 $0xFFFFE003, lr  }
0x1b: {  	s9 =	sadd.s32 $0xFFFFFEF7, lr;
	s5 =	simm.s32 $0xFFFFFFFF;
	p2 =	slt.u32 s8, $0xFFFFF086  }
0x1c: {  	p1 =	slt.u32 s9, $0xF7A;
	s5 =	simm.s32 @!p2 $0x0  }
0x1d: {  	s5 =	simm.s32 @p1 $0x1;
	p0 =	seq.s32 s7, s2  }
0x1e: {  	s7 =	smul.u32 @!p0 $0xF7A, s2;
	p2 =	seq.s32 @!p0 s5, $0x0  }
0x1f: {  	s9 =	smul.u32 $0xF7A, s1;
	s8 =	simm.s32 @!p0 $0x1BF5;
	p2 =	por !p2, p0  }
0x20: {  	[sflag:s8] =	ssyncset.s32 @!p0 $0xFFFFF086;
	s6 =	sadd.s32 @!p0 s3, s7;
	s7 =	simm.s32 @!p0 $0x108  }
0x21: {  	s3 =	sadd.s32 s3, s9;
	s6 =	sadd.s32 @!p0 $0x88, s6;
	s7 =	simm.s32 @p2 $0x1082  }
0x22: {  	[simem:s7], [sflag:s8] =	dma.local @!p0 [hbm:s6], $0xF7A  }
0x23: {  	s9 =	sor.u32 $0xD0000000, s2;
	s6 =	simm.s32 $0x108;
	_ =	swait.ge @!p0 [sflag:s8], $0x0  }
0x24: {  	s3 =	sadd.s32 $0x88, s3;
	s6 =	simm.s32 @!p1 $0x1082;
	[sflag:s4] =	ssyncset.s32 $0xFFFFF086  }
0x25: {  	[simem:s6], [sflag:s4] =	dma.local [hbm:s3], $0xF7A  }
0x26: {  	[smem:$0x3F92] =	sst s1;
	(tag) =	ssettag s2;
	_ =	strace s9  }
0x27: {  	s1 =	sld [smem:$0x3FA2]  }
0x28: {  	s2 =	sld [smem:$0x3FA3]  }
0x29: {  	s4 =	sld [smem:$0x3FA5]  }
0x2a: {  	p0 =	seq.s32 s5, $0x0;
	s5 =	sld [smem:$0x3FA6]  }
0x2b: {  	s6 =	sld [smem:$0x3FA7]  }
0x2c: {  	s7 =	sld [smem:$0x3FA8]  }
0x2d: {  	s3 =	simm.s32 $0x108;
	s8 =	sld [smem:$0x3FA9]  }
0x2e: {  	s3 =	simm.s32 @!p0 $0x1082;
	s9 =	sld [smem:$0x3FAA]  }
0x2f: {  	lr =	sadd.s32 s0, s3;
	s0 =	sld [smem:$0x3FA1]  }
0x30: {  	s3 =	sld [smem:$0x3FA4]  }
0x31: {  	[smem:$0x3FAD] =	sst s10  }
0x32: {  	s10 =	sld [smem:$0x3FAB];
	_ =	sdelay $0x3  }
0x33: {  	p0 =	seq.s32 s10, $0x1;
	s10 =	sld [smem:$0x3FAD];
	_ =	sdelay $0x3  }
0x34: {  	[smem:$0x3FAD] =	sst s10  }
0x35: {  	s10 =	sld [smem:$0x3FAC];
	_ =	sdelay $0x3  }
0x36: {  	p1 =	seq.s32 s10, $0x1;
	s10 =	sld [smem:$0x3FAD];
	_ =	sdelay $0x3  }
0x37: {  	[smem:$0x3FAD] =	sst s10  }
0x38: {  	s10 =	sld [smem:$0x3FAE]  }
0x39: {  	_ = 	snop;
	(pc) =	sbr.ind lr, $3  }
0x3a: {  	_ = 	snop  }
0x3b: {  	_ = 	snop  }
0x3c: {  	p2 =	seq.s32 s10, $0x1;
	s10 =	sld [smem:$0x3FAD]  }
0x3d: {  	_ =	shalt  }
0x3e: {  	_ =	shalt  }
0x3f: {  	_ =	shalt  }
0x40: {  	_ =	shalt  }
0x41: {  	_ =	shalt  }
0x42: {  	_ =	shalt  }
0x43: {  	_ =	shalt  }
0x44: {  	_ =	shalt  }
0x45: {  	_ =	shalt  }
0x46: {  	_ =	shalt  }
0x47: {  	_ =	shalt  }
0x48: {  	_ =	shalt  }
0x49: {  	_ =	shalt  }
0x4a: {  	_ =	shalt  }
0x4b: {  	_ =	shalt  }
0x4c: {  	_ =	shalt  }
0x4d: {  	_ =	shalt  }
0x4e: {  	_ =	shalt  }
0x4f: {  	_ =	shalt  }
0x50: {  	_ =	shalt  }
0x51: {  	_ =	shalt  }
0x52: {  	_ =	shalt  }
0x53: {  	_ =	shalt  }
0x54: {  	_ =	shalt  }
0x55: {  	_ =	shalt  }
0x56: {  	_ =	shalt  }
0x57: {  	_ =	shalt  }
0x58: {  	_ =	shalt  }
0x59: {  	_ =	shalt  }
0x5a: {  	_ =	shalt  }
0x5b: {  	_ =	shalt  }
0x5c: {  	_ =	shalt  }
0x5d: {  	_ =	shalt  }
0x5e: {  	_ =	shalt  }
0x5f: {  	_ =	shalt  }
0x60: {  	_ =	shalt  }
0x61: {  	_ =	shalt  }
0x62: {  	_ =	shalt  }
0x63: {  	_ =	shalt  }
0x64: {  	_ =	shalt  }
0x65: {  	_ =	shalt  }
0x66: {  	_ =	shalt  }
0x67: {  	_ =	shalt  }
0x68: {  	_ =	shalt  }
0x69: {  	_ =	shalt  }
0x6a: {  	_ =	shalt  }
0x6b: {  	_ =	shalt  }
0x6c: {  	_ =	shalt  }
0x6d: {  	_ =	shalt  }
0x6e: {  	_ =	shalt  }
0x6f: {  	_ =	shalt  }
0x70: {  	_ =	shalt  }
0x71: {  	_ =	shalt  }
0x72: {  	_ =	shalt  }
0x73: {  	_ =	shalt  }
0x74: {  	_ =	shalt  }
0x75: {  	_ =	shalt  }
0x76: {  	_ =	shalt  }
0x77: {  	_ =	shalt  }
0x78: {  	_ =	shalt  }
0x79: {  	_ =	shalt  }
0x7a: {  	_ =	shalt  }
0x7b: {  	_ =	shalt  }
0x7c: {  	_ =	shalt  }
0x7d: {  	_ =	shalt  }
0x7e: {  	_ =	shalt  }
0x7f: {  	_ =	shalt  }
0x80: {  	_ =	shalt  }
0x81: {  	_ =	shalt  }
0x82: {  	_ =	shalt  }
0x83: {  	_ =	shalt  }
0x84: {  	_ =	shalt  }
0x85: {  	_ =	shalt  }
0x86: {  	_ =	shalt  }
0x87: {  	_ =	shalt  }
.Lfunc_end0:
.L_simem_size_0:
called_computation.2_lowered:
.L_overlay_start_0:
0x88: {  	s2 =	sld [smem:$0x3FD9]  }
0x89: {  	s3 =	sld [smem:$0x3FFE];
	_ =	sdelay $0x1  }
0x8a: {  	s1 =	srdreg.scid  }
0x8b: {  	s0 =	sand.u32 $0x1, s1  }
0x8c: {  	s16 =	sshll.u32 s0, $0xA;
	s2 =	sadd.s32 s3, s2  }
0x8d: {  	s2 =	sadd.s32 s2, s16  }
0x8e: {  	[smem:$0x3FB9] =	sst s2  }
0x8f: {  	_ = 	snop  }
0x90: {  	(tm) =	ssettm $0x1  }
0x91: {  	s17 =	sld [smem:$0x3FFB];
	_ =	sdelay $0x3  }
0x92: {  	_ =	strace s17  }
0x93: {  	s2 =	sld [smem:$0x3FFC];
	_ =	sdelay $0x3  }
0x94: {  	_ =	strace s2  }
0x95: {  	s2 =	sld [smem:$0x3FFD];
	_ =	sdelay $0x3  }
0x96: {  	_ =	strace s2  }
0x97: {  	_ =	strace $0x8FFFFFFF  }
0x98: {  	s18 =	sld [smem:$0x3FDB];
	_ =	sdelay $0x1  }
0x99: {  	s19 =	simm.s32 $_scs_section_size  }
0x9a: {  	s4 =	simm.s32 $_size__tile_overlayer_lowered;
	s5 =	simm.s32 $_tile_overlayer_lowered  }
0x9b: {  	s22 =	simm.s32 $0x1BFF;
	s21 =	sshll.u32 s5, $0x1;
	s2 =	sadd.s32 s19, s18  }
0x9c: {  	s6 =	simm.s32 $0x0;
	s20 =	sshll.u32 s4, $0x1;
	s4 =	sadd.s32 s21, s2  }
0x9d: {  	[timem:s6], [sflag:s22] =	dma.local [hbm:s4], s20  }
0x9e: {  	_ =	swait.ge [sflag:s22], s20  }
0x9f: {  	s3 =	ssub.s32 $0x0, s20;
	[sflag:s22] =	ssyncset.done $0x0  }
0xa0: {  	[sflag:s22] =	ssyncadd.s32 s3;
	_ =	sdelay $0x1  }
0xa1: {  	s23 =	simm.s32 $0x1B8B  }
0xa2: {  	_ =	swait.ge [sflag:s23], $0x1  }
0xa3: {  	[sflag:s23] =	ssyncset.done $0x0  }
0xa4: {  	s25 =	simm.s32 $0x1B8E;
	s24 =	sld [smem:$0x3FFE];
	[sflag:s23] =	ssyncadd.s32 $0xFFFFFFFF  }
0xa5: {  	s26 =	simm.s32 $execute0_lowered;
	[smem:$0x3FD2] =	sst s25  }
0xa6: {  	s4 =	sshll.u32 s26, $0x1;
	_ =	strace $0x8000004C;
	[dreg:$0x1] =	wrdreg $0xFFFFFFFF  }
0xa7: {  	s28 =	simm.s32 $_size_execute0_lowered;
	s2 =	sadd.s32 s2, s4;
	[dreg:$0x0] =	wrdreg $0x0  }
0xa8: {  	s4 =	sshll.u32 s28, $0x1;
	[dreg:$0x2] =	wrdreg s2  }
0xa9: {  	[dreg:$0x3] =	wrdreg s4  }
0xaa: {  	[dreg:$0x4] =	wrdreg $0xC0  }
0xab: {  	_ =	task [dreg:s6], $0x5FFFF  }
0xac: {  	[dreg:$0x1] =	wrdreg $0xFFFFFFFF  }
0xad: {  	[dreg:$0x0] =	wrdreg $0x60  }
0xae: {  	[dreg:$0x2] =	wrdreg s24  }
0xaf: {  	[dreg:$0x3] =	wrdreg $0x0  }
0xb0: {  	[dreg:$0x4] =	wrdreg $0x9  }
0xb1: {  	_ =	task.clear_ibuf [dreg:s6], $0x5FFFF;
	_ =	strace $0x9000004C  }
0xb2: {  	s29 =	simm.s32 $0x9;
	_ =	strace $0x8000004E  }
0xb3: {  	_ =	swait.ge [sflag:s29], $0x1  }
0xb4: {  	[sflag:s29] =	ssyncadd.s32 $0xFFFFFFFF  }
0xb5: {  	_ =	strace $0x9000004E  }
0xb6: {  	_ =	sfence  }
0xb7: {  	s30 =	sld [smem:$0x0];
	_ =	sdelay $0x2  }
0xb8: {  	s31 =	sshll.u32 s1, $0xD;
	s1 =	sshrl.u32 s1, $0x2  }
0xb9: {  	s3 =	sand.u32 $0x4000, s31;
	s1 =	sadd.s32 s1, s30  }
0xba: {  	s0 =	sor.u32 s3, s0;
	s1 =	sshll.u32 s1, $0x11  }
0xbb: {  	s0 =	sor.u32 s1, s0  }
0xbc: {  	s0 =	sadd.s32 $0x8F2B, s0  }
0xbd: {  	[sflag:s0] =	ssyncadd.remote.s32 $0x1  }
0xbe: {  	_ =	sfence.sel $0xFFFF  }
0xbf: {  	[dreg:$0x0] =	wrdreg $0xFFFFFFFF;
	(pc) =	sbr.abs _section_cstart, $3  }
0xc0: {  	[dreg:$0x1] =	wrdreg $0xFFFFFFFF  }
0xc1: {  	_ =	task.clear_ibuf [dreg:s6], $0x2FFFF;
	_ =	strace $0x9FFFFFFF  }
0xc2: {  	(tm) =	ssettm $0x7FFFFFFF  }
0xc3: {  	_ =	shalt  }
tec
execute0_lowered:
.L_overlay_start_1:
0x0: {  	(tag) =	ssettag $0x1  }
0x1: {  	s2 =	srdreg.scid  }
0x2: {  	s0 =	rddreg [dreg:$0x0];
	s5 =	sand.u32 $0x1, s2  }
0x3: {  	s2 =	stileid.u32;
	s6 =	smul.u32 $0x138800, s5  }
0x4: {  	s1 =	rddreg [dreg:$0x1];
	s3 =	simm.s32 $0x0;
	s7 =	smul.u32 $0x1F400, s2  }
0x5: {  	[smem:$0x7FF] =	sst s3;
	s10 =	smul.u32 $0x7D000, s2  }
0x6: {  	s4 =	sadd.s32 $0x11200, s0;
	s8 =	smul.u32 $0x500, s2;
	s6 =	sadd.s32 s7, s6  }
0x7: {  	s12 =	sadd.s32 $0x138800, s1;
	s7 =	sshrl.u32 s10, $0x2;
	s6 =	sshrl.u32 s6, $0x3  }
0x8: {  	s8 =	sadd.s32 s8, s0;
	s0 =	sadd.s32 s6, s0;
	s6 =	sadd.s32 s7, s1  }
0x9: {  	_ =	strace $0x8000004D;
	[dreg:$0x3] =	wrdreg s12;
	s7 =	sadd.s32 $0x1400, s6  }
0xa: {  	s13 =	sadd.s32 $0x2800, s6;
	[dreg:$0x4] =	wrdreg s7  }
0xb: {  	s9 =	ssub.s32 $0x2, s5;
	s14 =	sadd.s32 $0x3C00, s6;
	[dreg:$0x5] =	wrdreg s13  }
0xc: {  	p0 =	sgt.u32 s2, $0x9;
	s15 =	sadd.s32 $0x5000, s6;
	[dreg:$0x6] =	wrdreg s14  }
0xd: {  	p1 =	sne.s32 s2, $0xA;
	s16 =	sadd.s32 $0x6400, s6;
	[dreg:$0x7] =	wrdreg s15  }
0xe: {  	s12 =	simm.s32 $0x16100;
	s17 =	sadd.s32 $0x7800, s6;
	[dreg:$0x8] =	wrdreg s16  }
0xf: {  	s11 =	sshrl.u32 s9, $0x1;
	s18 =	sadd.s32 $0x8C00, s6;
	[dreg:$0x9] =	wrdreg s17  }
0x10: {  	s9 =	ssub.s32 s9, s11;
	s19 =	sadd.s32 $0xA000, s6;
	[dreg:$0xa] =	wrdreg s18  }
0x11: {  	s10 =	simm.s32 $0x2;
	s20 =	sadd.s32 $0xB400, s6;
	[dreg:$0xb] =	wrdreg s19  }
0x12: {  	s11 =	simm.s32 $0x13900;
	s21 =	sadd.s32 $0xC800, s6;
	[dreg:$0xc] =	wrdreg s20  }
0x13: {  	s22 =	sadd.s32 $0xDC00, s6;
	s23 =	sadd.s32 $0xF000, s6;
	[dreg:$0xd] =	wrdreg s21  }
0x14: {  	s24 =	sadd.s32 $0x10400, s6;
	s25 =	sadd.s32 $0x11800, s6;
	[dreg:$0xe] =	wrdreg s22  }
0x15: {  	s26 =	sadd.s32 $0x12C00, s6;
	s28 =	sadd.s32 $0x15400, s6;
	[dreg:$0xf] =	wrdreg s23  }
0x16: {  	s29 =	sadd.s32 $0x16800, s6;
	s30 =	sadd.s32 $0x17C00, s6;
	[dreg:$0x10] =	wrdreg s24  }
0x17: {  	s31 =	sadd.s32 $0x19000, s6;
	[dreg:$0x11] =	wrdreg s25;
	s21 =	sadd.s32 $0x282200, s8  }
0x18: {  	s22 =	sadd.s32 $0xC200, s8;
	s14 =	smul.u32 $0x13880, s5;
	s23 =	sadd.s32 $0x287200, s0  }
0x19: {  	s24 =	smax.u32 s9, $0x1;
	[dreg:$0x12] =	wrdreg s26;
	s26 =	sadd.s32 $0x14000, s6  }
0x1a: {  	s0 =	sadd.s32 $0x1A400, s6;
	s5 =	sadd.s32 $0x1B800, s6;
	s7 =	sadd.s32 $0x1CC00, s6  }
0x1b: {  	s8 =	sadd.s32 $0x1E000, s6;
	s9 =	simm.s32 $0x1C900;
	s13 =	simm.s32 $0x80  }
0x1c: {  	v1 =	vimm.f32 $0.0e+00;
	s15 =	simm.s32 $0x1;
	s16 =	simm.s32 $0x0;
	v0 =	vmov s14;
	s14 =	simm.s32 $0x18900  }
.LBB2_1:
0x1d: {  	s17 =	simm.s32 $0x70;
	s18 =	simm.s32 $0x3C0  }
.LBB2_2:
0x1e: {  	p2 =	sne.s32 s18, $0x4FC0;
	[tilespmem:s17+$0x1C900] =	vst v1  }
0x1f: {  	[tilespmem:s17+$0x1C890] =	vst v1  }
0x20: {  	[tilespmem:s17+$0x1C8A0] =	vst v1  }
.Ltmp0:
0x21: {  	[tilespmem:s17+$0x1C8B0] =	vst v1;
	(pc) =	sbr.rel @p2 .LBB2_2-.Ltmp0, $4  }
0x22: {  	[tilespmem:s17+$0x1C8C0] =	vst v1  }
0x23: {  	[tilespmem:s17+$0x1C8D0] =	vst v1  }
0x24: {  	[tilespmem:s17+$0x1C8E0] =	vst v1  }
0x25: {  	[tilespmem:s17+$0x1C8F0] =	vst v1;
	s17 =	sshra.s32 s18, $0x2;
	s18 =	sadd.s32 $0x200, s18  }
0x26: {  	[tilespmem:s17+$0x1C900] =	vst v1  }
0x27: {  	[tilespmem:s17+$0x1C890] =	vst v1  }
0x28: {  	[tilespmem:s17+$0x1C8A0] =	vst v1  }
.Ltmp1:
0x29: {  	[tilespmem:s17+$0x1C8B0] =	vst v1;
	(pc) =	sbr.rel @p0 .LBB2_5-.Ltmp1, $4  }
0x2a: {  	[tilespmem:s17+$0x1C8C0] =	vst v1  }
0x2b: {  	[tilespmem:s17+$0x1C8D0] =	vst v1  }
0x2c: {  	[tilespmem:s17+$0x1C8E0] =	vst v1  }
0x2d: {  	[tilespmem:s17+$0x1C8F0] =	vst v1  }
0x2e: {  	[spmem:s6] =	stream.linear.scatter [tilespmem:s9], [sflag:$0x2], $0x1400, $0x38;
	[tilespmem:$0x1DD00] =	vst v63  }
0x2f: {  	_ =	swait.ge [sflag:s10], $0x1400  }
0x30: {  	[sflag:s10] =	ssyncset.done $0x0  }
0x31: {  	s17 =	rddreg [dreg:$0x4];
	[sflag:s10] =	ssyncadd.s32 $0xFFFFEC00  }
0x32: {  	[spmem:s17] =	stream.linear.scatter [tilespmem:s9], [sflag:$0x2], $0x1400, $0x38;
	[tilespmem:$0x1DD00] =	vst v63  }
0x33: {  	_ =	swait.ge [sflag:s10], $0x1400  }
0x34: {  	[sflag:s10] =	ssyncset.done $0x0  }
0x35: {  	s20 =	rddreg [dreg:$0x5];
	[sflag:s10] =	ssyncadd.s32 $0xFFFFEC00  }
0x36: {  	[spmem:s20] =	stream.linear.scatter [tilespmem:s9], [sflag:$0x2], $0x1400, $0x38;
	[tilespmem:$0x1DD00] =	vst v63  }
0x37: {  	_ =	swait.ge [sflag:s10], $0x1400  }
0x38: {  	[sflag:s10] =	ssyncset.done $0x0  }
0x39: {  	s25 =	rddreg [dreg:$0x6];
	[sflag:s10] =	ssyncadd.s32 $0xFFFFEC00  }
0x3a: {  	[spmem:s25] =	stream.linear.scatter [tilespmem:s9], [sflag:$0x2], $0x1400, $0x38;
	[tilespmem:$0x1DD00] =	vst v63  }
0x3b: {  	_ =	swait.ge [sflag:s10], $0x1400  }
0x3c: {  	[sflag:s10] =	ssyncset.done $0x0  }
0x3d: {  	s18 =	rddreg [dreg:$0x7];
	[sflag:s10] =	ssyncadd.s32 $0xFFFFEC00  }
0x3e: {  	[spmem:s18] =	stream.linear.scatter [tilespmem:s9], [sflag:$0x2], $0x1400, $0x38;
	[tilespmem:$0x1DD00] =	vst v63  }
0x3f: {  	_ =	swait.ge [sflag:s10], $0x1400  }
0x40: {  	[sflag:s10] =	ssyncset.done $0x0  }
0x41: {  	s19 =	rddreg [dreg:$0x8];
	[sflag:s10] =	ssyncadd.s32 $0xFFFFEC00  }
0x42: {  	[spmem:s19] =	stream.linear.scatter [tilespmem:s9], [sflag:$0x2], $0x1400, $0x38;
	[tilespmem:$0x1DD00] =	vst v63  }
0x43: {  	_ =	swait.ge [sflag:s10], $0x1400  }
0x44: {  	[sflag:s10] =	ssyncset.done $0x0  }
0x45: {  	s20 =	rddreg [dreg:$0x9];
	[sflag:s10] =	ssyncadd.s32 $0xFFFFEC00  }
0x46: {  	[spmem:s20] =	stream.linear.scatter [tilespmem:s9], [sflag:$0x2], $0x1400, $0x38;
	[tilespmem:$0x1DD00] =	vst v63  }
0x47: {  	_ =	swait.ge [sflag:s10], $0x1400  }
0x48: {  	[sflag:s10] =	ssyncset.done $0x0  }
0x49: {  	s25 =	rddreg [dreg:$0xa];
	[sflag:s10] =	ssyncadd.s32 $0xFFFFEC00  }
0x4a: {  	[spmem:s25] =	stream.linear.scatter [tilespmem:s9], [sflag:$0x2], $0x1400, $0x38;
	[tilespmem:$0x1DD00] =	vst v63  }
0x4b: {  	_ =	swait.ge [sflag:s10], $0x1400  }
0x4c: {  	[sflag:s10] =	ssyncset.done $0x0  }
0x4d: {  	s18 =	rddreg [dreg:$0xb];
	[sflag:s10] =	ssyncadd.s32 $0xFFFFEC00  }
0x4e: {  	[spmem:s18] =	stream.linear.scatter [tilespmem:s9], [sflag:$0x2], $0x1400, $0x38;
	[tilespmem:$0x1DD00] =	vst v63  }
0x4f: {  	_ =	swait.ge [sflag:s10], $0x1400  }
0x50: {  	[sflag:s10] =	ssyncset.done $0x0  }
0x51: {  	s19 =	rddreg [dreg:$0xc];
	[sflag:s10] =	ssyncadd.s32 $0xFFFFEC00  }
0x52: {  	[spmem:s19] =	stream.linear.scatter [tilespmem:s9], [sflag:$0x2], $0x1400, $0x38;
	[tilespmem:$0x1DD00] =	vst v63  }
0x53: {  	_ =	swait.ge [sflag:s10], $0x1400  }
0x54: {  	[sflag:s10] =	ssyncset.done $0x0  }
0x55: {  	s20 =	rddreg [dreg:$0xd];
	[sflag:s10] =	ssyncadd.s32 $0xFFFFEC00  }
0x56: {  	[spmem:s20] =	stream.linear.scatter [tilespmem:s9], [sflag:$0x2], $0x1400, $0x38;
	[tilespmem:$0x1DD00] =	vst v63  }
0x57: {  	_ =	swait.ge [sflag:s10], $0x1400  }
0x58: {  	[sflag:s10] =	ssyncset.done $0x0  }
0x59: {  	s25 =	rddreg [dreg:$0xe];
	[sflag:s10] =	ssyncadd.s32 $0xFFFFEC00  }
0x5a: {  	[spmem:s25] =	stream.linear.scatter [tilespmem:s9], [sflag:$0x2], $0x1400, $0x38;
	[tilespmem:$0x1DD00] =	vst v63  }
0x5b: {  	_ =	swait.ge [sflag:s10], $0x1400  }
0x5c: {  	[sflag:s10] =	ssyncset.done $0x0  }
0x5d: {  	s18 =	rddreg [dreg:$0xf];
	[sflag:s10] =	ssyncadd.s32 $0xFFFFEC00  }
0x5e: {  	[spmem:s18] =	stream.linear.scatter [tilespmem:s9], [sflag:$0x2], $0x1400, $0x38;
	[tilespmem:$0x1DD00] =	vst v63  }
0x5f: {  	_ =	swait.ge [sflag:s10], $0x1400  }
0x60: {  	[sflag:s10] =	ssyncset.done $0x0  }
0x61: {  	s19 =	rddreg [dreg:$0x10];
	[sflag:s10] =	ssyncadd.s32 $0xFFFFEC00  }
0x62: {  	[spmem:s19] =	stream.linear.scatter [tilespmem:s9], [sflag:$0x2], $0x1400, $0x38;
	[tilespmem:$0x1DD00] =	vst v63  }
0x63: {  	_ =	swait.ge [sflag:s10], $0x1400  }
0x64: {  	[sflag:s10] =	ssyncset.done $0x0  }
0x65: {  	s20 =	rddreg [dreg:$0x11];
	[sflag:s10] =	ssyncadd.s32 $0xFFFFEC00  }
0x66: {  	[spmem:s20] =	stream.linear.scatter [tilespmem:s9], [sflag:$0x2], $0x1400, $0x38;
	[tilespmem:$0x1DD00] =	vst v63  }
0x67: {  	_ =	swait.ge [sflag:s10], $0x1400  }
0x68: {  	[sflag:s10] =	ssyncset.done $0x0  }
0x69: {  	s25 =	rddreg [dreg:$0x12];
	[sflag:s10] =	ssyncadd.s32 $0xFFFFEC00  }
0x6a: {  	[spmem:s25] =	stream.linear.scatter [tilespmem:s9], [sflag:$0x2], $0x1400, $0x38;
	[tilespmem:$0x1DD00] =	vst v63  }
0x6b: {  	_ =	swait.ge [sflag:s10], $0x1400  }
0x6c: {  	[sflag:s10] =	ssyncset.done $0x0  }
0x6d: {  	[sflag:s10] =	ssyncadd.s32 $0xFFFFEC00  }
0x6e: {  	[spmem:s26] =	stream.linear.scatter [tilespmem:s9], [sflag:$0x2], $0x1400, $0x38;
	[tilespmem:$0x1DD00] =	vst v63  }
0x6f: {  	_ =	swait.ge [sflag:s10], $0x1400  }
0x70: {  	[sflag:s10] =	ssyncset.done $0x0  }
0x71: {  	[sflag:s10] =	ssyncadd.s32 $0xFFFFEC00  }
0x72: {  	[spmem:s28] =	stream.linear.scatter [tilespmem:s9], [sflag:$0x2], $0x1400, $0x38;
	[tilespmem:$0x1DD00] =	vst v63  }
0x73: {  	_ =	swait.ge [sflag:s10], $0x1400  }
0x74: {  	[sflag:s10] =	ssyncset.done $0x0  }
0x75: {  	[sflag:s10] =	ssyncadd.s32 $0xFFFFEC00  }
0x76: {  	[spmem:s29] =	stream.linear.scatter [tilespmem:s9], [sflag:$0x2], $0x1400, $0x38;
	[tilespmem:$0x1DD00] =	vst v63  }
0x77: {  	_ =	swait.ge [sflag:s10], $0x1400  }
0x78: {  	[sflag:s10] =	ssyncset.done $0x0  }
0x79: {  	[sflag:s10] =	ssyncadd.s32 $0xFFFFEC00  }
0x7a: {  	[spmem:s30] =	stream.linear.scatter [tilespmem:s9], [sflag:$0x2], $0x1400, $0x38;
	[tilespmem:$0x1DD00] =	vst v63  }
0x7b: {  	_ =	swait.ge [sflag:s10], $0x1400  }
0x7c: {  	[sflag:s10] =	ssyncset.done $0x0  }
0x7d: {  	[sflag:s10] =	ssyncadd.s32 $0xFFFFEC00  }
0x7e: {  	[spmem:s31] =	stream.linear.scatter [tilespmem:s9], [sflag:$0x2], $0x1400, $0x38;
	[tilespmem:$0x1DD00] =	vst v63  }
0x7f: {  	_ =	swait.ge [sflag:s10], $0x1400  }
0x80: {  	[sflag:s10] =	ssyncset.done $0x0  }
0x81: {  	[sflag:s10] =	ssyncadd.s32 $0xFFFFEC00  }
0x82: {  	[spmem:s0] =	stream.linear.scatter [tilespmem:s9], [sflag:$0x2], $0x1400, $0x38;
	[tilespmem:$0x1DD00] =	vst v63  }
0x83: {  	_ =	swait.ge [sflag:s10], $0x1400  }
0x84: {  	[sflag:s10] =	ssyncset.done $0x0  }
0x85: {  	[sflag:s10] =	ssyncadd.s32 $0xFFFFEC00  }
0x86: {  	[spmem:s5] =	stream.linear.scatter [tilespmem:s9], [sflag:$0x2], $0x1400, $0x38;
	[tilespmem:$0x1DD00] =	vst v63  }
0x87: {  	_ =	swait.ge [sflag:s10], $0x1400  }
0x88: {  	[sflag:s10] =	ssyncset.done $0x0  }
0x89: {  	[sflag:s10] =	ssyncadd.s32 $0xFFFFEC00  }
0x8a: {  	[spmem:s7] =	stream.linear.scatter [tilespmem:s9], [sflag:$0x2], $0x1400, $0x38;
	[tilespmem:$0x1DD00] =	vst v63  }
0x8b: {  	_ =	swait.ge [sflag:s10], $0x1400  }
0x8c: {  	[sflag:s10] =	ssyncset.done $0x0  }
.Ltmp2:
0x8d: {  	[sflag:s10] =	ssyncadd.s32 $0xFFFFEC00;
	(pc) =	sbr.rel .LBB2_6-.Ltmp2, $4  }
0x8e: {  	[spmem:s8] =	stream.linear.scatter [tilespmem:s9], [sflag:$0x2], $0x1400, $0x38;
	[tilespmem:$0x1DD00] =	vst v63  }
0x8f: {  	_ =	swait.ge [sflag:s10], $0x1400  }
0x90: {  	[sflag:s10] =	ssyncset.done $0x0  }
0x91: {  	[sflag:s10] =	ssyncadd.s32 $0xFFFFEC00  }
.LBB2_5:
0x92: {  	s17 =	simm.s32 @!p1 $0x1C900;
	s18 =	rddreg [dreg:$0x3]  }
0x93: {  	[spmem:s18] =	stream.linear.scatter @!p1 [tilespmem:s17], [sflag:$0x2], $0x800, $0x38;
	[tilespmem:$0x1DD00] =	vst v63  }
0x94: {  	s17 =	simm.s32 @!p1 $0x2  }
0x95: {  	_ =	swait.ge @!p1 [sflag:s17], $0x800  }
0x96: {  	[sflag:s17] =	ssyncset.done @!p1 $0x0  }
0x97: {  	[sflag:s17] =	ssyncadd.s32 @!p1 $0xFFFFF800  }
.LBB2_6:
0x98: {  	[tilespmem:s11], [sflag:$0x2] =	stream.linear.gather [hbm4b:s22+s3], $0x2800, $0x38;
	[tilespmem:$0x1DD00] =	vst v63  }
0x99: {  	_ =	swait.ge [sflag:s10], $0x2800  }
0x9a: {  	[sflag:s10] =	ssyncset.done $0x0  }
0x9b: {  	[sflag:s10] =	ssyncadd.s32 $0xFFFFD800  }
0x9c: {  	[tilespmem:s12], [sflag:$0x2] =	stream.linear.gather [hbm4b:s21+s3], $0x2800, $0x38;
	[tilespmem:$0x1DD00] =	vst v63  }
0x9d: {  	_ =	swait.ge [sflag:s10], $0x2800  }
0x9e: {  	[sflag:s10] =	ssyncset.done $0x0  }
0x9f: {  	s17 =	simm.s32 $0x70;
	[sflag:s10] =	ssyncadd.s32 $0xFFFFD800  }
0xa0: {  	v4 =	vld [tilespmem:s17+$0x13890]  }
0xa1: {  	v6 =	vld [tilespmem:s17+$0x138A0]  }
0xa2: {  	v5 =	vld [tilespmem:s17+$0x138B0]  }
0xa3: {  	v3 =	vld [tilespmem:s17+$0x138C0]  }
0xa4: {  	v2 =	vld [tilespmem:s17+$0x138D0]  }
0xa5: {  	v7 =	vadd.s32 v0, v4;
	v4 =	vld [tilespmem:s17+$0x138E0]  }
0xa6: {  	s18 =	simm.s32 $0x3C0;
	[tilespmem:s17+$0x13890] =	vst v7;
	v7 =	vadd.s32 v0, v6;
	v6 =	vld [tilespmem:s17+$0x138F0]  }
.LBB2_7:
0xa7: {  	s19 =	sshra.s32 s18, $0x2;
	p2 =	sne.s32 s18, $0x9FC0;
	[tilespmem:s17+$0x138A0] =	vst v7;
	v5 =	vadd.s32 v0, v5;
	v7 =	vld [tilespmem:s17+$0x13900]  }
0xa8: {  	v8 =	vld [tilespmem:s19+$0x13890];
	[tilespmem:s17+$0x138B0] =	vst v5;
	v3 =	vadd.s32 v0, v3  }
0xa9: {  	v9 =	vld [tilespmem:s19+$0x138A0];
	[tilespmem:s17+$0x138C0] =	vst v3;
	v2 =	vadd.s32 v0, v2  }
.Ltmp3:
0xaa: {  	v5 =	vld [tilespmem:s19+$0x138B0];
	[tilespmem:s17+$0x138D0] =	vst v2;
	v2 =	vadd.s32 v0, v4;
	(pc) =	sbr.rel @p2 .LBB2_7-.Ltmp3, $4  }
0xab: {  	v3 =	vld [tilespmem:s19+$0x138C0];
	[tilespmem:s17+$0x138E0] =	vst v2;
	v4 =	vadd.s32 v0, v6  }
0xac: {  	v2 =	vld [tilespmem:s19+$0x138D0];
	[tilespmem:s17+$0x138F0] =	vst v4;
	v6 =	vadd.s32 v0, v7  }
0xad: {  	v7 =	vadd.s32 v0, v8;
	v4 =	vld [tilespmem:s19+$0x138E0];
	[tilespmem:s17+$0x13900] =	vst v6;
	s17 =	smov.u32 s19  }
0xae: {  	s18 =	sadd.s32 $0x200, s18;
	[tilespmem:s17+$0x13890] =	vst v7;
	v7 =	vadd.s32 v0, v9;
	v6 =	vld [tilespmem:s17+$0x138F0]  }
0xaf: {  	[tilespmem:s17+$0x138A0] =	vst v7;
	v5 =	vadd.s32 v0, v5;
	v63 =	vld [tilespmem:s17+$0x13900]  }
0xb0: {  	[tilespmem:s17+$0x138B0] =	vst v5;
	v3 =	vadd.s32 v0, v3  }
0xb1: {  	[tilespmem:s17+$0x138C0] =	vst v3;
	v2 =	vadd.s32 v0, v2  }
0xb2: {  	[tilespmem:s17+$0x138D0] =	vst v2;
	v2 =	vadd.s32 v0, v4  }
0xb3: {  	[tilespmem:s17+$0x138E0] =	vst v2;
	v2 =	vadd.s32 v0, v6  }
0xb4: {  	[tilespmem:s17+$0x138F0] =	vst v2;
	v2 =	vadd.s32 v0, v63  }
0xb5: {  	[tilespmem:s17+$0x13900] =	vst v2  }
0xb6: {  	s20 =	simm.s32 $0x13900;
	[bflag:$0x0] =	sbarrier.arrive $0xFFFF  }
0xb7: {  	[tilespmem:s14], [sflag:$0x1] =	stream.indirect.gather [hbm4b:s4+s13], $0x80, s20, s13, $0xb8;
	[tilespmem:$0x1DD00] =	vst v63  }
0xb8: {  	_ =	swait.ge [sflag:s15], $0x4000  }
0xb9: {  	[sflag:s15] =	ssyncset.done $0x0  }
0xba: {  	s25 =	simm.s32 $0x16100;
	[sflag:s15] =	ssyncadd.s32 $0xFFFFC000  }
0xbb: {  	[spmem:s1] =	stream.indirect.scatter.add.f32 [tilespmem:s14], [sflag:$0x2], $0x80, s25, s13, $0xb8;
	[tilespmem:$0x1DD00] =	vst v63  }
0xbc: {  	_ =	swait.ge [sflag:s10], $0x4000  }
0xbd: {  	s18 =	simm.s32 $0x400;
	s17 =	simm.s32 $0x80;
	[sflag:s10] =	ssyncset.done $0x0  }
.LBB2_9:
0xbe: {  	s19 =	sadd.s32 $0x13900, s17  }
0xbf: {  	[sflag:s10] =	ssyncadd.s32 $0xFFFFC000;
	s20 =	smov.u32 s18;
	s25 =	sadd.s32 $0x200, s18  }
0xc0: {  	[tilespmem:s14], [sflag:$0x1] =	stream.indirect.gather [hbm4b:s4+s13], $0x80, s19, s13, $0xb8;
	[tilespmem:$0x1DD00] =	vst v63  }
0xc1: {  	p2 =	sne.s32 s18, $0x9E00;
	_ =	swait.ge [sflag:s15], $0x4000  }
.Ltmp4:
0xc2: {  	[sflag:s15] =	ssyncset.done $0x0;
	(pc) =	sbr.rel @p2 .LBB2_9-.Ltmp4, $4  }
0xc3: {  	s17 =	sadd.s32 $0x16100, s17;
	[sflag:s15] =	ssyncadd.s32 $0xFFFFC000  }
0xc4: {  	[spmem:s1] =	stream.indirect.scatter.add.f32 [tilespmem:s14], [sflag:$0x2], $0x80, s17, s13, $0xb8;
	[tilespmem:$0x1DD00] =	vst v63  }
0xc5: {  	_ =	swait.ge [sflag:s10], $0x4000  }
0xc6: {  	s18 =	smov.u32 s25;
	s17 =	sshra.s32 s20, $0x2;
	[sflag:s10] =	ssyncset.done $0x0  }
0xc7: {  	s18 =	sadd.s32 $0x13900, s17;
	[sflag:s10] =	ssyncadd.s32 $0xFFFFC000  }
0xc8: {  	[tilespmem:s14], [sflag:$0x1] =	stream.indirect.gather [hbm4b:s4+s13], $0x80, s18, s13, $0xb8;
	[tilespmem:$0x1DD00] =	vst v63  }
0xc9: {  	_ =	swait.ge [sflag:s15], $0x4000  }
0xca: {  	[sflag:s15] =	ssyncset.done $0x0  }
0xcb: {  	s25 =	sadd.s32 $0x16100, s17;
	[sflag:s15] =	ssyncadd.s32 $0xFFFFC000  }
0xcc: {  	[spmem:s1] =	stream.indirect.scatter.add.f32 [tilespmem:s14], [sflag:$0x2], $0x80, s25, s13, $0xb8;
	[tilespmem:$0x1DD00] =	vst v63  }
0xcd: {  	_ =	swait.ge [sflag:s10], $0x4000  }
0xce: {  	s17 =	sshll.u32 @!p0 s2, $0x6;
	[sflag:s10] =	ssyncset.done $0x0  }
0xcf: {  	s16 =	sadd.s32 $0x1, s16;
	s17 =	sor.u32 @!p0 $0x1C02, s17;
	[sflag:s10] =	ssyncadd.s32 $0xFFFFC000  }
0xd0: {  	s18 =	sshrl.u32 @!p0 s6, $0x3;
	p2 =	sne.s32 s16, s24;
	[bflag:$0x0] =	sbarrier.arrive $0xFFFF  }
0xd1: {  	[hbm:s23], [sflag:s17] =	dma.local @!p0 [spmem:s18], $0x3E80  }
.Ltmp5:
0xd2: {  	_ = 	snop;
	(pc) =	sbr.rel @p2 .LBB2_1-.Ltmp5, $4  }
0xd3: {  	s17 =	simm.s32 @!p0 $0x2  }
0xd4: {  	_ =	swait.ge @!p0 [sflag:s17], $0x3E80  }
0xd5: {  	[sflag:s17] =	ssyncset.done @!p0 $0x0  }
0xd6: {  	[sflag:s17] =	ssyncadd.s32 @!p0 $0xFFFFC180  }
0xd7: {  	_ =	sfence.sel $0x180000  }
0xd8: {  	[bflag:$0x0] =	sbarrier.arrive $0xFFFF  }
0xd9: {  	_ =	strace $0x9000004D  }
0xda: {  	[bflag:$0x2] =	sbarrier.arrive $0xFFFF  }
0xdb: {  	p0 =	sne.s32 s2, $0x0;
	s0 =	rddreg [dreg:$0x2]  }
0xdc: {  	s0 =	sadd.s32 @!p0 $0x100000, s0  }
0xdd: {  	[sflag:s0] =	ssyncadd.tile.s32 @!p0 $0x1;
	_ =	shalt  }
.Lfunc_end2:
_tile_overlayer_lowered:
.L_overlay_start_2:
0xde: {  	(tag) =	ssettag $0x2  }
0xdf: {  	s0 =	rddreg [dreg:$0x0];
	s2 =	stileid.u32  }
0xe0: {  	s1 =	rddreg [dreg:$0x1];
	p0 =	sne.s32 s2, $0x0  }
0xe1: {  	s3 =	rddreg [dreg:$0x2];
	[bflag:$0x3] =	sbarrier.arrive $0xFFFF;
	s2 =	simm.s32 @!p0 $0x1C02  }
0xe2: {  	[timem:s3], [sflag:s2] =	dma.local @!p0 [hbm:s0], s1  }
0xe3: {  	s0 =	simm.s32 @!p0 $0x2  }
0xe4: {  	_ =	swait.ge @!p0 [sflag:s0], s1  }
0xe5: {  	s1 =	ssub.s32 @!p0 $0x0, s1;
	[sflag:s0] =	ssyncset.done @!p0 $0x0  }
0xe6: {  	[sflag:s0] =	ssyncadd.s32 @!p0 s1  }
0xe7: {  	[bflag:$0x3] =	sbarrier.arrive $0xFFFF  }
0xe8: {  	_ =	shalt  }

// kernel: kernel.8.cloned.1.call-start
scs
__scs_entry_jumppad:
0x0: {  	(pc) =	sbr.rel $0x88, $3  }
0x1: {  	(tag) =	ssettag $0x0;
	lr =	simm.s32 $0x1  }
0x2: {  	[smem:$0x3F92] =	sst lr;
	_ =	strace $0xD0000000  }
0x3: {  	_ = 	snop  }
0x4: {  	_ = 	snop  }
0x5: {  	_ = 	snop  }
0x6: {  	_ = 	snop  }
0x7: {  	_ = 	snop  }
__scs_overlays_trampoline_lowered:
0x8: {  	[smem:$0x3FA1] =	sst s0  }
0x9: {  	[smem:$0x3FA2] =	sst s1  }
0xa: {  	[smem:$0x3FA3] =	sst s2  }
0xb: {  	[smem:$0x3FA4] =	sst s3  }
0xc: {  	[smem:$0x3FA5] =	sst s4  }
0xd: {  	[smem:$0x3FA6] =	sst s5  }
0xe: {  	[smem:$0x3FA7] =	sst s6  }
0xf: {  	[smem:$0x3FA8] =	sst s7  }
0x10: {  	[smem:$0x3FA9] =	sst s8  }
0x11: {  	[smem:$0x3FAA] =	sst s9;
	s0 =	simm.s32 @!p0 $0x0  }
0x12: {  	s1 =	sld [smem:$0x3F90];
	s0 =	simm.s32 @p0 $0x1  }
0x13: {  	[smem:$0x3FAB] =	sst s0;
	s0 =	simm.s32 @!p1 $0x0  }
0x14: {  	s2 =	sld [smem:$0x3F8F];
	s0 =	simm.s32 @p1 $0x1  }
0x15: {  	[smem:$0x3FAC] =	sst s0;
	s0 =	simm.s32 @!p2 $0x0  }
0x16: {  	s3 =	sld [smem:$0x3FDB];
	s0 =	simm.s32 @p2 $0x1  }
0x17: {  	s4 =	simm.s32 $0x1BF5;
	[smem:$0x3FAE] =	sst s0  }
0x18: {  	s0 =	sld [smem:$0x3F91];
	_ =	swait.ge [sflag:s4], $0x0  }
0x19: {  	s7 =	sld [smem:$0x3F92]  }
0x1a: {  	s8 =	sadd.s32 $0xFFFFE003, lr  }
0x1b: {  	s9 =	sadd.s32 $0xFFFFFEF7, lr;
	s5 =	simm.s32 $0xFFFFFFFF;
	p2 =	slt.u32 s8, $0xFFFFF086  }
0x1c: {  	p1 =	slt.u32 s9, $0xF7A;
	s5 =	simm.s32 @!p2 $0x0  }
0x1d: {  	s5 =	simm.s32 @p1 $0x1;
	p0 =	seq.s32 s7, s2  }
0x1e: {  	s7 =	smul.u32 @!p0 $0xF7A, s2;
	p2 =	seq.s32 @!p0 s5, $0x0  }
0x1f: {  	s9 =	smul.u32 $0xF7A, s1;
	s8 =	simm.s32 @!p0 $0x1BF5;
	p2 =	por !p2, p0  }
0x20: {  	[sflag:s8] =	ssyncset.s32 @!p0 $0xFFFFF086;
	s6 =	sadd.s32 @!p0 s3, s7;
	s7 =	simm.s32 @!p0 $0x108  }
0x21: {  	s3 =	sadd.s32 s3, s9;
	s6 =	sadd.s32 @!p0 $0x88, s6;
	s7 =	simm.s32 @p2 $0x1082  }
0x22: {  	[simem:s7], [sflag:s8] =	dma.local @!p0 [hbm:s6], $0xF7A  }
0x23: {  	s9 =	sor.u32 $0xD0000000, s2;
	s6 =	simm.s32 $0x108;
	_ =	swait.ge @!p0 [sflag:s8], $0x0  }
0x24: {  	s3 =	sadd.s32 $0x88, s3;
	s6 =	simm.s32 @!p1 $0x1082;
	[sflag:s4] =	ssyncset.s32 $0xFFFFF086  }
0x25: {  	[simem:s6], [sflag:s4] =	dma.local [hbm:s3], $0xF7A  }
0x26: {  	[smem:$0x3F92] =	sst s1;
	(tag) =	ssettag s2;
	_ =	strace s9  }
0x27: {  	s1 =	sld [smem:$0x3FA2]  }
0x28: {  	s2 =	sld [smem:$0x3FA3]  }
0x29: {  	s4 =	sld [smem:$0x3FA5]  }
0x2a: {  	p0 =	seq.s32 s5, $0x0;
	s5 =	sld [smem:$0x3FA6]  }
0x2b: {  	s6 =	sld [smem:$0x3FA7]  }
0x2c: {  	s7 =	sld [smem:$0x3FA8]  }
0x2d: {  	s3 =	simm.s32 $0x108;
	s8 =	sld [smem:$0x3FA9]  }
0x2e: {  	s3 =	simm.s32 @!p0 $0x1082;
	s9 =	sld [smem:$0x3FAA]  }
0x2f: {  	lr =	sadd.s32 s0, s3;
	s0 =	sld [smem:$0x3FA1]  }
0x30: {  	s3 =	sld [smem:$0x3FA4]  }
0x31: {  	[smem:$0x3FAD] =	sst s10  }
0x32: {  	s10 =	sld [smem:$0x3FAB];
	_ =	sdelay $0x3  }
0x33: {  	p0 =	seq.s32 s10, $0x1;
	s10 =	sld [smem:$0x3FAD];
	_ =	sdelay $0x3  }
0x34: {  	[smem:$0x3FAD] =	sst s10  }
0x35: {  	s10 =	sld [smem:$0x3FAC];
	_ =	sdelay $0x3  }
0x36: {  	p1 =	seq.s32 s10, $0x1;
	s10 =	sld [smem:$0x3FAD];
	_ =	sdelay $0x3  }
0x37: {  	[smem:$0x3FAD] =	sst s10  }
0x38: {  	s10 =	sld [smem:$0x3FAE]  }
0x39: {  	_ = 	snop;
	(pc) =	sbr.ind lr, $3  }
0x3a: {  	_ = 	snop  }
0x3b: {  	_ = 	snop  }
0x3c: {  	p2 =	seq.s32 s10, $0x1;
	s10 =	sld [smem:$0x3FAD]  }
0x3d: {  	_ =	shalt  }
0x3e: {  	_ =	shalt  }
0x3f: {  	_ =	shalt  }
0x40: {  	_ =	shalt  }
0x41: {  	_ =	shalt  }
0x42: {  	_ =	shalt  }
0x43: {  	_ =	shalt  }
0x44: {  	_ =	shalt  }
0x45: {  	_ =	shalt  }
0x46: {  	_ =	shalt  }
0x47: {  	_ =	shalt  }
0x48: {  	_ =	shalt  }
0x49: {  	_ =	shalt  }
0x4a: {  	_ =	shalt  }
0x4b: {  	_ =	shalt  }
0x4c: {  	_ =	shalt  }
0x4d: {  	_ =	shalt  }
0x4e: {  	_ =	shalt  }
0x4f: {  	_ =	shalt  }
0x50: {  	_ =	shalt  }
0x51: {  	_ =	shalt  }
0x52: {  	_ =	shalt  }
0x53: {  	_ =	shalt  }
0x54: {  	_ =	shalt  }
0x55: {  	_ =	shalt  }
0x56: {  	_ =	shalt  }
0x57: {  	_ =	shalt  }
0x58: {  	_ =	shalt  }
0x59: {  	_ =	shalt  }
0x5a: {  	_ =	shalt  }
0x5b: {  	_ =	shalt  }
0x5c: {  	_ =	shalt  }
0x5d: {  	_ =	shalt  }
0x5e: {  	_ =	shalt  }
0x5f: {  	_ =	shalt  }
0x60: {  	_ =	shalt  }
0x61: {  	_ =	shalt  }
0x62: {  	_ =	shalt  }
0x63: {  	_ =	shalt  }
0x64: {  	_ =	shalt  }
0x65: {  	_ =	shalt  }
0x66: {  	_ =	shalt  }
0x67: {  	_ =	shalt  }
0x68: {  	_ =	shalt  }
0x69: {  	_ =	shalt  }
0x6a: {  	_ =	shalt  }
0x6b: {  	_ =	shalt  }
0x6c: {  	_ =	shalt  }
0x6d: {  	_ =	shalt  }
0x6e: {  	_ =	shalt  }
0x6f: {  	_ =	shalt  }
0x70: {  	_ =	shalt  }
0x71: {  	_ =	shalt  }
0x72: {  	_ =	shalt  }
0x73: {  	_ =	shalt  }
0x74: {  	_ =	shalt  }
0x75: {  	_ =	shalt  }
0x76: {  	_ =	shalt  }
0x77: {  	_ =	shalt  }
0x78: {  	_ =	shalt  }
0x79: {  	_ =	shalt  }
0x7a: {  	_ =	shalt  }
0x7b: {  	_ =	shalt  }
0x7c: {  	_ =	shalt  }
0x7d: {  	_ =	shalt  }
0x7e: {  	_ =	shalt  }
0x7f: {  	_ =	shalt  }
0x80: {  	_ =	shalt  }
0x81: {  	_ =	shalt  }
0x82: {  	_ =	shalt  }
0x83: {  	_ =	shalt  }
0x84: {  	_ =	shalt  }
0x85: {  	_ =	shalt  }
0x86: {  	_ =	shalt  }
0x87: {  	_ =	shalt  }
.Lfunc_end0:
.L_simem_size_0:
called_computation_lowered:
.L_overlay_start_0:
0x88: {  	s2 =	sld [smem:$0x3FD9]  }
0x89: {  	s3 =	sld [smem:$0x3FFE];
	_ =	sdelay $0x1  }
0x8a: {  	s1 =	srdreg.scid  }
0x8b: {  	s0 =	sand.u32 $0x1, s1  }
0x8c: {  	s16 =	sshll.u32 s0, $0xA;
	s2 =	sadd.s32 s3, s2  }
0x8d: {  	s2 =	sadd.s32 s2, s16  }
0x8e: {  	[smem:$0x3FB9] =	sst s2  }
0x8f: {  	_ = 	snop  }
0x90: {  	(tm) =	ssettm $0x1  }
0x91: {  	s17 =	sld [smem:$0x3FFB];
	_ =	sdelay $0x3  }
0x92: {  	_ =	strace s17  }
0x93: {  	s2 =	sld [smem:$0x3FFC];
	_ =	sdelay $0x3  }
0x94: {  	_ =	strace s2  }
0x95: {  	s2 =	sld [smem:$0x3FFD];
	_ =	sdelay $0x3  }
0x96: {  	_ =	strace s2  }
0x97: {  	_ =	strace $0x8FFFFFFF  }
0x98: {  	s18 =	sld [smem:$0x3FDB];
	_ =	sdelay $0x1  }
0x99: {  	s19 =	simm.s32 $_scs_section_size  }
0x9a: {  	s4 =	simm.s32 $_size__tile_overlayer_lowered;
	s5 =	simm.s32 $_tile_overlayer_lowered  }
0x9b: {  	s22 =	simm.s32 $0x1BFF;
	s21 =	sshll.u32 s5, $0x1;
	s2 =	sadd.s32 s19, s18  }
0x9c: {  	s6 =	simm.s32 $0x0;
	s20 =	sshll.u32 s4, $0x1;
	s4 =	sadd.s32 s21, s2  }
0x9d: {  	[timem:s6], [sflag:s22] =	dma.local [hbm:s4], s20  }
0x9e: {  	_ =	swait.ge [sflag:s22], s20  }
0x9f: {  	s3 =	ssub.s32 $0x0, s20;
	[sflag:s22] =	ssyncset.done $0x0  }
0xa0: {  	[sflag:s22] =	ssyncadd.s32 s3;
	_ =	sdelay $0x1  }
0xa1: {  	s23 =	simm.s32 $0x1B8B  }
0xa2: {  	_ =	swait.ge [sflag:s23], $0x1  }
0xa3: {  	[sflag:s23] =	ssyncset.done $0x0  }
0xa4: {  	s25 =	simm.s32 $0x1B8E;
	s24 =	sld [smem:$0x3FFE];
	[sflag:s23] =	ssyncadd.s32 $0xFFFFFFFF  }
0xa5: {  	s26 =	simm.s32 $execute0_lowered;
	[smem:$0x3FD2] =	sst s25  }
0xa6: {  	s4 =	sshll.u32 s26, $0x1;
	_ =	strace $0x80000046;
	[dreg:$0x1] =	wrdreg $0xFFFFFFFF  }
0xa7: {  	s28 =	simm.s32 $_size_execute0_lowered;
	s2 =	sadd.s32 s2, s4;
	[dreg:$0x0] =	wrdreg $0x0  }
0xa8: {  	s4 =	sshll.u32 s28, $0x1;
	[dreg:$0x2] =	wrdreg s2  }
0xa9: {  	[dreg:$0x3] =	wrdreg s4  }
0xaa: {  	[dreg:$0x4] =	wrdreg $0xC0  }
0xab: {  	_ =	task [dreg:s6], $0x5FFFF  }
0xac: {  	[dreg:$0x1] =	wrdreg $0xFFFFFFFF  }
0xad: {  	[dreg:$0x0] =	wrdreg $0x60  }
0xae: {  	[dreg:$0x2] =	wrdreg s24  }
0xaf: {  	[dreg:$0x3] =	wrdreg $0x9  }
0xb0: {  	_ =	task.clear_ibuf [dreg:s6], $0x4FFFF;
	_ =	strace $0x90000046  }
0xb1: {  	s29 =	simm.s32 $0x9;
	_ =	strace $0x80000048  }
0xb2: {  	_ =	swait.ge [sflag:s29], $0x1  }
0xb3: {  	[sflag:s29] =	ssyncadd.s32 $0xFFFFFFFF  }
0xb4: {  	_ =	strace $0x90000048  }
0xb5: {  	_ =	sfence  }
0xb6: {  	s30 =	sld [smem:$0x0];
	_ =	sdelay $0x2  }
0xb7: {  	s31 =	sshll.u32 s1, $0xD;
	s1 =	sshrl.u32 s1, $0x2  }
0xb8: {  	s3 =	sand.u32 $0x4000, s31;
	s1 =	sadd.s32 s1, s30  }
0xb9: {  	s0 =	sor.u32 s3, s0;
	s1 =	sshll.u32 s1, $0x11  }
0xba: {  	s0 =	sor.u32 s1, s0  }
0xbb: {  	s0 =	sadd.s32 $0x8F2B, s0  }
0xbc: {  	[sflag:s0] =	ssyncadd.remote.s32 $0x1  }
0xbd: {  	_ =	sfence.sel $0xFFFF  }
0xbe: {  	[dreg:$0x0] =	wrdreg $0xFFFFFFFF;
	(pc) =	sbr.abs _section_cstart, $3  }
0xbf: {  	[dreg:$0x1] =	wrdreg $0xFFFFFFFF  }
0xc0: {  	_ =	task.clear_ibuf [dreg:s6], $0x2FFFF;
	_ =	strace $0x9FFFFFFF  }
0xc1: {  	(tm) =	ssettm $0x7FFFFFFF  }
tec
execute0_lowered:
.L_overlay_start_1:
0x0: {  	(tag) =	ssettag $0x1  }
0x1: {  	s3 =	rddreg [dreg:$0x0]  }
0x2: {  	s0 =	rddreg [dreg:$0x1];
	s4 =	srdreg.scid  }
0x3: {  	s1 =	stileid.u32;
	s2 =	simm.s32 $0x0;
	s21 =	simm.s32 $0x800  }
0x4: {  	s22 =	simm.s32 $0x0;
	s4 =	sand.u32 $0x1, s4;
	s5 =	sshll.u32 s1, $0x1  }
0x5: {  	[smem:$0x7FF] =	sst s2;
	s5 =	sor.u32 s4, s5;
	s4 =	ssub.s32 $0x2, s4  }
0x6: {  	s15 =	sadd.s32 $0x2200, s3;
	s5 =	smul.u32 $0x1400, s5;
	s6 =	sshrl.u32 s4, $0x1  }
0x7: {  	s16 =	sadd.s32 $0x7200, s3;
	s17 =	sadd.s32 $0xC200, s3;
	s18 =	ssub.s32 s4, s6  }
0x8: {  	_ =	strace $0x80000047;
	s14 =	sshrl.u32 s5, $0x3;
	s18 =	smax.u32 s18, $0x1  }
0x9: {  	s3 =	sadd.s32 s15, s14;
	s4 =	sadd.s32 s16, s14;
	s8 =	sadd.s32 $0x80, s14  }
0xa: {  	s5 =	sadd.s32 s17, s14;
	s11 =	sadd.s32 $0x100, s14;
	s19 =	sadd.s32 $0x180, s14  }
0xb: {  	s20 =	sadd.s32 $0x200, s14;
	s6 =	sadd.s32 s15, s8;
	s7 =	sadd.s32 s16, s8  }
0xc: {  	s8 =	sadd.s32 s17, s8;
	s9 =	sadd.s32 s15, s11;
	s10 =	sadd.s32 s16, s11  }
0xd: {  	s11 =	sadd.s32 s17, s11;
	s12 =	sadd.s32 s15, s19;
	s13 =	sadd.s32 s16, s19  }
0xe: {  	s14 =	sadd.s32 s17, s19;
	s15 =	sadd.s32 s15, s20;
	s16 =	sadd.s32 s16, s20  }
0xf: {  	s17 =	sadd.s32 s17, s20;
	s19 =	simm.s32 $0x1;
	s20 =	simm.s32 $0x400  }
.LBB2_1:
0x10: {  	[tilespmem:s2], [sflag:$0x1] =	stream.linear.gather [hbm4b:s3+s2], $0x400, $0x38;
	[tilespmem:$0xC00] =	vst v63  }
0x11: {  	_ =	swait.ge [sflag:s19], $0x400  }
0x12: {  	[sflag:s19] =	ssyncset.done $0x0  }
0x13: {  	[sflag:s19] =	ssyncadd.s32 $0xFFFFFC00  }
0x14: {  	[tilespmem:s20], [sflag:$0x1] =	stream.linear.gather [hbm4b:s4+s2], $0x400, $0x38;
	[tilespmem:$0xC00] =	vst v63  }
0x15: {  	_ =	swait.ge [sflag:s19], $0x400  }
0x16: {  	[sflag:s19] =	ssyncset.done $0x0  }
0x17: {  	s23 =	simm.s32 $0x0;
	[sflag:s19] =	ssyncadd.s32 $0xFFFFFC00  }
0x18: {  	v0 =	vld [tilespmem:s23+$0x0]  }
0x19: {  	s24 =	simm.s32 $0x40;
	v1 =	vld [tilespmem:s23+$0x400]  }
.LBB2_2:
0x1a: {  	p0 =	sne.s32 s24, $0xFC0  }
.Ltmp0:
0x1b: {  	_ = 	snop;
	(pc) =	sbr.rel @p0 .LBB2_2-.Ltmp0, $4  }
0x1c: {  	_ = 	snop  }
0x1d: {  	s25 =	sshra.s32 s24, $0x2;
	s24 =	sadd.s32 $0x40, s24;
	v2 =	vshll.u32 v0, $0x3  }
0x1e: {  	v0 =	vld [tilespmem:s25+$0x0];
	v2 =	vadd.s32 v1, v2  }
0x1f: {  	v1 =	vld [tilespmem:s25+$0x400];
	[tilespmem:s23+$0x800] =	vst v2;
	s23 =	smov.u32 s25  }
0x20: {  	_ =	sdelay $0x2  }
0x21: {  	v0 =	vshll.u32 v0, $0x3  }
0x22: {  	v0 =	vadd.s32 v1, v0  }
0x23: {  	s31 =	simm.s32 $0x0;
	[tilespmem:s23+$0x800] =	vst v0  }
0x24: {  	[hbm4b:s5+s31] =	stream.linear.scatter [tilespmem:s21], [sflag:$0x1], $0x400, $0x38;
	[tilespmem:$0xC00] =	vst v63  }
0x25: {  	_ =	swait.ge [sflag:s19], $0x400  }
0x26: {  	[sflag:s19] =	ssyncset.done $0x0  }
0x27: {  	[sflag:s19] =	ssyncadd.s32 $0xFFFFFC00  }
0x28: {  	[tilespmem:s31], [sflag:$0x1] =	stream.linear.gather [hbm4b:s6+s31], $0x400, $0x38;
	[tilespmem:$0xC00] =	vst v63  }
0x29: {  	_ =	swait.ge [sflag:s19], $0x400  }
0x2a: {  	[sflag:s19] =	ssyncset.done $0x0  }
0x2b: {  	[sflag:s19] =	ssyncadd.s32 $0xFFFFFC00  }
0x2c: {  	[tilespmem:s20], [sflag:$0x1] =	stream.linear.gather [hbm4b:s7+s31], $0x400, $0x38;
	[tilespmem:$0xC00] =	vst v63  }
0x2d: {  	_ =	swait.ge [sflag:s19], $0x400  }
0x2e: {  	[sflag:s19] =	ssyncset.done $0x0  }
0x2f: {  	s23 =	simm.s32 $0x0;
	[sflag:s19] =	ssyncadd.s32 $0xFFFFFC00  }
0x30: {  	v0 =	vld [tilespmem:s23+$0x0]  }
0x31: {  	s24 =	simm.s32 $0x40;
	v1 =	vld [tilespmem:s23+$0x400]  }
.LBB2_4:
0x32: {  	p0 =	sne.s32 s24, $0xFC0  }
.Ltmp1:
0x33: {  	_ = 	snop;
	(pc) =	sbr.rel @p0 .LBB2_4-.Ltmp1, $4  }
0x34: {  	_ = 	snop  }
0x35: {  	s25 =	sshra.s32 s24, $0x2;
	s24 =	sadd.s32 $0x40, s24;
	v2 =	vshll.u32 v0, $0x3  }
0x36: {  	v0 =	vld [tilespmem:s25+$0x0];
	v2 =	vadd.s32 v1, v2  }
0x37: {  	v1 =	vld [tilespmem:s25+$0x400];
	[tilespmem:s23+$0x800] =	vst v2;
	s23 =	smov.u32 s25  }
0x38: {  	_ =	sdelay $0x2  }
0x39: {  	v0 =	vshll.u32 v0, $0x3  }
0x3a: {  	v0 =	vadd.s32 v1, v0  }
0x3b: {  	s31 =	simm.s32 $0x0;
	[tilespmem:s23+$0x800] =	vst v0  }
0x3c: {  	[hbm4b:s8+s31] =	stream.linear.scatter [tilespmem:s21], [sflag:$0x1], $0x400, $0x38;
	[tilespmem:$0xC00] =	vst v63  }
0x3d: {  	_ =	swait.ge [sflag:s19], $0x400  }
0x3e: {  	[sflag:s19] =	ssyncset.done $0x0  }
0x3f: {  	[sflag:s19] =	ssyncadd.s32 $0xFFFFFC00  }
0x40: {  	[tilespmem:s31], [sflag:$0x1] =	stream.linear.gather [hbm4b:s9+s31], $0x400, $0x38;
	[tilespmem:$0xC00] =	vst v63  }
0x41: {  	_ =	swait.ge [sflag:s19], $0x400  }
0x42: {  	[sflag:s19] =	ssyncset.done $0x0  }
0x43: {  	[sflag:s19] =	ssyncadd.s32 $0xFFFFFC00  }
0x44: {  	[tilespmem:s20], [sflag:$0x1] =	stream.linear.gather [hbm4b:s10+s31], $0x400, $0x38;
	[tilespmem:$0xC00] =	vst v63  }
0x45: {  	_ =	swait.ge [sflag:s19], $0x400  }
0x46: {  	[sflag:s19] =	ssyncset.done $0x0  }
0x47: {  	s23 =	simm.s32 $0x0;
	[sflag:s19] =	ssyncadd.s32 $0xFFFFFC00  }
0x48: {  	v0 =	vld [tilespmem:s23+$0x0]  }
0x49: {  	s24 =	simm.s32 $0x40;
	v1 =	vld [tilespmem:s23+$0x400]  }
.LBB2_6:
0x4a: {  	p0 =	sne.s32 s24, $0xFC0  }
.Ltmp2:
0x4b: {  	_ = 	snop;
	(pc) =	sbr.rel @p0 .LBB2_6-.Ltmp2, $4  }
0x4c: {  	_ = 	snop  }
0x4d: {  	s25 =	sshra.s32 s24, $0x2;
	s24 =	sadd.s32 $0x40, s24;
	v2 =	vshll.u32 v0, $0x3  }
0x4e: {  	v0 =	vld [tilespmem:s25+$0x0];
	v2 =	vadd.s32 v1, v2  }
0x4f: {  	v1 =	vld [tilespmem:s25+$0x400];
	[tilespmem:s23+$0x800] =	vst v2;
	s23 =	smov.u32 s25  }
0x50: {  	_ =	sdelay $0x2  }
0x51: {  	v0 =	vshll.u32 v0, $0x3  }
0x52: {  	v0 =	vadd.s32 v1, v0  }
0x53: {  	s31 =	simm.s32 $0x0;
	[tilespmem:s23+$0x800] =	vst v0  }
0x54: {  	[hbm4b:s11+s31] =	stream.linear.scatter [tilespmem:s21], [sflag:$0x1], $0x400, $0x38;
	[tilespmem:$0xC00] =	vst v63  }
0x55: {  	_ =	swait.ge [sflag:s19], $0x400  }
0x56: {  	[sflag:s19] =	ssyncset.done $0x0  }
0x57: {  	[sflag:s19] =	ssyncadd.s32 $0xFFFFFC00  }
0x58: {  	[tilespmem:s31], [sflag:$0x1] =	stream.linear.gather [hbm4b:s12+s31], $0x400, $0x38;
	[tilespmem:$0xC00] =	vst v63  }
0x59: {  	_ =	swait.ge [sflag:s19], $0x400  }
0x5a: {  	[sflag:s19] =	ssyncset.done $0x0  }
0x5b: {  	[sflag:s19] =	ssyncadd.s32 $0xFFFFFC00  }
0x5c: {  	[tilespmem:s20], [sflag:$0x1] =	stream.linear.gather [hbm4b:s13+s31], $0x400, $0x38;
	[tilespmem:$0xC00] =	vst v63  }
0x5d: {  	_ =	swait.ge [sflag:s19], $0x400  }
0x5e: {  	[sflag:s19] =	ssyncset.done $0x0  }
0x5f: {  	s23 =	simm.s32 $0x0;
	[sflag:s19] =	ssyncadd.s32 $0xFFFFFC00  }
0x60: {  	v0 =	vld [tilespmem:s23+$0x0]  }
0x61: {  	s24 =	simm.s32 $0x40;
	v1 =	vld [tilespmem:s23+$0x400]  }
.LBB2_8:
0x62: {  	p0 =	sne.s32 s24, $0xFC0  }
.Ltmp3:
0x63: {  	_ = 	snop;
	(pc) =	sbr.rel @p0 .LBB2_8-.Ltmp3, $4  }
0x64: {  	_ = 	snop  }
0x65: {  	s25 =	sshra.s32 s24, $0x2;
	s24 =	sadd.s32 $0x40, s24;
	v2 =	vshll.u32 v0, $0x3  }
0x66: {  	v0 =	vld [tilespmem:s25+$0x0];
	v2 =	vadd.s32 v1, v2  }
0x67: {  	v1 =	vld [tilespmem:s25+$0x400];
	[tilespmem:s23+$0x800] =	vst v2;
	s23 =	smov.u32 s25  }
0x68: {  	_ =	sdelay $0x2  }
0x69: {  	v0 =	vshll.u32 v0, $0x3  }
0x6a: {  	v0 =	vadd.s32 v1, v0  }
0x6b: {  	s31 =	simm.s32 $0x0;
	[tilespmem:s23+$0x800] =	vst v0  }
0x6c: {  	[hbm4b:s14+s31] =	stream.linear.scatter [tilespmem:s21], [sflag:$0x1], $0x400, $0x38;
	[tilespmem:$0xC00] =	vst v63  }
0x6d: {  	_ =	swait.ge [sflag:s19], $0x400  }
0x6e: {  	[sflag:s19] =	ssyncset.done $0x0  }
0x6f: {  	[sflag:s19] =	ssyncadd.s32 $0xFFFFFC00  }
0x70: {  	[tilespmem:s31], [sflag:$0x1] =	stream.linear.gather [hbm4b:s15+s31], $0x400, $0x38;
	[tilespmem:$0xC00] =	vst v63  }
0x71: {  	_ =	swait.ge [sflag:s19], $0x400  }
0x72: {  	[sflag:s19] =	ssyncset.done $0x0  }
0x73: {  	[sflag:s19] =	ssyncadd.s32 $0xFFFFFC00  }
0x74: {  	[tilespmem:s20], [sflag:$0x1] =	stream.linear.gather [hbm4b:s16+s31], $0x400, $0x38;
	[tilespmem:$0xC00] =	vst v63  }
0x75: {  	_ =	swait.ge [sflag:s19], $0x400  }
0x76: {  	[sflag:s19] =	ssyncset.done $0x0  }
0x77: {  	s23 =	simm.s32 $0x0;
	[sflag:s19] =	ssyncadd.s32 $0xFFFFFC00  }
0x78: {  	v0 =	vld [tilespmem:s23+$0x0]  }
0x79: {  	s24 =	simm.s32 $0x40;
	v1 =	vld [tilespmem:s23+$0x400]  }
.LBB2_10:
0x7a: {  	p0 =	sne.s32 s24, $0xFC0  }
.Ltmp4:
0x7b: {  	_ = 	snop;
	(pc) =	sbr.rel @p0 .LBB2_10-.Ltmp4, $4  }
0x7c: {  	_ = 	snop  }
0x7d: {  	s25 =	sshra.s32 s24, $0x2;
	s24 =	sadd.s32 $0x40, s24;
	v2 =	vshll.u32 v0, $0x3  }
0x7e: {  	v0 =	vld [tilespmem:s25+$0x0];
	v2 =	vadd.s32 v1, v2  }
0x7f: {  	v1 =	vld [tilespmem:s25+$0x400];
	[tilespmem:s23+$0x800] =	vst v2;
	s23 =	smov.u32 s25  }
0x80: {  	_ =	sdelay $0x2  }
0x81: {  	s22 =	sadd.s32 $0x1, s22;
	v0 =	vshll.u32 v0, $0x3  }
0x82: {  	p0 =	sne.s32 s22, s18;
	v0 =	vadd.s32 v1, v0  }
.Ltmp5:
0x83: {  	[tilespmem:s23+$0x800] =	vst v0;
	(pc) =	sbr.rel @p0 .LBB2_1-.Ltmp5, $4  }
0x84: {  	[hbm4b:s17+s2] =	stream.linear.scatter [tilespmem:s21], [sflag:$0x1], $0x400, $0x38;
	[tilespmem:$0xC00] =	vst v63  }
0x85: {  	_ =	swait.ge [sflag:s19], $0x400  }
0x86: {  	[sflag:s19] =	ssyncset.done $0x0  }
0x87: {  	[sflag:s19] =	ssyncadd.s32 $0xFFFFFC00  }
0x88: {  	_ =	sfence.sel $0x180000  }
0x89: {  	[bflag:$0x0] =	sbarrier.arrive $0xFFFF  }
0x8a: {  	p0 =	sne.s32 s1, $0x0;
	_ =	strace $0x90000047  }
0x8b: {  	s0 =	sadd.s32 @!p0 $0x100000, s0;
	[bflag:$0x2] =	sbarrier.arrive $0xFFFF  }
0x8c: {  	[sflag:s0] =	ssyncadd.tile.s32 @!p0 $0x1;
	_ =	shalt  }
.Lfunc_end2:
_tile_overlayer_lowered:
.L_overlay_start_2:
0x8d: {  	(tag) =	ssettag $0x2  }
0x8e: {  	s0 =	rddreg [dreg:$0x0];
	s2 =	stileid.u32  }
0x8f: {  	s1 =	rddreg [dreg:$0x1];
	p0 =	sne.s32 s2, $0x0  }
0x90: {  	s3 =	rddreg [dreg:$0x2];
	[bflag:$0x3] =	sbarrier.arrive $0xFFFF;
	s2 =	simm.s32 @!p0 $0x1C01  }
0x91: {  	[timem:s3], [sflag:s2] =	dma.local @!p0 [hbm:s0], s1  }
0x92: {  	s0 =	simm.s32 @!p0 $0x1  }
0x93: {  	_ =	swait.ge @!p0 [sflag:s0], s1  }
0x94: {  	s1 =	ssub.s32 @!p0 $0x0, s1;
	[sflag:s0] =	ssyncset.done @!p0 $0x0  }
0x95: {  	[sflag:s0] =	ssyncadd.s32 @!p0 s1  }
0x96: {  	[bflag:$0x3] =	sbarrier.arrive $0xFFFF  }
0x97: {  	_ =	shalt  }

</sc_bundles>
